<compile_context>
chip_gen: v7x
topology: tpu7x:2x2x1
jax: 0.10.2.dev20260603
libtpu: 0.0.44.dev20260713+nightly
codegen_flags: <defaults>
</compile_context>

<pallas_src>
import functools

import jax
import jax.numpy as jnp
from jax import lax
from jax.experimental import pallas as pl
from jax.experimental.pallas import tpu as pltpu
from jax.experimental.pallas import tpu_sc as plsc

T = 8192
D = 2048
E = 64
TOPK = 2
TILE_T = 1024

NW = 32
TPW = T // NW
LANES = 16
GROUPS = TPW // LANES


def _scores_kernel(x_ref, wg_ref, wu_ref, sm_out_ref, wfull_ref):
    @pl.when(pl.program_id(0) == 0)
    def _init():
        wfull_ref[:, :E] = wg_ref[...]
        wfull_ref[:, E:] = wu_ref[...]

    acc = jax.lax.dot_general(
        wfull_ref[...], x_ref[...],
        dimension_numbers=(((0,), (1,)), ((), ())),
        preferred_element_type=jnp.float32,
    )
    gate = acc[:E, :]
    up = acc[E:, :]
    s = jnp.abs(up * gate * jax.nn.sigmoid(gate))
    ex = jnp.exp(jnp.minimum(s, 80.0))
    sm_out_ref[...] = ex / jnp.sum(ex, axis=0, keepdims=True)


def _tc_scores(x, W_gate, W_up):
    return pl.pallas_call(
        _scores_kernel,
        grid=(T // TILE_T,),
        in_specs=[
            pl.BlockSpec((TILE_T, D), lambda i: (i, 0)),
            pl.BlockSpec((D, E), lambda i: (0, 0)),
            pl.BlockSpec((D, E), lambda i: (0, 0)),
        ],
        out_specs=pl.BlockSpec((E, TILE_T), lambda i: (0, i)),
        out_shape=jax.ShapeDtypeStruct((E, T), jnp.float32),
        scratch_shapes=[pltpu.VMEM((D, 2 * E), jnp.float32)],
    )(x, W_gate, W_up)


def _sc_router(sm_hbm, bias_hbm, scale_hbm, w_hbm, i_hbm,
               sm_v, bias_v, scale_v, w_v, i_v):
    wid = lax.axis_index("s") * 2 + lax.axis_index("c")
    base = wid * TPW
    pltpu.sync_copy(sm_hbm.at[:, pl.ds(base, TPW)], sm_v)
    pltpu.sync_copy(bias_hbm, bias_v)
    pltpu.sync_copy(scale_hbm, scale_v)

    neg = jnp.full((LANES,), -jnp.inf, jnp.float32)

    def group(k, carry):
        off = k * LANES
        entries = []
        for e in range(E):
            sm = sm_v[e, pl.ds(off, LANES)]
            val = sm + bias_v[e, :]
            w = 1.0 + sm * scale_v[e, :]
            idx = jnp.full((LANES,), e, jnp.int32)
            entries.append((val, idx, w))

        def tree(items):
            while len(items) > 1:
                nxt = []
                for j in range(0, len(items) - 1, 2):
                    av, ai, aw = items[j]
                    bv, bi, bw = items[j + 1]
                    p = av >= bv
                    nxt.append((jnp.where(p, av, bv),
                                jnp.where(p, ai, bi),
                                jnp.where(p, aw, bw)))
                if len(items) % 2:
                    nxt.append(items[-1])
                items = nxt
            return items[0]

        m1, i1, w1 = tree(entries)
        masked = []
        for e in range(E):
            val, idx, w = entries[e]
            val = jnp.where(i1 == e, neg, val)
            masked.append((val, idx, w))
        m2, i2, w2 = tree(masked)

        w_v[0, pl.ds(off, LANES)] = w1
        w_v[1, pl.ds(off, LANES)] = w2
        i_v[0, pl.ds(off, LANES)] = i1
        i_v[1, pl.ds(off, LANES)] = i2
        return carry

    lax.fori_loop(0, GROUPS, group, 0)

    pltpu.sync_copy(w_v, w_hbm.at[:, pl.ds(base, TPW)])
    pltpu.sync_copy(i_v, i_hbm.at[:, pl.ds(base, TPW)])


_sc_call = pl.kernel(
    _sc_router,
    out_type=[
        jax.ShapeDtypeStruct((TOPK, T), jnp.float32),
        jax.ShapeDtypeStruct((TOPK, T), jnp.int32),
    ],
    mesh=plsc.VectorSubcoreMesh(core_axis_name="c", subcore_axis_name="s"),
    scratch_types=[
        pltpu.VMEM((E, TPW), jnp.float32),
        pltpu.VMEM((E, LANES), jnp.float32),
        pltpu.VMEM((E, LANES), jnp.float32),
        pltpu.VMEM((TOPK, TPW), jnp.float32),
        pltpu.VMEM((TOPK, TPW), jnp.int32),
    ],
)


@jax.jit
def kernel(x, W_gate, W_up, extra_scale, extra_bias):
    sm_t = _tc_scores(x, W_gate, W_up)
    bias_b = jnp.broadcast_to(extra_bias.reshape(E, 1), (E, LANES))
    scale_b = jnp.broadcast_to(extra_scale.reshape(E, 1), (E, LANES))
    w_t, i_t = _sc_call(sm_t, bias_b, scale_b)
    return w_t.T, i_t.T

# --- scband reference (transcript-rebuilt; emitter-appended) ---
"""Pipeline reference for scband-router-bigger-1984274891210 (READ-ONLY COPY).

The authoritative reference and input builder live on the scoring server;
editing this copy changes nothing except your own understanding.
"""

import jax, jax.numpy as jnp
import numpy as np

T = 8192
D = 2048
E = 64
BIG = 1
TOPK = 2


def setup_inputs(seed: int = 0) -> dict:
    key = jax.random.key(seed)
    k1, k2, k3 = jax.random.split(key, 3)
    x = jax.random.normal(k1, (T, D), dtype=jnp.float32)
    # nn.Linear(hidden_size, n_experts*bigger_size, bias=False) weights, stored as [in, out]
    W_gate = jax.random.normal(k2, (D, E * BIG), dtype=jnp.float32) * 0.02
    W_up = jax.random.normal(k3, (D, E * BIG), dtype=jnp.float32) * 0.02
    # extra_scale initialized to zeros (torch: nn.Parameter(torch.zeros(n_experts)))
    extra_scale = jnp.zeros((E,), dtype=jnp.float32)
    # extra_bias buffer initialized to zeros
    extra_bias = jnp.zeros((E,), dtype=jnp.float32)
    return {"x": x, "W_gate": W_gate, "W_up": W_up, "extra_scale": extra_scale, "extra_bias": extra_bias}


def reference(x, W_gate, W_up, extra_scale, extra_bias):
    # get_score: |up(x) * silu(gate(x))| averaged over bigger_size groups
    gate = x @ W_gate
    up = x @ W_up
    scores = jnp.abs(up * jax.nn.silu(gate))
    scores = scores.reshape(-1, E, BIG).mean(axis=2)
    # softmax in float32
    scores = jax.nn.softmax(scores.astype(jnp.float32), axis=-1)
    original_scores = scores
    biased = scores + extra_bias[None, :]
    # top-k over biased scores -> expert indices
    _, indices = jax.lax.top_k(biased, TOPK)
    # re-weighting: 1 + original * extra_scale, then gather at selected experts
    original_scores = 1.0 + original_scores * extra_scale[None, :]
    weights = jnp.take_along_axis(original_scores, indices, axis=1)
    return weights.astype(x.dtype), indices

if __name__ == "__main__":
    import jax
    _d = setup_inputs()
    print(jax.jit(kernel)(*tuple(_d.values())))

</pallas_src>

<mosaic_0001>
#map = affine_map<(d0, d1) -> (0, 0)>
module attributes {stable_mosaic.version = 14 : i64} {
  func.func @_sc_router(%arg0: i32, %arg1: i32, %arg2: memref<64x8192xf32, #tpu.memory_space<hbm>>, %arg3: memref<64x16xf32, #tpu.memory_space<hbm>>, %arg4: memref<64x16xf32, #tpu.memory_space<hbm>>, %arg5: memref<2x8192xf32, #tpu.memory_space<hbm>>, %arg6: memref<2x8192xi32, #tpu.memory_space<hbm>>, %arg7: memref<64x256xf32, #tpu.memory_space<vmem>>, %arg8: memref<64x16xf32, #tpu.memory_space<vmem>>, %arg9: memref<64x16xf32, #tpu.memory_space<vmem>>, %arg10: memref<2x256xf32, #tpu.memory_space<vmem>>, %arg11: memref<2x256xi32, #tpu.memory_space<vmem>>) attributes {dimension_semantics = [#tpu.dimension_semantics<core_parallel>, #tpu.dimension_semantics<subcore_parallel>], iteration_bounds = array<i64: 2, 16>, scalar_prefetch = 0 : i64, scratch_operands = 5 : i64, tpu.core_type = #tpu.core_type<sc_vector_subcore>, window_params = [{transform_indices = #map}, {transform_indices = #map}, {transform_indices = #map}, {transform_indices = #map}, {transform_indices = #map}]} {
    %mul3A = arith.constant 2 : i32
    %mul3A_0 = arith.muli %arg1, %mul3A : i32
    %add3A = arith.addi %mul3A_0, %arg0 : i32
    %mul3A_1 = arith.constant 256 : i32
    %mul3A_2 = arith.muli %add3A, %mul3A_1 : i32
    "tpu.region"() ({
      %run_scoped3A = tpu.sem_alloc : memref<!tpu.dma_semaphore, #tpu.memory_space<semaphore_mem>>
      %dma_start3A = arith.constant 0 : i32
      %dma_start3A_9 = tpu.memref_slice %arg2[%dma_start3A, %mul3A_2] : memref<64x8192xf32, #tpu.memory_space<hbm>> -> memref<64x256xf32, #tpu.memory_space<hbm>>
      %dma_start3A_10 = arith.constant 0 : i32
      %dma_start3A_11 = tpu.memref_slice %arg2[%dma_start3A_10, %mul3A_2] : memref<64x8192xf32, #tpu.memory_space<hbm>> -> memref<64x256xf32, #tpu.memory_space<hbm>>
      tpu.enqueue_dma source(%dma_start3A_11 : memref<64x256xf32, #tpu.memory_space<hbm>>) target(%arg7 : memref<64x256xf32, #tpu.memory_space<vmem>>) target_semaphore(%run_scoped3A : memref<!tpu.dma_semaphore, #tpu.memory_space<semaphore_mem>>)
      %dma_wait3A = arith.constant 0 : i32
      %dma_wait3A_12 = tpu.memref_slice %arg2[%dma_wait3A, %mul3A_2] : memref<64x8192xf32, #tpu.memory_space<hbm>> -> memref<64x256xf32, #tpu.memory_space<hbm>>
      %dma_wait3A_13 = arith.constant 0 : i32
      %dma_wait3A_14 = tpu.memref_slice %arg2[%dma_wait3A_13, %mul3A_2] : memref<64x8192xf32, #tpu.memory_space<hbm>> -> memref<64x256xf32, #tpu.memory_space<hbm>>
      tpu.wait_dma2 semaphore(%run_scoped3A : memref<!tpu.dma_semaphore, #tpu.memory_space<semaphore_mem>>) src(%dma_wait3A_14 : memref<64x256xf32, #tpu.memory_space<hbm>>) dst(%arg7 : memref<64x256xf32, #tpu.memory_space<vmem>>)
      tpu.yield
    }) : () -> ()
    "tpu.region"() ({
      %run_scoped3A = tpu.sem_alloc : memref<!tpu.dma_semaphore, #tpu.memory_space<semaphore_mem>>
      tpu.enqueue_dma source(%arg3 : memref<64x16xf32, #tpu.memory_space<hbm>>) target(%arg8 : memref<64x16xf32, #tpu.memory_space<vmem>>) target_semaphore(%run_scoped3A : memref<!tpu.dma_semaphore, #tpu.memory_space<semaphore_mem>>)
      tpu.wait_dma2 semaphore(%run_scoped3A : memref<!tpu.dma_semaphore, #tpu.memory_space<semaphore_mem>>) src(%arg3 : memref<64x16xf32, #tpu.memory_space<hbm>>) dst(%arg8 : memref<64x16xf32, #tpu.memory_space<vmem>>)
      tpu.yield
    }) : () -> ()
    "tpu.region"() ({
      %run_scoped3A = tpu.sem_alloc : memref<!tpu.dma_semaphore, #tpu.memory_space<semaphore_mem>>
      tpu.enqueue_dma source(%arg4 : memref<64x16xf32, #tpu.memory_space<hbm>>) target(%arg9 : memref<64x16xf32, #tpu.memory_space<vmem>>) target_semaphore(%run_scoped3A : memref<!tpu.dma_semaphore, #tpu.memory_space<semaphore_mem>>)
      tpu.wait_dma2 semaphore(%run_scoped3A : memref<!tpu.dma_semaphore, #tpu.memory_space<semaphore_mem>>) src(%arg4 : memref<64x16xf32, #tpu.memory_space<hbm>>) dst(%arg9 : memref<64x16xf32, #tpu.memory_space<vmem>>)
      tpu.yield
    }) : () -> ()
    %broadcast_in_dim3A = arith.constant 0xFF800000 : f32
    %broadcast_in_dim3A_3 = vector.broadcast %broadcast_in_dim3A : f32 to vector<16xf32>
    %scan3A = arith.constant 0 : i32
    %scan3A_4 = arith.constant 0 : i32
    %scan3A_5 = arith.constant 16 : i32
    %scan3A_6 = arith.addi %scan3A_4, %scan3A_5 : i32
    %scan3A_7 = arith.constant 1 : i32
    scf.for %scan3A_9 = %scan3A_4 to %scan3A_6 step %scan3A_7  : i32 {
      %mul3A_10 = arith.constant 16 : i32
      %mul3A_11 = arith.muli %scan3A_9, %mul3A_10 : i32
      %get3A = arith.constant 0 : i32
      %get3A_12 = arith.index_cast %get3A : i32 to index
      %get3A_13 = arith.index_cast %mul3A_11 : i32 to index
      %get3A_14 = tpu.vector_load %arg7[%get3A_12, %get3A_13] {strides = array<i32>} : memref<64x256xf32, #tpu.memory_space<vmem>>, vector<1x16xf32>,
      %get3A_15 = vector.shape_cast %get3A_14 : vector<1x16xf32> to vector<16xf32>
      %get3A_16 = arith.constant 0 : i32
      %get3A_17 = arith.index_cast %get3A_16 : i32 to index
      %get3A_18 = arith.constant 0 : index
      %get3A_19 = tpu.vector_load %arg8[%get3A_17, %get3A_18] {strides = array<i32>} : memref<64x16xf32, #tpu.memory_space<vmem>>, vector<1x16xf32>,
      %get3A_20 = vector.shape_cast %get3A_19 : vector<1x16xf32> to vector<16xf32>
      %add3A_21 = arith.addf %get3A_15, %get3A_20 : vector<16xf32>
      %get3A_22 = arith.constant 0 : i32
      %get3A_23 = arith.index_cast %get3A_22 : i32 to index
      %get3A_24 = arith.constant 0 : index
      %get3A_25 = tpu.vector_load %arg9[%get3A_23, %get3A_24] {strides = array<i32>} : memref<64x16xf32, #tpu.memory_space<vmem>>, vector<1x16xf32>,
      %get3A_26 = vector.shape_cast %get3A_25 : vector<1x16xf32> to vector<16xf32>
      %mul3A_27 = arith.mulf %get3A_15, %get3A_26 : vector<16xf32>
      %add3A_28 = arith.constant 1.000000e+00 : f32
      %add3A_29 = vector.broadcast %add3A_28 : f32 to vector<16xf32>
      %add3A_30 = arith.addf %add3A_29, %mul3A_27 : vector<16xf32>
      %broadcast_in_dim3A_31 = arith.constant 0 : i32
      %broadcast_in_dim3A_32 = vector.broadcast %broadcast_in_dim3A_31 : i32 to vector<16xi32>
      %get3A_33 = arith.constant 1 : i32
      %get3A_34 = arith.index_cast %get3A_33 : i32 to index
      %get3A_35 = arith.index_cast %mul3A_11 : i32 to index
      %get3A_36 = tpu.vector_load %arg7[%get3A_34, %get3A_35] {strides = array<i32>} : memref<64x256xf32, #tpu.memory_space<vmem>>, vector<1x16xf32>,
      %get3A_37 = vector.shape_cast %get3A_36 : vector<1x16xf32> to vector<16xf32>
      %get3A_38 = arith.constant 1 : i32
      %get3A_39 = arith.index_cast %get3A_38 : i32 to index
      %get3A_40 = arith.constant 0 : index
      %get3A_41 = tpu.vector_load %arg8[%get3A_39, %get3A_40] {strides = array<i32>} : memref<64x16xf32, #tpu.memory_space<vmem>>, vector<1x16xf32>,
      %get3A_42 = vector.shape_cast %get3A_41 : vector<1x16xf32> to vector<16xf32>
      %add3A_43 = arith.addf %get3A_37, %get3A_42 : vector<16xf32>
      %get3A_44 = arith.constant 1 : i32
      %get3A_45 = arith.index_cast %get3A_44 : i32 to index
      %get3A_46 = arith.constant 0 : index
      %get3A_47 = tpu.vector_load %arg9[%get3A_45, %get3A_46] {strides = array<i32>} : memref<64x16xf32, #tpu.memory_space<vmem>>, vector<1x16xf32>,
      %get3A_48 = vector.shape_cast %get3A_47 : vector<1x16xf32> to vector<16xf32>
      %mul3A_49 = arith.mulf %get3A_37, %get3A_48 : vector<16xf32>
      %add3A_50 = arith.constant 1.000000e+00 : f32
      %add3A_51 = vector.broadcast %add3A_50 : f32 to vector<16xf32>
      %add3A_52 = arith.addf %add3A_51, %mul3A_49 : vector<16xf32>
      %broadcast_in_dim3A_53 = arith.constant 1 : i32
      %broadcast_in_dim3A_54 = vector.broadcast %broadcast_in_dim3A_53 : i32 to vector<16xi32>
      %get3A_55 = arith.constant 2 : i32
      %get3A_56 = arith.index_cast %get3A_55 : i32 to index
      %get3A_57 = arith.index_cast %mul3A_11 : i32 to index
      %get3A_58 = tpu.vector_load %arg7[%get3A_56, %get3A_57] {strides = array<i32>} : memref<64x256xf32, #tpu.memory_space<vmem>>, vector<1x16xf32>,
      %get3A_59 = vector.shape_cast %get3A_58 : vector<1x16xf32> to vector<16xf32>
      %get3A_60 = arith.constant 2 : i32
      %get3A_61 = arith.index_cast %get3A_60 : i32 to index
      %get3A_62 = arith.constant 0 : index
      %get3A_63 = tpu.vector_load %arg8[%get3A_61, %get3A_62] {strides = array<i32>} : memref<64x16xf32, #tpu.memory_space<vmem>>, vector<1x16xf32>,
      %get3A_64 = vector.shape_cast %get3A_63 : vector<1x16xf32> to vector<16xf32>
      %add3A_65 = arith.addf %get3A_59, %get3A_64 : vector<16xf32>
      %get3A_66 = arith.constant 2 : i32
      %get3A_67 = arith.index_cast %get3A_66 : i32 to index
      %get3A_68 = arith.constant 0 : index
      %get3A_69 = tpu.vector_load %arg9[%get3A_67, %get3A_68] {strides = array<i32>} : memref<64x16xf32, #tpu.memory_space<vmem>>, vector<1x16xf32>,
      %get3A_70 = vector.shape_cast %get3A_69 : vector<1x16xf32> to vector<16xf32>
      %mul3A_71 = arith.mulf %get3A_59, %get3A_70 : vector<16xf32>
      %add3A_72 = arith.constant 1.000000e+00 : f32
      %add3A_73 = vector.broadcast %add3A_72 : f32 to vector<16xf32>
      %add3A_74 = arith.addf %add3A_73, %mul3A_71 : vector<16xf32>
      %broadcast_in_dim3A_75 = arith.constant 2 : i32
      %broadcast_in_dim3A_76 = vector.broadcast %broadcast_in_dim3A_75 : i32 to vector<16xi32>
      %get3A_77 = arith.constant 3 : i32
      %get3A_78 = arith.index_cast %get3A_77 : i32 to index
      %get3A_79 = arith.index_cast %mul3A_11 : i32 to index
      %get3A_80 = tpu.vector_load %arg7[%get3A_78, %get3A_79] {strides = array<i32>} : memref<64x256xf32, #tpu.memory_space<vmem>>, vector<1x16xf32>,
      %get3A_81 = vector.shape_cast %get3A_80 : vector<1x16xf32> to vector<16xf32>
      %get3A_82 = arith.constant 3 : i32
      %get3A_83 = arith.index_cast %get3A_82 : i32 to index
      %get3A_84 = arith.constant 0 : index
      %get3A_85 = tpu.vector_load %arg8[%get3A_83, %get3A_84] {strides = array<i32>} : memref<64x16xf32, #tpu.memory_space<vmem>>, vector<1x16xf32>,
      %get3A_86 = vector.shape_cast %get3A_85 : vector<1x16xf32> to vector<16xf32>
      %add3A_87 = arith.addf %get3A_81, %get3A_86 : vector<16xf32>
      %get3A_88 = arith.constant 3 : i32
      %get3A_89 = arith.index_cast %get3A_88 : i32 to index
      %get3A_90 = arith.constant 0 : index
      %get3A_91 = tpu.vector_load %arg9[%get3A_89, %get3A_90] {strides = array<i32>} : memref<64x16xf32, #tpu.memory_space<vmem>>, vector<1x16xf32>,
      %get3A_92 = vector.shape_cast %get3A_91 : vector<1x16xf32> to vector<16xf32>
      %mul3A_93 = arith.mulf %get3A_81, %get3A_92 : vector<16xf32>
      %add3A_94 = arith.constant 1.000000e+00 : f32
      %add3A_95 = vector.broadcast %add3A_94 : f32 to vector<16xf32>
      %add3A_96 = arith.addf %add3A_95, %mul3A_93 : vector<16xf32>
      %broadcast_in_dim3A_97 = arith.constant 3 : i32
      %broadcast_in_dim3A_98 = vector.broadcast %broadcast_in_dim3A_97 : i32 to vector<16xi32>
      %get3A_99 = arith.constant 4 : i32
      %get3A_100 = arith.index_cast %get3A_99 : i32 to index
      %get3A_101 = arith.index_cast %mul3A_11 : i32 to index
      %get3A_102 = tpu.vector_load %arg7[%get3A_100, %get3A_101] {strides = array<i32>} : memref<64x256xf32, #tpu.memory_space<vmem>>, vector<1x16xf32>,
      %get3A_103 = vector.shape_cast %get3A_102 : vector<1x16xf32> to vector<16xf32>
      %get3A_104 = arith.constant 4 : i32
      %get3A_105 = arith.index_cast %get3A_104 : i32 to index
      %get3A_106 = arith.constant 0 : index
      %get3A_107 = tpu.vector_load %arg8[%get3A_105, %get3A_106] {strides = array<i32>} : memref<64x16xf32, #tpu.memory_space<vmem>>, vector<1x16xf32>,
      %get3A_108 = vector.shape_cast %get3A_107 : vector<1x16xf32> to vector<16xf32>
      %add3A_109 = arith.addf %get3A_103, %get3A_108 : vector<16xf32>
      %get3A_110 = arith.constant 4 : i32
      %get3A_111 = arith.index_cast %get3A_110 : i32 to index
      %get3A_112 = arith.constant 0 : index
      %get3A_113 = tpu.vector_load %arg9[%get3A_111, %get3A_112] {strides = array<i32>} : memref<64x16xf32, #tpu.memory_space<vmem>>, vector<1x16xf32>,
      %get3A_114 = vector.shape_cast %get3A_113 : vector<1x16xf32> to vector<16xf32>
      %mul3A_115 = arith.mulf %get3A_103, %get3A_114 : vector<16xf32>
      %add3A_116 = arith.constant 1.000000e+00 : f32
      %add3A_117 = vector.broadcast %add3A_116 : f32 to vector<16xf32>
      %add3A_118 = arith.addf %add3A_117, %mul3A_115 : vector<16xf32>
      %broadcast_in_dim3A_119 = arith.constant 4 : i32
      %broadcast_in_dim3A_120 = vector.broadcast %broadcast_in_dim3A_119 : i32 to vector<16xi32>
      %get3A_121 = arith.constant 5 : i32
      %get3A_122 = arith.index_cast %get3A_121 : i32 to index
      %get3A_123 = arith.index_cast %mul3A_11 : i32 to index
      %get3A_124 = tpu.vector_load %arg7[%get3A_122, %get3A_123] {strides = array<i32>} : memref<64x256xf32, #tpu.memory_space<vmem>>, vector<1x16xf32>,
      %get3A_125 = vector.shape_cast %get3A_124 : vector<1x16xf32> to vector<16xf32>
      %get3A_126 = arith.constant 5 : i32
      %get3A_127 = arith.index_cast %get3A_126 : i32 to index
      %get3A_128 = arith.constant 0 : index
      %get3A_129 = tpu.vector_load %arg8[%get3A_127, %get3A_128] {strides = array<i32>} : memref<64x16xf32, #tpu.memory_space<vmem>>, vector<1x16xf32>,
      %get3A_130 = vector.shape_cast %get3A_129 : vector<1x16xf32> to vector<16xf32>
      %add3A_131 = arith.addf %get3A_125, %get3A_130 : vector<16xf32>
      %get3A_132 = arith.constant 5 : i32
      %get3A_133 = arith.index_cast %get3A_132 : i32 to index
      %get3A_134 = arith.constant 0 : index
      %get3A_135 = tpu.vector_load %arg9[%get3A_133, %get3A_134] {strides = array<i32>} : memref<64x16xf32, #tpu.memory_space<vmem>>, vector<1x16xf32>,
      %get3A_136 = vector.shape_cast %get3A_135 : vector<1x16xf32> to vector<16xf32>
      %mul3A_137 = arith.mulf %get3A_125, %get3A_136 : vector<16xf32>
      %add3A_138 = arith.constant 1.000000e+00 : f32
      %add3A_139 = vector.broadcast %add3A_138 : f32 to vector<16xf32>
      %add3A_140 = arith.addf %add3A_139, %mul3A_137 : vector<16xf32>
      %broadcast_in_dim3A_141 = arith.constant 5 : i32
      %broadcast_in_dim3A_142 = vector.broadcast %broadcast_in_dim3A_141 : i32 to vector<16xi32>
      %get3A_143 = arith.constant 6 : i32
      %get3A_144 = arith.index_cast %get3A_143 : i32 to index
      %get3A_145 = arith.index_cast %mul3A_11 : i32 to index
      %get3A_146 = tpu.vector_load %arg7[%get3A_144, %get3A_145] {strides = array<i32>} : memref<64x256xf32, #tpu.memory_space<vmem>>, vector<1x16xf32>,
      %get3A_147 = vector.shape_cast %get3A_146 : vector<1x16xf32> to vector<16xf32>
      %get3A_148 = arith.constant 6 : i32
      %get3A_149 = arith.index_cast %get3A_148 : i32 to index
      %get3A_150 = arith.constant 0 : index
      %get3A_151 = tpu.vector_load %arg8[%get3A_149, %get3A_150] {strides = array<i32>} : memref<64x16xf32, #tpu.memory_space<vmem>>, vector<1x16xf32>,
      %get3A_152 = vector.shape_cast %get3A_151 : vector<1x16xf32> to vector<16xf32>
      %add3A_153 = arith.addf %get3A_147, %get3A_152 : vector<16xf32>
      %get3A_154 = arith.constant 6 : i32
      %get3A_155 = arith.index_cast %get3A_154 : i32 to index
      %get3A_156 = arith.constant 0 : index
      %get3A_157 = tpu.vector_load %arg9[%get3A_155, %get3A_156] {strides = array<i32>} : memref<64x16xf32, #tpu.memory_space<vmem>>, vector<1x16xf32>,
      %get3A_158 = vector.shape_cast %get3A_157 : vector<1x16xf32> to vector<16xf32>
      %mul3A_159 = arith.mulf %get3A_147, %get3A_158 : vector<16xf32>
      %add3A_160 = arith.constant 1.000000e+00 : f32
      %add3A_161 = vector.broadcast %add3A_160 : f32 to vector<16xf32>
      %add3A_162 = arith.addf %add3A_161, %mul3A_159 : vector<16xf32>
      %broadcast_in_dim3A_163 = arith.constant 6 : i32
      %broadcast_in_dim3A_164 = vector.broadcast %broadcast_in_dim3A_163 : i32 to vector<16xi32>
      %get3A_165 = arith.constant 7 : i32
      %get3A_166 = arith.index_cast %get3A_165 : i32 to index
      %get3A_167 = arith.index_cast %mul3A_11 : i32 to index
      %get3A_168 = tpu.vector_load %arg7[%get3A_166, %get3A_167] {strides = array<i32>} : memref<64x256xf32, #tpu.memory_space<vmem>>, vector<1x16xf32>,
      %get3A_169 = vector.shape_cast %get3A_168 : vector<1x16xf32> to vector<16xf32>
      %get3A_170 = arith.constant 7 : i32
      %get3A_171 = arith.index_cast %get3A_170 : i32 to index
      %get3A_172 = arith.constant 0 : index
      %get3A_173 = tpu.vector_load %arg8[%get3A_171, %get3A_172] {strides = array<i32>} : memref<64x16xf32, #tpu.memory_space<vmem>>, vector<1x16xf32>,
      %get3A_174 = vector.shape_cast %get3A_173 : vector<1x16xf32> to vector<16xf32>
      %add3A_175 = arith.addf %get3A_169, %get3A_174 : vector<16xf32>
      %get3A_176 = arith.constant 7 : i32
      %get3A_177 = arith.index_cast %get3A_176 : i32 to index
      %get3A_178 = arith.constant 0 : index
      %get3A_179 = tpu.vector_load %arg9[%get3A_177, %get3A_178] {strides = array<i32>} : memref<64x16xf32, #tpu.memory_space<vmem>>, vector<1x16xf32>,
      %get3A_180 = vector.shape_cast %get3A_179 : vector<1x16xf32> to vector<16xf32>
      %mul3A_181 = arith.mulf %get3A_169, %get3A_180 : vector<16xf32>
      %add3A_182 = arith.constant 1.000000e+00 : f32
      %add3A_183 = vector.broadcast %add3A_182 : f32 to vector<16xf32>
      %add3A_184 = arith.addf %add3A_183, %mul3A_181 : vector<16xf32>
      %broadcast_in_dim3A_185 = arith.constant 7 : i32
      %broadcast_in_dim3A_186 = vector.broadcast %broadcast_in_dim3A_185 : i32 to vector<16xi32>
      %get3A_187 = arith.constant 8 : i32
      %get3A_188 = arith.index_cast %get3A_187 : i32 to index
      %get3A_189 = arith.index_cast %mul3A_11 : i32 to index
      %get3A_190 = tpu.vector_load %arg7[%get3A_188, %get3A_189] {strides = array<i32>} : memref<64x256xf32, #tpu.memory_space<vmem>>, vector<1x16xf32>,
      %get3A_191 = vector.shape_cast %get3A_190 : vector<1x16xf32> to vector<16xf32>
      %get3A_192 = arith.constant 8 : i32
      %get3A_193 = arith.index_cast %get3A_192 : i32 to index
      %get3A_194 = arith.constant 0 : index
      %get3A_195 = tpu.vector_load %arg8[%get3A_193, %get3A_194] {strides = array<i32>} : memref<64x16xf32, #tpu.memory_space<vmem>>, vector<1x16xf32>,
      %get3A_196 = vector.shape_cast %get3A_195 : vector<1x16xf32> to vector<16xf32>
      %add3A_197 = arith.addf %get3A_191, %get3A_196 : vector<16xf32>
      %get3A_198 = arith.constant 8 : i32
      %get3A_199 = arith.index_cast %get3A_198 : i32 to index
      %get3A_200 = arith.constant 0 : index
      %get3A_201 = tpu.vector_load %arg9[%get3A_199, %get3A_200] {strides = array<i32>} : memref<64x16xf32, #tpu.memory_space<vmem>>, vector<1x16xf32>,
      %get3A_202 = vector.shape_cast %get3A_201 : vector<1x16xf32> to vector<16xf32>
      %mul3A_203 = arith.mulf %get3A_191, %get3A_202 : vector<16xf32>
      %add3A_204 = arith.constant 1.000000e+00 : f32
      %add3A_205 = vector.broadcast %add3A_204 : f32 to vector<16xf32>
      %add3A_206 = arith.addf %add3A_205, %mul3A_203 : vector<16xf32>
      %broadcast_in_dim3A_207 = arith.constant 8 : i32
      %broadcast_in_dim3A_208 = vector.broadcast %broadcast_in_dim3A_207 : i32 to vector<16xi32>
      %get3A_209 = arith.constant 9 : i32
      %get3A_210 = arith.index_cast %get3A_209 : i32 to index
      %get3A_211 = arith.index_cast %mul3A_11 : i32 to index
      %get3A_212 = tpu.vector_load %arg7[%get3A_210, %get3A_211] {strides = array<i32>} : memref<64x256xf32, #tpu.memory_space<vmem>>, vector<1x16xf32>,
      %get3A_213 = vector.shape_cast %get3A_212 : vector<1x16xf32> to vector<16xf32>
      %get3A_214 = arith.constant 9 : i32
      %get3A_215 = arith.index_cast %get3A_214 : i32 to index
      %get3A_216 = arith.constant 0 : index
      %get3A_217 = tpu.vector_load %arg8[%get3A_215, %get3A_216] {strides = array<i32>} : memref<64x16xf32, #tpu.memory_space<vmem>>, vector<1x16xf32>,
      %get3A_218 = vector.shape_cast %get3A_217 : vector<1x16xf32> to vector<16xf32>
      %add3A_219 = arith.addf %get3A_213, %get3A_218 : vector<16xf32>
      %get3A_220 = arith.constant 9 : i32
      %get3A_221 = arith.index_cast %get3A_220 : i32 to index
      %get3A_222 = arith.constant 0 : index
      %get3A_223 = tpu.vector_load %arg9[%get3A_221, %get3A_222] {strides = array<i32>} : memref<64x16xf32, #tpu.memory_space<vmem>>, vector<1x16xf32>,
      %get3A_224 = vector.shape_cast %get3A_223 : vector<1x16xf32> to vector<16xf32>
      %mul3A_225 = arith.mulf %get3A_213, %get3A_224 : vector<16xf32>
      %add3A_226 = arith.constant 1.000000e+00 : f32
      %add3A_227 = vector.broadcast %add3A_226 : f32 to vector<16xf32>
      %add3A_228 = arith.addf %add3A_227, %mul3A_225 : vector<16xf32>
      %broadcast_in_dim3A_229 = arith.constant 9 : i32
      %broadcast_in_dim3A_230 = vector.broadcast %broadcast_in_dim3A_229 : i32 to vector<16xi32>
      %get3A_231 = arith.constant 10 : i32
      %get3A_232 = arith.index_cast %get3A_231 : i32 to index
      %get3A_233 = arith.index_cast %mul3A_11 : i32 to index
      %get3A_234 = tpu.vector_load %arg7[%get3A_232, %get3A_233] {strides = array<i32>} : memref<64x256xf32, #tpu.memory_space<vmem>>, vector<1x16xf32>,
      %get3A_235 = vector.shape_cast %get3A_234 : vector<1x16xf32> to vector<16xf32>
      %get3A_236 = arith.constant 10 : i32
      %get3A_237 = arith.index_cast %get3A_236 : i32 to index
      %get3A_238 = arith.constant 0 : index
      %get3A_239 = tpu.vector_load %arg8[%get3A_237, %get3A_238] {strides = array<i32>} : memref<64x16xf32, #tpu.memory_space<vmem>>, vector<1x16xf32>,
      %get3A_240 = vector.shape_cast %get3A_239 : vector<1x16xf32> to vector<16xf32>
      %add3A_241 = arith.addf %get3A_235, %get3A_240 : vector<16xf32>
      %get3A_242 = arith.constant 10 : i32
      %get3A_243 = arith.index_cast %get3A_242 : i32 to index
      %get3A_244 = arith.constant 0 : index
      %get3A_245 = tpu.vector_load %arg9[%get3A_243, %get3A_244] {strides = array<i32>} : memref<64x16xf32, #tpu.memory_space<vmem>>, vector<1x16xf32>,
      %get3A_246 = vector.shape_cast %get3A_245 : vector<1x16xf32> to vector<16xf32>
      %mul3A_247 = arith.mulf %get3A_235, %get3A_246 : vector<16xf32>
      %add3A_248 = arith.constant 1.000000e+00 : f32
      %add3A_249 = vector.broadcast %add3A_248 : f32 to vector<16xf32>
      %add3A_250 = arith.addf %add3A_249, %mul3A_247 : vector<16xf32>
      %broadcast_in_dim3A_251 = arith.constant 10 : i32
      %broadcast_in_dim3A_252 = vector.broadcast %broadcast_in_dim3A_251 : i32 to vector<16xi32>
      %get3A_253 = arith.constant 11 : i32
      %get3A_254 = arith.index_cast %get3A_253 : i32 to index
      %get3A_255 = arith.index_cast %mul3A_11 : i32 to index
      %get3A_256 = tpu.vector_load %arg7[%get3A_254, %get3A_255] {strides = array<i32>} : memref<64x256xf32, #tpu.memory_space<vmem>>, vector<1x16xf32>,
      %get3A_257 = vector.shape_cast %get3A_256 : vector<1x16xf32> to vector<16xf32>
      %get3A_258 = arith.constant 11 : i32
      %get3A_259 = arith.index_cast %get3A_258 : i32 to index
      %get3A_260 = arith.constant 0 : index
      %get3A_261 = tpu.vector_load %arg8[%get3A_259, %get3A_260] {strides = array<i32>} : memref<64x16xf32, #tpu.memory_space<vmem>>, vector<1x16xf32>,
      %get3A_262 = vector.shape_cast %get3A_261 : vector<1x16xf32> to vector<16xf32>
      %add3A_263 = arith.addf %get3A_257, %get3A_262 : vector<16xf32>
      %get3A_264 = arith.constant 11 : i32
      %get3A_265 = arith.index_cast %get3A_264 : i32 to index
      %get3A_266 = arith.constant 0 : index
      %get3A_267 = tpu.vector_load %arg9[%get3A_265, %get3A_266] {strides = array<i32>} : memref<64x16xf32, #tpu.memory_space<vmem>>, vector<1x16xf32>,
      %get3A_268 = vector.shape_cast %get3A_267 : vector<1x16xf32> to vector<16xf32>
      %mul3A_269 = arith.mulf %get3A_257, %get3A_268 : vector<16xf32>
      %add3A_270 = arith.constant 1.000000e+00 : f32
      %add3A_271 = vector.broadcast %add3A_270 : f32 to vector<16xf32>
      %add3A_272 = arith.addf %add3A_271, %mul3A_269 : vector<16xf32>
      %broadcast_in_dim3A_273 = arith.constant 11 : i32
      %broadcast_in_dim3A_274 = vector.broadcast %broadcast_in_dim3A_273 : i32 to vector<16xi32>
      %get3A_275 = arith.constant 12 : i32
      %get3A_276 = arith.index_cast %get3A_275 : i32 to index
      %get3A_277 = arith.index_cast %mul3A_11 : i32 to index
      %get3A_278 = tpu.vector_load %arg7[%get3A_276, %get3A_277] {strides = array<i32>} : memref<64x256xf32, #tpu.memory_space<vmem>>, vector<1x16xf32>,
      %get3A_279 = vector.shape_cast %get3A_278 : vector<1x16xf32> to vector<16xf32>
      %get3A_280 = arith.constant 12 : i32
      %get3A_281 = arith.index_cast %get3A_280 : i32 to index
      %get3A_282 = arith.constant 0 : index
      %get3A_283 = tpu.vector_load %arg8[%get3A_281, %get3A_282] {strides = array<i32>} : memref<64x16xf32, #tpu.memory_space<vmem>>, vector<1x16xf32>,
      %get3A_284 = vector.shape_cast %get3A_283 : vector<1x16xf32> to vector<16xf32>
      %add3A_285 = arith.addf %get3A_279, %get3A_284 : vector<16xf32>
      %get3A_286 = arith.constant 12 : i32
      %get3A_287 = arith.index_cast %get3A_286 : i32 to index
      %get3A_288 = arith.constant 0 : index
      %get3A_289 = tpu.vector_load %arg9[%get3A_287, %get3A_288] {strides = array<i32>} : memref<64x16xf32, #tpu.memory_space<vmem>>, vector<1x16xf32>,
      %get3A_290 = vector.shape_cast %get3A_289 : vector<1x16xf32> to vector<16xf32>
      %mul3A_291 = arith.mulf %get3A_279, %get3A_290 : vector<16xf32>
      %add3A_292 = arith.constant 1.000000e+00 : f32
      %add3A_293 = vector.broadcast %add3A_292 : f32 to vector<16xf32>
      %add3A_294 = arith.addf %add3A_293, %mul3A_291 : vector<16xf32>
      %broadcast_in_dim3A_295 = arith.constant 12 : i32
      %broadcast_in_dim3A_296 = vector.broadcast %broadcast_in_dim3A_295 : i32 to vector<16xi32>
      %get3A_297 = arith.constant 13 : i32
      %get3A_298 = arith.index_cast %get3A_297 : i32 to index
      %get3A_299 = arith.index_cast %mul3A_11 : i32 to index
      %get3A_300 = tpu.vector_load %arg7[%get3A_298, %get3A_299] {strides = array<i32>} : memref<64x256xf32, #tpu.memory_space<vmem>>, vector<1x16xf32>,
      %get3A_301 = vector.shape_cast %get3A_300 : vector<1x16xf32> to vector<16xf32>
      %get3A_302 = arith.constant 13 : i32
      %get3A_303 = arith.index_cast %get3A_302 : i32 to index
      %get3A_304 = arith.constant 0 : index
      %get3A_305 = tpu.vector_load %arg8[%get3A_303, %get3A_304] {strides = array<i32>} : memref<64x16xf32, #tpu.memory_space<vmem>>, vector<1x16xf32>,
      %get3A_306 = vector.shape_cast %get3A_305 : vector<1x16xf32> to vector<16xf32>
      %add3A_307 = arith.addf %get3A_301, %get3A_306 : vector<16xf32>
      %get3A_308 = arith.constant 13 : i32
      %get3A_309 = arith.index_cast %get3A_308 : i32 to index
      %get3A_310 = arith.constant 0 : index
      %get3A_311 = tpu.vector_load %arg9[%get3A_309, %get3A_310] {strides = array<i32>} : memref<64x16xf32, #tpu.memory_space<vmem>>, vector<1x16xf32>,
      %get3A_312 = vector.shape_cast %get3A_311 : vector<1x16xf32> to vector<16xf32>
      %mul3A_313 = arith.mulf %get3A_301, %get3A_312 : vector<16xf32>
      %add3A_314 = arith.constant 1.000000e+00 : f32
      %add3A_315 = vector.broadcast %add3A_314 : f32 to vector<16xf32>
      %add3A_316 = arith.addf %add3A_315, %mul3A_313 : vector<16xf32>
      %broadcast_in_dim3A_317 = arith.constant 13 : i32
      %broadcast_in_dim3A_318 = vector.broadcast %broadcast_in_dim3A_317 : i32 to vector<16xi32>
      %get3A_319 = arith.constant 14 : i32
      %get3A_320 = arith.index_cast %get3A_319 : i32 to index
      %get3A_321 = arith.index_cast %mul3A_11 : i32 to index
      %get3A_322 = tpu.vector_load %arg7[%get3A_320, %get3A_321] {strides = array<i32>} : memref<64x256xf32, #tpu.memory_space<vmem>>, vector<1x16xf32>,
      %get3A_323 = vector.shape_cast %get3A_322 : vector<1x16xf32> to vector<16xf32>
      %get3A_324 = arith.constant 14 : i32
      %get3A_325 = arith.index_cast %get3A_324 : i32 to index
      %get3A_326 = arith.constant 0 : index
      %get3A_327 = tpu.vector_load %arg8[%get3A_325, %get3A_326] {strides = array<i32>} : memref<64x16xf32, #tpu.memory_space<vmem>>, vector<1x16xf32>,
      %get3A_328 = vector.shape_cast %get3A_327 : vector<1x16xf32> to vector<16xf32>
      %add3A_329 = arith.addf %get3A_323, %get3A_328 : vector<16xf32>
      %get3A_330 = arith.constant 14 : i32
      %get3A_331 = arith.index_cast %get3A_330 : i32 to index
      %get3A_332 = arith.constant 0 : index
      %get3A_333 = tpu.vector_load %arg9[%get3A_331, %get3A_332] {strides = array<i32>} : memref<64x16xf32, #tpu.memory_space<vmem>>, vector<1x16xf32>,
      %get3A_334 = vector.shape_cast %get3A_333 : vector<1x16xf32> to vector<16xf32>
      %mul3A_335 = arith.mulf %get3A_323, %get3A_334 : vector<16xf32>
      %add3A_336 = arith.constant 1.000000e+00 : f32
      %add3A_337 = vector.broadcast %add3A_336 : f32 to vector<16xf32>
      %add3A_338 = arith.addf %add3A_337, %mul3A_335 : vector<16xf32>
      %broadcast_in_dim3A_339 = arith.constant 14 : i32
      %broadcast_in_dim3A_340 = vector.broadcast %broadcast_in_dim3A_339 : i32 to vector<16xi32>
      %get3A_341 = arith.constant 15 : i32
      %get3A_342 = arith.index_cast %get3A_341 : i32 to index
      %get3A_343 = arith.index_cast %mul3A_11 : i32 to index
      %get3A_344 = tpu.vector_load %arg7[%get3A_342, %get3A_343] {strides = array<i32>} : memref<64x256xf32, #tpu.memory_space<vmem>>, vector<1x16xf32>,
      %get3A_345 = vector.shape_cast %get3A_344 : vector<1x16xf32> to vector<16xf32>
      %get3A_346 = arith.constant 15 : i32
      %get3A_347 = arith.index_cast %get3A_346 : i32 to index
      %get3A_348 = arith.constant 0 : index
      %get3A_349 = tpu.vector_load %arg8[%get3A_347, %get3A_348] {strides = array<i32>} : memref<64x16xf32, #tpu.memory_space<vmem>>, vector<1x16xf32>,
      %get3A_350 = vector.shape_cast %get3A_349 : vector<1x16xf32> to vector<16xf32>
      %add3A_351 = arith.addf %get3A_345, %get3A_350 : vector<16xf32>
      %get3A_352 = arith.constant 15 : i32
      %get3A_353 = arith.index_cast %get3A_352 : i32 to index
      %get3A_354 = arith.constant 0 : index
      %get3A_355 = tpu.vector_load %arg9[%get3A_353, %get3A_354] {strides = array<i32>} : memref<64x16xf32, #tpu.memory_space<vmem>>, vector<1x16xf32>,
      %get3A_356 = vector.shape_cast %get3A_355 : vector<1x16xf32> to vector<16xf32>
      %mul3A_357 = arith.mulf %get3A_345, %get3A_356 : vector<16xf32>
      %add3A_358 = arith.constant 1.000000e+00 : f32
      %add3A_359 = vector.broadcast %add3A_358 : f32 to vector<16xf32>
      %add3A_360 = arith.addf %add3A_359, %mul3A_357 : vector<16xf32>
      %broadcast_in_dim3A_361 = arith.constant 15 : i32
      %broadcast_in_dim3A_362 = vector.broadcast %broadcast_in_dim3A_361 : i32 to vector<16xi32>
      %get3A_363 = arith.constant 16 : i32
      %get3A_364 = arith.index_cast %get3A_363 : i32 to index
      %get3A_365 = arith.index_cast %mul3A_11 : i32 to index
      %get3A_366 = tpu.vector_load %arg7[%get3A_364, %get3A_365] {strides = array<i32>} : memref<64x256xf32, #tpu.memory_space<vmem>>, vector<1x16xf32>,
      %get3A_367 = vector.shape_cast %get3A_366 : vector<1x16xf32> to vector<16xf32>
      %get3A_368 = arith.constant 16 : i32
      %get3A_369 = arith.index_cast %get3A_368 : i32 to index
      %get3A_370 = arith.constant 0 : index
      %get3A_371 = tpu.vector_load %arg8[%get3A_369, %get3A_370] {strides = array<i32>} : memref<64x16xf32, #tpu.memory_space<vmem>>, vector<1x16xf32>,
      %get3A_372 = vector.shape_cast %get3A_371 : vector<1x16xf32> to vector<16xf32>
      %add3A_373 = arith.addf %get3A_367, %get3A_372 : vector<16xf32>
      %get3A_374 = arith.constant 16 : i32
      %get3A_375 = arith.index_cast %get3A_374 : i32 to index
      %get3A_376 = arith.constant 0 : index
      %get3A_377 = tpu.vector_load %arg9[%get3A_375, %get3A_376] {strides = array<i32>} : memref<64x16xf32, #tpu.memory_space<vmem>>, vector<1x16xf32>,
      %get3A_378 = vector.shape_cast %get3A_377 : vector<1x16xf32> to vector<16xf32>
      %mul3A_379 = arith.mulf %get3A_367, %get3A_378 : vector<16xf32>
      %add3A_380 = arith.constant 1.000000e+00 : f32
      %add3A_381 = vector.broadcast %add3A_380 : f32 to vector<16xf32>
      %add3A_382 = arith.addf %add3A_381, %mul3A_379 : vector<16xf32>
      %broadcast_in_dim3A_383 = arith.constant 16 : i32
      %broadcast_in_dim3A_384 = vector.broadcast %broadcast_in_dim3A_383 : i32 to vector<16xi32>
      %get3A_385 = arith.constant 17 : i32
      %get3A_386 = arith.index_cast %get3A_385 : i32 to index
      %get3A_387 = arith.index_cast %mul3A_11 : i32 to index
      %get3A_388 = tpu.vector_load %arg7[%get3A_386, %get3A_387] {strides = array<i32>} : memref<64x256xf32, #tpu.memory_space<vmem>>, vector<1x16xf32>,
      %get3A_389 = vector.shape_cast %get3A_388 : vector<1x16xf32> to vector<16xf32>
      %get3A_390 = arith.constant 17 : i32
      %get3A_391 = arith.index_cast %get3A_390 : i32 to index
      %get3A_392 = arith.constant 0 : index
      %get3A_393 = tpu.vector_load %arg8[%get3A_391, %get3A_392] {strides = array<i32>} : memref<64x16xf32, #tpu.memory_space<vmem>>, vector<1x16xf32>,
      %get3A_394 = vector.shape_cast %get3A_393 : vector<1x16xf32> to vector<16xf32>
      %add3A_395 = arith.addf %get3A_389, %get3A_394 : vector<16xf32>
      %get3A_396 = arith.constant 17 : i32
      %get3A_397 = arith.index_cast %get3A_396 : i32 to index
      %get3A_398 = arith.constant 0 : index
      %get3A_399 = tpu.vector_load %arg9[%get3A_397, %get3A_398] {strides = array<i32>} : memref<64x16xf32, #tpu.memory_space<vmem>>, vector<1x16xf32>,
      %get3A_400 = vector.shape_cast %get3A_399 : vector<1x16xf32> to vector<16xf32>
      %mul3A_401 = arith.mulf %get3A_389, %get3A_400 : vector<16xf32>
      %add3A_402 = arith.constant 1.000000e+00 : f32
      %add3A_403 = vector.broadcast %add3A_402 : f32 to vector<16xf32>
      %add3A_404 = arith.addf %add3A_403, %mul3A_401 : vector<16xf32>
      %broadcast_in_dim3A_405 = arith.constant 17 : i32
      %broadcast_in_dim3A_406 = vector.broadcast %broadcast_in_dim3A_405 : i32 to vector<16xi32>
      %get3A_407 = arith.constant 18 : i32
      %get3A_408 = arith.index_cast %get3A_407 : i32 to index
      %get3A_409 = arith.index_cast %mul3A_11 : i32 to index
      %get3A_410 = tpu.vector_load %arg7[%get3A_408, %get3A_409] {strides = array<i32>} : memref<64x256xf32, #tpu.memory_space<vmem>>, vector<1x16xf32>,
      %get3A_411 = vector.shape_cast %get3A_410 : vector<1x16xf32> to vector<16xf32>
      %get3A_412 = arith.constant 18 : i32
      %get3A_413 = arith.index_cast %get3A_412 : i32 to index
      %get3A_414 = arith.constant 0 : index
      %get3A_415 = tpu.vector_load %arg8[%get3A_413, %get3A_414] {strides = array<i32>} : memref<64x16xf32, #tpu.memory_space<vmem>>, vector<1x16xf32>,
      %get3A_416 = vector.shape_cast %get3A_415 : vector<1x16xf32> to vector<16xf32>
      %add3A_417 = arith.addf %get3A_411, %get3A_416 : vector<16xf32>
      %get3A_418 = arith.constant 18 : i32
      %get3A_419 = arith.index_cast %get3A_418 : i32 to index
      %get3A_420 = arith.constant 0 : index
      %get3A_421 = tpu.vector_load %arg9[%get3A_419, %get3A_420] {strides = array<i32>} : memref<64x16xf32, #tpu.memory_space<vmem>>, vector<1x16xf32>,
      %get3A_422 = vector.shape_cast %get3A_421 : vector<1x16xf32> to vector<16xf32>
      %mul3A_423 = arith.mulf %get3A_411, %get3A_422 : vector<16xf32>
      %add3A_424 = arith.constant 1.000000e+00 : f32
      %add3A_425 = vector.broadcast %add3A_424 : f32 to vector<16xf32>
      %add3A_426 = arith.addf %add3A_425, %mul3A_423 : vector<16xf32>
      %broadcast_in_dim3A_427 = arith.constant 18 : i32
      %broadcast_in_dim3A_428 = vector.broadcast %broadcast_in_dim3A_427 : i32 to vector<16xi32>
      %get3A_429 = arith.constant 19 : i32
      %get3A_430 = arith.index_cast %get3A_429 : i32 to index
      %get3A_431 = arith.index_cast %mul3A_11 : i32 to index
      %get3A_432 = tpu.vector_load %arg7[%get3A_430, %get3A_431] {strides = array<i32>} : memref<64x256xf32, #tpu.memory_space<vmem>>, vector<1x16xf32>,
      %get3A_433 = vector.shape_cast %get3A_432 : vector<1x16xf32> to vector<16xf32>
      %get3A_434 = arith.constant 19 : i32
      %get3A_435 = arith.index_cast %get3A_434 : i32 to index
      %get3A_436 = arith.constant 0 : index
      %get3A_437 = tpu.vector_load %arg8[%get3A_435, %get3A_436] {strides = array<i32>} : memref<64x16xf32, #tpu.memory_space<vmem>>, vector<1x16xf32>,
      %get3A_438 = vector.shape_cast %get3A_437 : vector<1x16xf32> to vector<16xf32>
      %add3A_439 = arith.addf %get3A_433, %get3A_438 : vector<16xf32>
      %get3A_440 = arith.constant 19 : i32
      %get3A_441 = arith.index_cast %get3A_440 : i32 to index
      %get3A_442 = arith.constant 0 : index
      %get3A_443 = tpu.vector_load %arg9[%get3A_441, %get3A_442] {strides = array<i32>} : memref<64x16xf32, #tpu.memory_space<vmem>>, vector<1x16xf32>,
      %get3A_444 = vector.shape_cast %get3A_443 : vector<1x16xf32> to vector<16xf32>
      %mul3A_445 = arith.mulf %get3A_433, %get3A_444 : vector<16xf32>
      %add3A_446 = arith.constant 1.000000e+00 : f32
      %add3A_447 = vector.broadcast %add3A_446 : f32 to vector<16xf32>
      %add3A_448 = arith.addf %add3A_447, %mul3A_445 : vector<16xf32>
      %broadcast_in_dim3A_449 = arith.constant 19 : i32
      %broadcast_in_dim3A_450 = vector.broadcast %broadcast_in_dim3A_449 : i32 to vector<16xi32>
      %get3A_451 = arith.constant 20 : i32
      %get3A_452 = arith.index_cast %get3A_451 : i32 to index
      %get3A_453 = arith.index_cast %mul3A_11 : i32 to index
      %get3A_454 = tpu.vector_load %arg7[%get3A_452, %get3A_453] {strides = array<i32>} : memref<64x256xf32, #tpu.memory_space<vmem>>, vector<1x16xf32>,
      %get3A_455 = vector.shape_cast %get3A_454 : vector<1x16xf32> to vector<16xf32>
      %get3A_456 = arith.constant 20 : i32
      %get3A_457 = arith.index_cast %get3A_456 : i32 to index
      %get3A_458 = arith.constant 0 : index
      %get3A_459 = tpu.vector_load %arg8[%get3A_457, %get3A_458] {strides = array<i32>} : memref<64x16xf32, #tpu.memory_space<vmem>>, vector<1x16xf32>,
      %get3A_460 = vector.shape_cast %get3A_459 : vector<1x16xf32> to vector<16xf32>
      %add3A_461 = arith.addf %get3A_455, %get3A_460 : vector<16xf32>
      %get3A_462 = arith.constant 20 : i32
      %get3A_463 = arith.index_cast %get3A_462 : i32 to index
      %get3A_464 = arith.constant 0 : index
      %get3A_465 = tpu.vector_load %arg9[%get3A_463, %get3A_464] {strides = array<i32>} : memref<64x16xf32, #tpu.memory_space<vmem>>, vector<1x16xf32>,
      %get3A_466 = vector.shape_cast %get3A_465 : vector<1x16xf32> to vector<16xf32>
      %mul3A_467 = arith.mulf %get3A_455, %get3A_466 : vector<16xf32>
      %add3A_468 = arith.constant 1.000000e+00 : f32
      %add3A_469 = vector.broadcast %add3A_468 : f32 to vector<16xf32>
      %add3A_470 = arith.addf %add3A_469, %mul3A_467 : vector<16xf32>
      %broadcast_in_dim3A_471 = arith.constant 20 : i32
      %broadcast_in_dim3A_472 = vector.broadcast %broadcast_in_dim3A_471 : i32 to vector<16xi32>
      %get3A_473 = arith.constant 21 : i32
      %get3A_474 = arith.index_cast %get3A_473 : i32 to index
      %get3A_475 = arith.index_cast %mul3A_11 : i32 to index
      %get3A_476 = tpu.vector_load %arg7[%get3A_474, %get3A_475] {strides = array<i32>} : memref<64x256xf32, #tpu.memory_space<vmem>>, vector<1x16xf32>,
      %get3A_477 = vector.shape_cast %get3A_476 : vector<1x16xf32> to vector<16xf32>
      %get3A_478 = arith.constant 21 : i32
      %get3A_479 = arith.index_cast %get3A_478 : i32 to index
      %get3A_480 = arith.constant 0 : index
      %get3A_481 = tpu.vector_load %arg8[%get3A_479, %get3A_480] {strides = array<i32>} : memref<64x16xf32, #tpu.memory_space<vmem>>, vector<1x16xf32>,
      %get3A_482 = vector.shape_cast %get3A_481 : vector<1x16xf32> to vector<16xf32>
      %add3A_483 = arith.addf %get3A_477, %get3A_482 : vector<16xf32>
      %get3A_484 = arith.constant 21 : i32
      %get3A_485 = arith.index_cast %get3A_484 : i32 to index
      %get3A_486 = arith.constant 0 : index
      %get3A_487 = tpu.vector_load %arg9[%get3A_485, %get3A_486] {strides = array<i32>} : memref<64x16xf32, #tpu.memory_space<vmem>>, vector<1x16xf32>,
      %get3A_488 = vector.shape_cast %get3A_487 : vector<1x16xf32> to vector<16xf32>
      %mul3A_489 = arith.mulf %get3A_477, %get3A_488 : vector<16xf32>
      %add3A_490 = arith.constant 1.000000e+00 : f32
      %add3A_491 = vector.broadcast %add3A_490 : f32 to vector<16xf32>
      %add3A_492 = arith.addf %add3A_491, %mul3A_489 : vector<16xf32>
      %broadcast_in_dim3A_493 = arith.constant 21 : i32
      %broadcast_in_dim3A_494 = vector.broadcast %broadcast_in_dim3A_493 : i32 to vector<16xi32>
      %get3A_495 = arith.constant 22 : i32
      %get3A_496 = arith.index_cast %get3A_495 : i32 to index
      %get3A_497 = arith.index_cast %mul3A_11 : i32 to index
      %get3A_498 = tpu.vector_load %arg7[%get3A_496, %get3A_497] {strides = array<i32>} : memref<64x256xf32, #tpu.memory_space<vmem>>, vector<1x16xf32>,
      %get3A_499 = vector.shape_cast %get3A_498 : vector<1x16xf32> to vector<16xf32>
      %get3A_500 = arith.constant 22 : i32
      %get3A_501 = arith.index_cast %get3A_500 : i32 to index
      %get3A_502 = arith.constant 0 : index
      %get3A_503 = tpu.vector_load %arg8[%get3A_501, %get3A_502] {strides = array<i32>} : memref<64x16xf32, #tpu.memory_space<vmem>>, vector<1x16xf32>,
      %get3A_504 = vector.shape_cast %get3A_503 : vector<1x16xf32> to vector<16xf32>
      %add3A_505 = arith.addf %get3A_499, %get3A_504 : vector<16xf32>
      %get3A_506 = arith.constant 22 : i32
      %get3A_507 = arith.index_cast %get3A_506 : i32 to index
      %get3A_508 = arith.constant 0 : index
      %get3A_509 = tpu.vector_load %arg9[%get3A_507, %get3A_508] {strides = array<i32>} : memref<64x16xf32, #tpu.memory_space<vmem>>, vector<1x16xf32>,
      %get3A_510 = vector.shape_cast %get3A_509 : vector<1x16xf32> to vector<16xf32>
      %mul3A_511 = arith.mulf %get3A_499, %get3A_510 : vector<16xf32>
      %add3A_512 = arith.constant 1.000000e+00 : f32
      %add3A_513 = vector.broadcast %add3A_512 : f32 to vector<16xf32>
      %add3A_514 = arith.addf %add3A_513, %mul3A_511 : vector<16xf32>
      %broadcast_in_dim3A_515 = arith.constant 22 : i32
      %broadcast_in_dim3A_516 = vector.broadcast %broadcast_in_dim3A_515 : i32 to vector<16xi32>
      %get3A_517 = arith.constant 23 : i32
      %get3A_518 = arith.index_cast %get3A_517 : i32 to index
      %get3A_519 = arith.index_cast %mul3A_11 : i32 to index
      %get3A_520 = tpu.vector_load %arg7[%get3A_518, %get3A_519] {strides = array<i32>} : memref<64x256xf32, #tpu.memory_space<vmem>>, vector<1x16xf32>,
      %get3A_521 = vector.shape_cast %get3A_520 : vector<1x16xf32> to vector<16xf32>
      %get3A_522 = arith.constant 23 : i32
      %get3A_523 = arith.index_cast %get3A_522 : i32 to index
      %get3A_524 = arith.constant 0 : index
      %get3A_525 = tpu.vector_load %arg8[%get3A_523, %get3A_524] {strides = array<i32>} : memref<64x16xf32, #tpu.memory_space<vmem>>, vector<1x16xf32>,
      %get3A_526 = vector.shape_cast %get3A_525 : vector<1x16xf32> to vector<16xf32>
      %add3A_527 = arith.addf %get3A_521, %get3A_526 : vector<16xf32>
      %get3A_528 = arith.constant 23 : i32
      %get3A_529 = arith.index_cast %get3A_528 : i32 to index
      %get3A_530 = arith.constant 0 : index
      %get3A_531 = tpu.vector_load %arg9[%get3A_529, %get3A_530] {strides = array<i32>} : memref<64x16xf32, #tpu.memory_space<vmem>>, vector<1x16xf32>,
      %get3A_532 = vector.shape_cast %get3A_531 : vector<1x16xf32> to vector<16xf32>
      %mul3A_533 = arith.mulf %get3A_521, %get3A_532 : vector<16xf32>
      %add3A_534 = arith.constant 1.000000e+00 : f32
      %add3A_535 = vector.broadcast %add3A_534 : f32 to vector<16xf32>
      %add3A_536 = arith.addf %add3A_535, %mul3A_533 : vector<16xf32>
      %broadcast_in_dim3A_537 = arith.constant 23 : i32
      %broadcast_in_dim3A_538 = vector.broadcast %broadcast_in_dim3A_537 : i32 to vector<16xi32>
      %get3A_539 = arith.constant 24 : i32
      %get3A_540 = arith.index_cast %get3A_539 : i32 to index
      %get3A_541 = arith.index_cast %mul3A_11 : i32 to index
      %get3A_542 = tpu.vector_load %arg7[%get3A_540, %get3A_541] {strides = array<i32>} : memref<64x256xf32, #tpu.memory_space<vmem>>, vector<1x16xf32>,
      %get3A_543 = vector.shape_cast %get3A_542 : vector<1x16xf32> to vector<16xf32>
      %get3A_544 = arith.constant 24 : i32
      %get3A_545 = arith.index_cast %get3A_544 : i32 to index
      %get3A_546 = arith.constant 0 : index
      %get3A_547 = tpu.vector_load %arg8[%get3A_545, %get3A_546] {strides = array<i32>} : memref<64x16xf32, #tpu.memory_space<vmem>>, vector<1x16xf32>,
      %get3A_548 = vector.shape_cast %get3A_547 : vector<1x16xf32> to vector<16xf32>
      %add3A_549 = arith.addf %get3A_543, %get3A_548 : vector<16xf32>
      %get3A_550 = arith.constant 24 : i32
      %get3A_551 = arith.index_cast %get3A_550 : i32 to index
      %get3A_552 = arith.constant 0 : index
      %get3A_553 = tpu.vector_load %arg9[%get3A_551, %get3A_552] {strides = array<i32>} : memref<64x16xf32, #tpu.memory_space<vmem>>, vector<1x16xf32>,
      %get3A_554 = vector.shape_cast %get3A_553 : vector<1x16xf32> to vector<16xf32>
      %mul3A_555 = arith.mulf %get3A_543, %get3A_554 : vector<16xf32>
      %add3A_556 = arith.constant 1.000000e+00 : f32
      %add3A_557 = vector.broadcast %add3A_556 : f32 to vector<16xf32>
      %add3A_558 = arith.addf %add3A_557, %mul3A_555 : vector<16xf32>
      %broadcast_in_dim3A_559 = arith.constant 24 : i32
      %broadcast_in_dim3A_560 = vector.broadcast %broadcast_in_dim3A_559 : i32 to vector<16xi32>
      %get3A_561 = arith.constant 25 : i32
      %get3A_562 = arith.index_cast %get3A_561 : i32 to index
      %get3A_563 = arith.index_cast %mul3A_11 : i32 to index
      %get3A_564 = tpu.vector_load %arg7[%get3A_562, %get3A_563] {strides = array<i32>} : memref<64x256xf32, #tpu.memory_space<vmem>>, vector<1x16xf32>,
      %get3A_565 = vector.shape_cast %get3A_564 : vector<1x16xf32> to vector<16xf32>
      %get3A_566 = arith.constant 25 : i32
      %get3A_567 = arith.index_cast %get3A_566 : i32 to index
      %get3A_568 = arith.constant 0 : index
      %get3A_569 = tpu.vector_load %arg8[%get3A_567, %get3A_568] {strides = array<i32>} : memref<64x16xf32, #tpu.memory_space<vmem>>, vector<1x16xf32>,
      %get3A_570 = vector.shape_cast %get3A_569 : vector<1x16xf32> to vector<16xf32>
      %add3A_571 = arith.addf %get3A_565, %get3A_570 : vector<16xf32>
      %get3A_572 = arith.constant 25 : i32
      %get3A_573 = arith.index_cast %get3A_572 : i32 to index
      %get3A_574 = arith.constant 0 : index
      %get3A_575 = tpu.vector_load %arg9[%get3A_573, %get3A_574] {strides = array<i32>} : memref<64x16xf32, #tpu.memory_space<vmem>>, vector<1x16xf32>,
      %get3A_576 = vector.shape_cast %get3A_575 : vector<1x16xf32> to vector<16xf32>
      %mul3A_577 = arith.mulf %get3A_565, %get3A_576 : vector<16xf32>
      %add3A_578 = arith.constant 1.000000e+00 : f32
      %add3A_579 = vector.broadcast %add3A_578 : f32 to vector<16xf32>
      %add3A_580 = arith.addf %add3A_579, %mul3A_577 : vector<16xf32>
      %broadcast_in_dim3A_581 = arith.constant 25 : i32
      %broadcast_in_dim3A_582 = vector.broadcast %broadcast_in_dim3A_581 : i32 to vector<16xi32>
      %get3A_583 = arith.constant 26 : i32
      %get3A_584 = arith.index_cast %get3A_583 : i32 to index
      %get3A_585 = arith.index_cast %mul3A_11 : i32 to index
      %get3A_586 = tpu.vector_load %arg7[%get3A_584, %get3A_585] {strides = array<i32>} : memref<64x256xf32, #tpu.memory_space<vmem>>, vector<1x16xf32>,
      %get3A_587 = vector.shape_cast %get3A_586 : vector<1x16xf32> to vector<16xf32>
      %get3A_588 = arith.constant 26 : i32
      %get3A_589 = arith.index_cast %get3A_588 : i32 to index
      %get3A_590 = arith.constant 0 : index
      %get3A_591 = tpu.vector_load %arg8[%get3A_589, %get3A_590] {strides = array<i32>} : memref<64x16xf32, #tpu.memory_space<vmem>>, vector<1x16xf32>,
      %get3A_592 = vector.shape_cast %get3A_591 : vector<1x16xf32> to vector<16xf32>
      %add3A_593 = arith.addf %get3A_587, %get3A_592 : vector<16xf32>
      %get3A_594 = arith.constant 26 : i32
      %get3A_595 = arith.index_cast %get3A_594 : i32 to index
      %get3A_596 = arith.constant 0 : index
      %get3A_597 = tpu.vector_load %arg9[%get3A_595, %get3A_596] {strides = array<i32>} : memref<64x16xf32, #tpu.memory_space<vmem>>, vector<1x16xf32>,
      %get3A_598 = vector.shape_cast %get3A_597 : vector<1x16xf32> to vector<16xf32>
      %mul3A_599 = arith.mulf %get3A_587, %get3A_598 : vector<16xf32>
      %add3A_600 = arith.constant 1.000000e+00 : f32
      %add3A_601 = vector.broadcast %add3A_600 : f32 to vector<16xf32>
      %add3A_602 = arith.addf %add3A_601, %mul3A_599 : vector<16xf32>
      %broadcast_in_dim3A_603 = arith.constant 26 : i32
      %broadcast_in_dim3A_604 = vector.broadcast %broadcast_in_dim3A_603 : i32 to vector<16xi32>
      %get3A_605 = arith.constant 27 : i32
      %get3A_606 = arith.index_cast %get3A_605 : i32 to index
      %get3A_607 = arith.index_cast %mul3A_11 : i32 to index
      %get3A_608 = tpu.vector_load %arg7[%get3A_606, %get3A_607] {strides = array<i32>} : memref<64x256xf32, #tpu.memory_space<vmem>>, vector<1x16xf32>,
      %get3A_609 = vector.shape_cast %get3A_608 : vector<1x16xf32> to vector<16xf32>
      %get3A_610 = arith.constant 27 : i32
      %get3A_611 = arith.index_cast %get3A_610 : i32 to index
      %get3A_612 = arith.constant 0 : index
      %get3A_613 = tpu.vector_load %arg8[%get3A_611, %get3A_612] {strides = array<i32>} : memref<64x16xf32, #tpu.memory_space<vmem>>, vector<1x16xf32>,
      %get3A_614 = vector.shape_cast %get3A_613 : vector<1x16xf32> to vector<16xf32>
      %add3A_615 = arith.addf %get3A_609, %get3A_614 : vector<16xf32>
      %get3A_616 = arith.constant 27 : i32
      %get3A_617 = arith.index_cast %get3A_616 : i32 to index
      %get3A_618 = arith.constant 0 : index
      %get3A_619 = tpu.vector_load %arg9[%get3A_617, %get3A_618] {strides = array<i32>} : memref<64x16xf32, #tpu.memory_space<vmem>>, vector<1x16xf32>,
      %get3A_620 = vector.shape_cast %get3A_619 : vector<1x16xf32> to vector<16xf32>
      %mul3A_621 = arith.mulf %get3A_609, %get3A_620 : vector<16xf32>
      %add3A_622 = arith.constant 1.000000e+00 : f32
      %add3A_623 = vector.broadcast %add3A_622 : f32 to vector<16xf32>
      %add3A_624 = arith.addf %add3A_623, %mul3A_621 : vector<16xf32>
      %broadcast_in_dim3A_625 = arith.constant 27 : i32
      %broadcast_in_dim3A_626 = vector.broadcast %broadcast_in_dim3A_625 : i32 to vector<16xi32>
      %get3A_627 = arith.constant 28 : i32
      %get3A_628 = arith.index_cast %get3A_627 : i32 to index
      %get3A_629 = arith.index_cast %mul3A_11 : i32 to index
      %get3A_630 = tpu.vector_load %arg7[%get3A_628, %get3A_629] {strides = array<i32>} : memref<64x256xf32, #tpu.memory_space<vmem>>, vector<1x16xf32>,
      %get3A_631 = vector.shape_cast %get3A_630 : vector<1x16xf32> to vector<16xf32>
      %get3A_632 = arith.constant 28 : i32
      %get3A_633 = arith.index_cast %get3A_632 : i32 to index
      %get3A_634 = arith.constant 0 : index
      %get3A_635 = tpu.vector_load %arg8[%get3A_633, %get3A_634] {strides = array<i32>} : memref<64x16xf32, #tpu.memory_space<vmem>>, vector<1x16xf32>,
      %get3A_636 = vector.shape_cast %get3A_635 : vector<1x16xf32> to vector<16xf32>
      %add3A_637 = arith.addf %get3A_631, %get3A_636 : vector<16xf32>
      %get3A_638 = arith.constant 28 : i32
      %get3A_639 = arith.index_cast %get3A_638 : i32 to index
      %get3A_640 = arith.constant 0 : index
      %get3A_641 = tpu.vector_load %arg9[%get3A_639, %get3A_640] {strides = array<i32>} : memref<64x16xf32, #tpu.memory_space<vmem>>, vector<1x16xf32>,
      %get3A_642 = vector.shape_cast %get3A_641 : vector<1x16xf32> to vector<16xf32>
      %mul3A_643 = arith.mulf %get3A_631, %get3A_642 : vector<16xf32>
      %add3A_644 = arith.constant 1.000000e+00 : f32
      %add3A_645 = vector.broadcast %add3A_644 : f32 to vector<16xf32>
      %add3A_646 = arith.addf %add3A_645, %mul3A_643 : vector<16xf32>
      %broadcast_in_dim3A_647 = arith.constant 28 : i32
      %broadcast_in_dim3A_648 = vector.broadcast %broadcast_in_dim3A_647 : i32 to vector<16xi32>
      %get3A_649 = arith.constant 29 : i32
      %get3A_650 = arith.index_cast %get3A_649 : i32 to index
      %get3A_651 = arith.index_cast %mul3A_11 : i32 to index
      %get3A_652 = tpu.vector_load %arg7[%get3A_650, %get3A_651] {strides = array<i32>} : memref<64x256xf32, #tpu.memory_space<vmem>>, vector<1x16xf32>,
      %get3A_653 = vector.shape_cast %get3A_652 : vector<1x16xf32> to vector<16xf32>
      %get3A_654 = arith.constant 29 : i32
      %get3A_655 = arith.index_cast %get3A_654 : i32 to index
      %get3A_656 = arith.constant 0 : index
      %get3A_657 = tpu.vector_load %arg8[%get3A_655, %get3A_656] {strides = array<i32>} : memref<64x16xf32, #tpu.memory_space<vmem>>, vector<1x16xf32>,
      %get3A_658 = vector.shape_cast %get3A_657 : vector<1x16xf32> to vector<16xf32>
      %add3A_659 = arith.addf %get3A_653, %get3A_658 : vector<16xf32>
      %get3A_660 = arith.constant 29 : i32
      %get3A_661 = arith.index_cast %get3A_660 : i32 to index
      %get3A_662 = arith.constant 0 : index
      %get3A_663 = tpu.vector_load %arg9[%get3A_661, %get3A_662] {strides = array<i32>} : memref<64x16xf32, #tpu.memory_space<vmem>>, vector<1x16xf32>,
      %get3A_664 = vector.shape_cast %get3A_663 : vector<1x16xf32> to vector<16xf32>
      %mul3A_665 = arith.mulf %get3A_653, %get3A_664 : vector<16xf32>
      %add3A_666 = arith.constant 1.000000e+00 : f32
      %add3A_667 = vector.broadcast %add3A_666 : f32 to vector<16xf32>
      %add3A_668 = arith.addf %add3A_667, %mul3A_665 : vector<16xf32>
      %broadcast_in_dim3A_669 = arith.constant 29 : i32
      %broadcast_in_dim3A_670 = vector.broadcast %broadcast_in_dim3A_669 : i32 to vector<16xi32>
      %get3A_671 = arith.constant 30 : i32
      %get3A_672 = arith.index_cast %get3A_671 : i32 to index
      %get3A_673 = arith.index_cast %mul3A_11 : i32 to index
      %get3A_674 = tpu.vector_load %arg7[%get3A_672, %get3A_673] {strides = array<i32>} : memref<64x256xf32, #tpu.memory_space<vmem>>, vector<1x16xf32>,
      %get3A_675 = vector.shape_cast %get3A_674 : vector<1x16xf32> to vector<16xf32>
      %get3A_676 = arith.constant 30 : i32
      %get3A_677 = arith.index_cast %get3A_676 : i32 to index
      %get3A_678 = arith.constant 0 : index
      %get3A_679 = tpu.vector_load %arg8[%get3A_677, %get3A_678] {strides = array<i32>} : memref<64x16xf32, #tpu.memory_space<vmem>>, vector<1x16xf32>,
      %get3A_680 = vector.shape_cast %get3A_679 : vector<1x16xf32> to vector<16xf32>
      %add3A_681 = arith.addf %get3A_675, %get3A_680 : vector<16xf32>
      %get3A_682 = arith.constant 30 : i32
      %get3A_683 = arith.index_cast %get3A_682 : i32 to index
      %get3A_684 = arith.constant 0 : index
      %get3A_685 = tpu.vector_load %arg9[%get3A_683, %get3A_684] {strides = array<i32>} : memref<64x16xf32, #tpu.memory_space<vmem>>, vector<1x16xf32>,
      %get3A_686 = vector.shape_cast %get3A_685 : vector<1x16xf32> to vector<16xf32>
      %mul3A_687 = arith.mulf %get3A_675, %get3A_686 : vector<16xf32>
      %add3A_688 = arith.constant 1.000000e+00 : f32
      %add3A_689 = vector.broadcast %add3A_688 : f32 to vector<16xf32>
      %add3A_690 = arith.addf %add3A_689, %mul3A_687 : vector<16xf32>
      %broadcast_in_dim3A_691 = arith.constant 30 : i32
      %broadcast_in_dim3A_692 = vector.broadcast %broadcast_in_dim3A_691 : i32 to vector<16xi32>
      %get3A_693 = arith.constant 31 : i32
      %get3A_694 = arith.index_cast %get3A_693 : i32 to index
      %get3A_695 = arith.index_cast %mul3A_11 : i32 to index
      %get3A_696 = tpu.vector_load %arg7[%get3A_694, %get3A_695] {strides = array<i32>} : memref<64x256xf32, #tpu.memory_space<vmem>>, vector<1x16xf32>,
      %get3A_697 = vector.shape_cast %get3A_696 : vector<1x16xf32> to vector<16xf32>
      %get3A_698 = arith.constant 31 : i32
      %get3A_699 = arith.index_cast %get3A_698 : i32 to index
      %get3A_700 = arith.constant 0 : index
      %get3A_701 = tpu.vector_load %arg8[%get3A_699, %get3A_700] {strides = array<i32>} : memref<64x16xf32, #tpu.memory_space<vmem>>, vector<1x16xf32>,
      %get3A_702 = vector.shape_cast %get3A_701 : vector<1x16xf32> to vector<16xf32>
      %add3A_703 = arith.addf %get3A_697, %get3A_702 : vector<16xf32>
      %get3A_704 = arith.constant 31 : i32
      %get3A_705 = arith.index_cast %get3A_704 : i32 to index
      %get3A_706 = arith.constant 0 : index
      %get3A_707 = tpu.vector_load %arg9[%get3A_705, %get3A_706] {strides = array<i32>} : memref<64x16xf32, #tpu.memory_space<vmem>>, vector<1x16xf32>,
      %get3A_708 = vector.shape_cast %get3A_707 : vector<1x16xf32> to vector<16xf32>
      %mul3A_709 = arith.mulf %get3A_697, %get3A_708 : vector<16xf32>
      %add3A_710 = arith.constant 1.000000e+00 : f32
      %add3A_711 = vector.broadcast %add3A_710 : f32 to vector<16xf32>
      %add3A_712 = arith.addf %add3A_711, %mul3A_709 : vector<16xf32>
      %broadcast_in_dim3A_713 = arith.constant 31 : i32
      %broadcast_in_dim3A_714 = vector.broadcast %broadcast_in_dim3A_713 : i32 to vector<16xi32>
      %get3A_715 = arith.constant 32 : i32
      %get3A_716 = arith.index_cast %get3A_715 : i32 to index
      %get3A_717 = arith.index_cast %mul3A_11 : i32 to index
      %get3A_718 = tpu.vector_load %arg7[%get3A_716, %get3A_717] {strides = array<i32>} : memref<64x256xf32, #tpu.memory_space<vmem>>, vector<1x16xf32>,
      %get3A_719 = vector.shape_cast %get3A_718 : vector<1x16xf32> to vector<16xf32>
      %get3A_720 = arith.constant 32 : i32
      %get3A_721 = arith.index_cast %get3A_720 : i32 to index
      %get3A_722 = arith.constant 0 : index
      %get3A_723 = tpu.vector_load %arg8[%get3A_721, %get3A_722] {strides = array<i32>} : memref<64x16xf32, #tpu.memory_space<vmem>>, vector<1x16xf32>,
      %get3A_724 = vector.shape_cast %get3A_723 : vector<1x16xf32> to vector<16xf32>
      %add3A_725 = arith.addf %get3A_719, %get3A_724 : vector<16xf32>
      %get3A_726 = arith.constant 32 : i32
      %get3A_727 = arith.index_cast %get3A_726 : i32 to index
      %get3A_728 = arith.constant 0 : index
      %get3A_729 = tpu.vector_load %arg9[%get3A_727, %get3A_728] {strides = array<i32>} : memref<64x16xf32, #tpu.memory_space<vmem>>, vector<1x16xf32>,
      %get3A_730 = vector.shape_cast %get3A_729 : vector<1x16xf32> to vector<16xf32>
      %mul3A_731 = arith.mulf %get3A_719, %get3A_730 : vector<16xf32>
      %add3A_732 = arith.constant 1.000000e+00 : f32
      %add3A_733 = vector.broadcast %add3A_732 : f32 to vector<16xf32>
      %add3A_734 = arith.addf %add3A_733, %mul3A_731 : vector<16xf32>
      %broadcast_in_dim3A_735 = arith.constant 32 : i32
      %broadcast_in_dim3A_736 = vector.broadcast %broadcast_in_dim3A_735 : i32 to vector<16xi32>
      %get3A_737 = arith.constant 33 : i32
      %get3A_738 = arith.index_cast %get3A_737 : i32 to index
      %get3A_739 = arith.index_cast %mul3A_11 : i32 to index
      %get3A_740 = tpu.vector_load %arg7[%get3A_738, %get3A_739] {strides = array<i32>} : memref<64x256xf32, #tpu.memory_space<vmem>>, vector<1x16xf32>,
      %get3A_741 = vector.shape_cast %get3A_740 : vector<1x16xf32> to vector<16xf32>
      %get3A_742 = arith.constant 33 : i32
      %get3A_743 = arith.index_cast %get3A_742 : i32 to index
      %get3A_744 = arith.constant 0 : index
      %get3A_745 = tpu.vector_load %arg8[%get3A_743, %get3A_744] {strides = array<i32>} : memref<64x16xf32, #tpu.memory_space<vmem>>, vector<1x16xf32>,
      %get3A_746 = vector.shape_cast %get3A_745 : vector<1x16xf32> to vector<16xf32>
      %add3A_747 = arith.addf %get3A_741, %get3A_746 : vector<16xf32>
      %get3A_748 = arith.constant 33 : i32
      %get3A_749 = arith.index_cast %get3A_748 : i32 to index
      %get3A_750 = arith.constant 0 : index
      %get3A_751 = tpu.vector_load %arg9[%get3A_749, %get3A_750] {strides = array<i32>} : memref<64x16xf32, #tpu.memory_space<vmem>>, vector<1x16xf32>,
      %get3A_752 = vector.shape_cast %get3A_751 : vector<1x16xf32> to vector<16xf32>
      %mul3A_753 = arith.mulf %get3A_741, %get3A_752 : vector<16xf32>
      %add3A_754 = arith.constant 1.000000e+00 : f32
      %add3A_755 = vector.broadcast %add3A_754 : f32 to vector<16xf32>
      %add3A_756 = arith.addf %add3A_755, %mul3A_753 : vector<16xf32>
      %broadcast_in_dim3A_757 = arith.constant 33 : i32
      %broadcast_in_dim3A_758 = vector.broadcast %broadcast_in_dim3A_757 : i32 to vector<16xi32>
      %get3A_759 = arith.constant 34 : i32
      %get3A_760 = arith.index_cast %get3A_759 : i32 to index
      %get3A_761 = arith.index_cast %mul3A_11 : i32 to index
      %get3A_762 = tpu.vector_load %arg7[%get3A_760, %get3A_761] {strides = array<i32>} : memref<64x256xf32, #tpu.memory_space<vmem>>, vector<1x16xf32>,
      %get3A_763 = vector.shape_cast %get3A_762 : vector<1x16xf32> to vector<16xf32>
      %get3A_764 = arith.constant 34 : i32
      %get3A_765 = arith.index_cast %get3A_764 : i32 to index
      %get3A_766 = arith.constant 0 : index
      %get3A_767 = tpu.vector_load %arg8[%get3A_765, %get3A_766] {strides = array<i32>} : memref<64x16xf32, #tpu.memory_space<vmem>>, vector<1x16xf32>,
      %get3A_768 = vector.shape_cast %get3A_767 : vector<1x16xf32> to vector<16xf32>
      %add3A_769 = arith.addf %get3A_763, %get3A_768 : vector<16xf32>
      %get3A_770 = arith.constant 34 : i32
      %get3A_771 = arith.index_cast %get3A_770 : i32 to index
      %get3A_772 = arith.constant 0 : index
      %get3A_773 = tpu.vector_load %arg9[%get3A_771, %get3A_772] {strides = array<i32>} : memref<64x16xf32, #tpu.memory_space<vmem>>, vector<1x16xf32>,
      %get3A_774 = vector.shape_cast %get3A_773 : vector<1x16xf32> to vector<16xf32>
      %mul3A_775 = arith.mulf %get3A_763, %get3A_774 : vector<16xf32>
      %add3A_776 = arith.constant 1.000000e+00 : f32
      %add3A_777 = vector.broadcast %add3A_776 : f32 to vector<16xf32>
      %add3A_778 = arith.addf %add3A_777, %mul3A_775 : vector<16xf32>
      %broadcast_in_dim3A_779 = arith.constant 34 : i32
      %broadcast_in_dim3A_780 = vector.broadcast %broadcast_in_dim3A_779 : i32 to vector<16xi32>
      %get3A_781 = arith.constant 35 : i32
      %get3A_782 = arith.index_cast %get3A_781 : i32 to index
      %get3A_783 = arith.index_cast %mul3A_11 : i32 to index
      %get3A_784 = tpu.vector_load %arg7[%get3A_782, %get3A_783] {strides = array<i32>} : memref<64x256xf32, #tpu.memory_space<vmem>>, vector<1x16xf32>,
      %get3A_785 = vector.shape_cast %get3A_784 : vector<1x16xf32> to vector<16xf32>
      %get3A_786 = arith.constant 35 : i32
      %get3A_787 = arith.index_cast %get3A_786 : i32 to index
      %get3A_788 = arith.constant 0 : index
      %get3A_789 = tpu.vector_load %arg8[%get3A_787, %get3A_788] {strides = array<i32>} : memref<64x16xf32, #tpu.memory_space<vmem>>, vector<1x16xf32>,
      %get3A_790 = vector.shape_cast %get3A_789 : vector<1x16xf32> to vector<16xf32>
      %add3A_791 = arith.addf %get3A_785, %get3A_790 : vector<16xf32>
      %get3A_792 = arith.constant 35 : i32
      %get3A_793 = arith.index_cast %get3A_792 : i32 to index
      %get3A_794 = arith.constant 0 : index
      %get3A_795 = tpu.vector_load %arg9[%get3A_793, %get3A_794] {strides = array<i32>} : memref<64x16xf32, #tpu.memory_space<vmem>>, vector<1x16xf32>,
      %get3A_796 = vector.shape_cast %get3A_795 : vector<1x16xf32> to vector<16xf32>
      %mul3A_797 = arith.mulf %get3A_785, %get3A_796 : vector<16xf32>
      %add3A_798 = arith.constant 1.000000e+00 : f32
      %add3A_799 = vector.broadcast %add3A_798 : f32 to vector<16xf32>
      %add3A_800 = arith.addf %add3A_799, %mul3A_797 : vector<16xf32>
      %broadcast_in_dim3A_801 = arith.constant 35 : i32
      %broadcast_in_dim3A_802 = vector.broadcast %broadcast_in_dim3A_801 : i32 to vector<16xi32>
      %get3A_803 = arith.constant 36 : i32
      %get3A_804 = arith.index_cast %get3A_803 : i32 to index
      %get3A_805 = arith.index_cast %mul3A_11 : i32 to index
      %get3A_806 = tpu.vector_load %arg7[%get3A_804, %get3A_805] {strides = array<i32>} : memref<64x256xf32, #tpu.memory_space<vmem>>, vector<1x16xf32>,
      %get3A_807 = vector.shape_cast %get3A_806 : vector<1x16xf32> to vector<16xf32>
      %get3A_808 = arith.constant 36 : i32
      %get3A_809 = arith.index_cast %get3A_808 : i32 to index
      %get3A_810 = arith.constant 0 : index
      %get3A_811 = tpu.vector_load %arg8[%get3A_809, %get3A_810] {strides = array<i32>} : memref<64x16xf32, #tpu.memory_space<vmem>>, vector<1x16xf32>,
      %get3A_812 = vector.shape_cast %get3A_811 : vector<1x16xf32> to vector<16xf32>
      %add3A_813 = arith.addf %get3A_807, %get3A_812 : vector<16xf32>
      %get3A_814 = arith.constant 36 : i32
      %get3A_815 = arith.index_cast %get3A_814 : i32 to index
      %get3A_816 = arith.constant 0 : index
      %get3A_817 = tpu.vector_load %arg9[%get3A_815, %get3A_816] {strides = array<i32>} : memref<64x16xf32, #tpu.memory_space<vmem>>, vector<1x16xf32>,
      %get3A_818 = vector.shape_cast %get3A_817 : vector<1x16xf32> to vector<16xf32>
      %mul3A_819 = arith.mulf %get3A_807, %get3A_818 : vector<16xf32>
      %add3A_820 = arith.constant 1.000000e+00 : f32
      %add3A_821 = vector.broadcast %add3A_820 : f32 to vector<16xf32>
      %add3A_822 = arith.addf %add3A_821, %mul3A_819 : vector<16xf32>
      %broadcast_in_dim3A_823 = arith.constant 36 : i32
      %broadcast_in_dim3A_824 = vector.broadcast %broadcast_in_dim3A_823 : i32 to vector<16xi32>
      %get3A_825 = arith.constant 37 : i32
      %get3A_826 = arith.index_cast %get3A_825 : i32 to index
      %get3A_827 = arith.index_cast %mul3A_11 : i32 to index
      %get3A_828 = tpu.vector_load %arg7[%get3A_826, %get3A_827] {strides = array<i32>} : memref<64x256xf32, #tpu.memory_space<vmem>>, vector<1x16xf32>,
      %get3A_829 = vector.shape_cast %get3A_828 : vector<1x16xf32> to vector<16xf32>
      %get3A_830 = arith.constant 37 : i32
      %get3A_831 = arith.index_cast %get3A_830 : i32 to index
      %get3A_832 = arith.constant 0 : index
      %get3A_833 = tpu.vector_load %arg8[%get3A_831, %get3A_832] {strides = array<i32>} : memref<64x16xf32, #tpu.memory_space<vmem>>, vector<1x16xf32>,
      %get3A_834 = vector.shape_cast %get3A_833 : vector<1x16xf32> to vector<16xf32>
      %add3A_835 = arith.addf %get3A_829, %get3A_834 : vector<16xf32>
      %get3A_836 = arith.constant 37 : i32
      %get3A_837 = arith.index_cast %get3A_836 : i32 to index
      %get3A_838 = arith.constant 0 : index
      %get3A_839 = tpu.vector_load %arg9[%get3A_837, %get3A_838] {strides = array<i32>} : memref<64x16xf32, #tpu.memory_space<vmem>>, vector<1x16xf32>,
      %get3A_840 = vector.shape_cast %get3A_839 : vector<1x16xf32> to vector<16xf32>
      %mul3A_841 = arith.mulf %get3A_829, %get3A_840 : vector<16xf32>
      %add3A_842 = arith.constant 1.000000e+00 : f32
      %add3A_843 = vector.broadcast %add3A_842 : f32 to vector<16xf32>
      %add3A_844 = arith.addf %add3A_843, %mul3A_841 : vector<16xf32>
      %broadcast_in_dim3A_845 = arith.constant 37 : i32
      %broadcast_in_dim3A_846 = vector.broadcast %broadcast_in_dim3A_845 : i32 to vector<16xi32>
      %get3A_847 = arith.constant 38 : i32
      %get3A_848 = arith.index_cast %get3A_847 : i32 to index
      %get3A_849 = arith.index_cast %mul3A_11 : i32 to index
      %get3A_850 = tpu.vector_load %arg7[%get3A_848, %get3A_849] {strides = array<i32>} : memref<64x256xf32, #tpu.memory_space<vmem>>, vector<1x16xf32>,
      %get3A_851 = vector.shape_cast %get3A_850 : vector<1x16xf32> to vector<16xf32>
      %get3A_852 = arith.constant 38 : i32
      %get3A_853 = arith.index_cast %get3A_852 : i32 to index
      %get3A_854 = arith.constant 0 : index
      %get3A_855 = tpu.vector_load %arg8[%get3A_853, %get3A_854] {strides = array<i32>} : memref<64x16xf32, #tpu.memory_space<vmem>>, vector<1x16xf32>,
      %get3A_856 = vector.shape_cast %get3A_855 : vector<1x16xf32> to vector<16xf32>
      %add3A_857 = arith.addf %get3A_851, %get3A_856 : vector<16xf32>
      %get3A_858 = arith.constant 38 : i32
      %get3A_859 = arith.index_cast %get3A_858 : i32 to index
      %get3A_860 = arith.constant 0 : index
      %get3A_861 = tpu.vector_load %arg9[%get3A_859, %get3A_860] {strides = array<i32>} : memref<64x16xf32, #tpu.memory_space<vmem>>, vector<1x16xf32>,
      %get3A_862 = vector.shape_cast %get3A_861 : vector<1x16xf32> to vector<16xf32>
      %mul3A_863 = arith.mulf %get3A_851, %get3A_862 : vector<16xf32>
      %add3A_864 = arith.constant 1.000000e+00 : f32
      %add3A_865 = vector.broadcast %add3A_864 : f32 to vector<16xf32>
      %add3A_866 = arith.addf %add3A_865, %mul3A_863 : vector<16xf32>
      %broadcast_in_dim3A_867 = arith.constant 38 : i32
      %broadcast_in_dim3A_868 = vector.broadcast %broadcast_in_dim3A_867 : i32 to vector<16xi32>
      %get3A_869 = arith.constant 39 : i32
      %get3A_870 = arith.index_cast %get3A_869 : i32 to index
      %get3A_871 = arith.index_cast %mul3A_11 : i32 to index
      %get3A_872 = tpu.vector_load %arg7[%get3A_870, %get3A_871] {strides = array<i32>} : memref<64x256xf32, #tpu.memory_space<vmem>>, vector<1x16xf32>,
      %get3A_873 = vector.shape_cast %get3A_872 : vector<1x16xf32> to vector<16xf32>
      %get3A_874 = arith.constant 39 : i32
      %get3A_875 = arith.index_cast %get3A_874 : i32 to index
      %get3A_876 = arith.constant 0 : index
      %get3A_877 = tpu.vector_load %arg8[%get3A_875, %get3A_876] {strides = array<i32>} : memref<64x16xf32, #tpu.memory_space<vmem>>, vector<1x16xf32>,
      %get3A_878 = vector.shape_cast %get3A_877 : vector<1x16xf32> to vector<16xf32>
      %add3A_879 = arith.addf %get3A_873, %get3A_878 : vector<16xf32>
      %get3A_880 = arith.constant 39 : i32
      %get3A_881 = arith.index_cast %get3A_880 : i32 to index
      %get3A_882 = arith.constant 0 : index
      %get3A_883 = tpu.vector_load %arg9[%get3A_881, %get3A_882] {strides = array<i32>} : memref<64x16xf32, #tpu.memory_space<vmem>>, vector<1x16xf32>,
      %get3A_884 = vector.shape_cast %get3A_883 : vector<1x16xf32> to vector<16xf32>
      %mul3A_885 = arith.mulf %get3A_873, %get3A_884 : vector<16xf32>
      %add3A_886 = arith.constant 1.000000e+00 : f32
      %add3A_887 = vector.broadcast %add3A_886 : f32 to vector<16xf32>
      %add3A_888 = arith.addf %add3A_887, %mul3A_885 : vector<16xf32>
      %broadcast_in_dim3A_889 = arith.constant 39 : i32
      %broadcast_in_dim3A_890 = vector.broadcast %broadcast_in_dim3A_889 : i32 to vector<16xi32>
      %get3A_891 = arith.constant 40 : i32
      %get3A_892 = arith.index_cast %get3A_891 : i32 to index
      %get3A_893 = arith.index_cast %mul3A_11 : i32 to index
      %get3A_894 = tpu.vector_load %arg7[%get3A_892, %get3A_893] {strides = array<i32>} : memref<64x256xf32, #tpu.memory_space<vmem>>, vector<1x16xf32>,
      %get3A_895 = vector.shape_cast %get3A_894 : vector<1x16xf32> to vector<16xf32>
      %get3A_896 = arith.constant 40 : i32
      %get3A_897 = arith.index_cast %get3A_896 : i32 to index
      %get3A_898 = arith.constant 0 : index
      %get3A_899 = tpu.vector_load %arg8[%get3A_897, %get3A_898] {strides = array<i32>} : memref<64x16xf32, #tpu.memory_space<vmem>>, vector<1x16xf32>,
      %get3A_900 = vector.shape_cast %get3A_899 : vector<1x16xf32> to vector<16xf32>
      %add3A_901 = arith.addf %get3A_895, %get3A_900 : vector<16xf32>
      %get3A_902 = arith.constant 40 : i32
      %get3A_903 = arith.index_cast %get3A_902 : i32 to index
      %get3A_904 = arith.constant 0 : index
      %get3A_905 = tpu.vector_load %arg9[%get3A_903, %get3A_904] {strides = array<i32>} : memref<64x16xf32, #tpu.memory_space<vmem>>, vector<1x16xf32>,
      %get3A_906 = vector.shape_cast %get3A_905 : vector<1x16xf32> to vector<16xf32>
      %mul3A_907 = arith.mulf %get3A_895, %get3A_906 : vector<16xf32>
      %add3A_908 = arith.constant 1.000000e+00 : f32
      %add3A_909 = vector.broadcast %add3A_908 : f32 to vector<16xf32>
      %add3A_910 = arith.addf %add3A_909, %mul3A_907 : vector<16xf32>
      %broadcast_in_dim3A_911 = arith.constant 40 : i32
      %broadcast_in_dim3A_912 = vector.broadcast %broadcast_in_dim3A_911 : i32 to vector<16xi32>
      %get3A_913 = arith.constant 41 : i32
      %get3A_914 = arith.index_cast %get3A_913 : i32 to index
      %get3A_915 = arith.index_cast %mul3A_11 : i32 to index
      %get3A_916 = tpu.vector_load %arg7[%get3A_914, %get3A_915] {strides = array<i32>} : memref<64x256xf32, #tpu.memory_space<vmem>>, vector<1x16xf32>,
      %get3A_917 = vector.shape_cast %get3A_916 : vector<1x16xf32> to vector<16xf32>
      %get3A_918 = arith.constant 41 : i32
      %get3A_919 = arith.index_cast %get3A_918 : i32 to index
      %get3A_920 = arith.constant 0 : index
      %get3A_921 = tpu.vector_load %arg8[%get3A_919, %get3A_920] {strides = array<i32>} : memref<64x16xf32, #tpu.memory_space<vmem>>, vector<1x16xf32>,
      %get3A_922 = vector.shape_cast %get3A_921 : vector<1x16xf32> to vector<16xf32>
      %add3A_923 = arith.addf %get3A_917, %get3A_922 : vector<16xf32>
      %get3A_924 = arith.constant 41 : i32
      %get3A_925 = arith.index_cast %get3A_924 : i32 to index
      %get3A_926 = arith.constant 0 : index
      %get3A_927 = tpu.vector_load %arg9[%get3A_925, %get3A_926] {strides = array<i32>} : memref<64x16xf32, #tpu.memory_space<vmem>>, vector<1x16xf32>,
      %get3A_928 = vector.shape_cast %get3A_927 : vector<1x16xf32> to vector<16xf32>
      %mul3A_929 = arith.mulf %get3A_917, %get3A_928 : vector<16xf32>
      %add3A_930 = arith.constant 1.000000e+00 : f32
      %add3A_931 = vector.broadcast %add3A_930 : f32 to vector<16xf32>
      %add3A_932 = arith.addf %add3A_931, %mul3A_929 : vector<16xf32>
      %broadcast_in_dim3A_933 = arith.constant 41 : i32
      %broadcast_in_dim3A_934 = vector.broadcast %broadcast_in_dim3A_933 : i32 to vector<16xi32>
      %get3A_935 = arith.constant 42 : i32
      %get3A_936 = arith.index_cast %get3A_935 : i32 to index
      %get3A_937 = arith.index_cast %mul3A_11 : i32 to index
      %get3A_938 = tpu.vector_load %arg7[%get3A_936, %get3A_937] {strides = array<i32>} : memref<64x256xf32, #tpu.memory_space<vmem>>, vector<1x16xf32>,
      %get3A_939 = vector.shape_cast %get3A_938 : vector<1x16xf32> to vector<16xf32>
      %get3A_940 = arith.constant 42 : i32
      %get3A_941 = arith.index_cast %get3A_940 : i32 to index
      %get3A_942 = arith.constant 0 : index
      %get3A_943 = tpu.vector_load %arg8[%get3A_941, %get3A_942] {strides = array<i32>} : memref<64x16xf32, #tpu.memory_space<vmem>>, vector<1x16xf32>,
      %get3A_944 = vector.shape_cast %get3A_943 : vector<1x16xf32> to vector<16xf32>
      %add3A_945 = arith.addf %get3A_939, %get3A_944 : vector<16xf32>
      %get3A_946 = arith.constant 42 : i32
      %get3A_947 = arith.index_cast %get3A_946 : i32 to index
      %get3A_948 = arith.constant 0 : index
      %get3A_949 = tpu.vector_load %arg9[%get3A_947, %get3A_948] {strides = array<i32>} : memref<64x16xf32, #tpu.memory_space<vmem>>, vector<1x16xf32>,
      %get3A_950 = vector.shape_cast %get3A_949 : vector<1x16xf32> to vector<16xf32>
      %mul3A_951 = arith.mulf %get3A_939, %get3A_950 : vector<16xf32>
      %add3A_952 = arith.constant 1.000000e+00 : f32
      %add3A_953 = vector.broadcast %add3A_952 : f32 to vector<16xf32>
      %add3A_954 = arith.addf %add3A_953, %mul3A_951 : vector<16xf32>
      %broadcast_in_dim3A_955 = arith.constant 42 : i32
      %broadcast_in_dim3A_956 = vector.broadcast %broadcast_in_dim3A_955 : i32 to vector<16xi32>
      %get3A_957 = arith.constant 43 : i32
      %get3A_958 = arith.index_cast %get3A_957 : i32 to index
      %get3A_959 = arith.index_cast %mul3A_11 : i32 to index
      %get3A_960 = tpu.vector_load %arg7[%get3A_958, %get3A_959] {strides = array<i32>} : memref<64x256xf32, #tpu.memory_space<vmem>>, vector<1x16xf32>,
      %get3A_961 = vector.shape_cast %get3A_960 : vector<1x16xf32> to vector<16xf32>
      %get3A_962 = arith.constant 43 : i32
      %get3A_963 = arith.index_cast %get3A_962 : i32 to index
      %get3A_964 = arith.constant 0 : index
      %get3A_965 = tpu.vector_load %arg8[%get3A_963, %get3A_964] {strides = array<i32>} : memref<64x16xf32, #tpu.memory_space<vmem>>, vector<1x16xf32>,
      %get3A_966 = vector.shape_cast %get3A_965 : vector<1x16xf32> to vector<16xf32>
      %add3A_967 = arith.addf %get3A_961, %get3A_966 : vector<16xf32>
      %get3A_968 = arith.constant 43 : i32
      %get3A_969 = arith.index_cast %get3A_968 : i32 to index
      %get3A_970 = arith.constant 0 : index
      %get3A_971 = tpu.vector_load %arg9[%get3A_969, %get3A_970] {strides = array<i32>} : memref<64x16xf32, #tpu.memory_space<vmem>>, vector<1x16xf32>,
      %get3A_972 = vector.shape_cast %get3A_971 : vector<1x16xf32> to vector<16xf32>
      %mul3A_973 = arith.mulf %get3A_961, %get3A_972 : vector<16xf32>
      %add3A_974 = arith.constant 1.000000e+00 : f32
      %add3A_975 = vector.broadcast %add3A_974 : f32 to vector<16xf32>
      %add3A_976 = arith.addf %add3A_975, %mul3A_973 : vector<16xf32>
      %broadcast_in_dim3A_977 = arith.constant 43 : i32
      %broadcast_in_dim3A_978 = vector.broadcast %broadcast_in_dim3A_977 : i32 to vector<16xi32>
      %get3A_979 = arith.constant 44 : i32
      %get3A_980 = arith.index_cast %get3A_979 : i32 to index
      %get3A_981 = arith.index_cast %mul3A_11 : i32 to index
      %get3A_982 = tpu.vector_load %arg7[%get3A_980, %get3A_981] {strides = array<i32>} : memref<64x256xf32, #tpu.memory_space<vmem>>, vector<1x16xf32>,
      %get3A_983 = vector.shape_cast %get3A_982 : vector<1x16xf32> to vector<16xf32>
      %get3A_984 = arith.constant 44 : i32
      %get3A_985 = arith.index_cast %get3A_984 : i32 to index
      %get3A_986 = arith.constant 0 : index
      %get3A_987 = tpu.vector_load %arg8[%get3A_985, %get3A_986] {strides = array<i32>} : memref<64x16xf32, #tpu.memory_space<vmem>>, vector<1x16xf32>,
      %get3A_988 = vector.shape_cast %get3A_987 : vector<1x16xf32> to vector<16xf32>
      %add3A_989 = arith.addf %get3A_983, %get3A_988 : vector<16xf32>
      %get3A_990 = arith.constant 44 : i32
      %get3A_991 = arith.index_cast %get3A_990 : i32 to index
      %get3A_992 = arith.constant 0 : index
      %get3A_993 = tpu.vector_load %arg9[%get3A_991, %get3A_992] {strides = array<i32>} : memref<64x16xf32, #tpu.memory_space<vmem>>, vector<1x16xf32>,
      %get3A_994 = vector.shape_cast %get3A_993 : vector<1x16xf32> to vector<16xf32>
      %mul3A_995 = arith.mulf %get3A_983, %get3A_994 : vector<16xf32>
      %add3A_996 = arith.constant 1.000000e+00 : f32
      %add3A_997 = vector.broadcast %add3A_996 : f32 to vector<16xf32>
      %add3A_998 = arith.addf %add3A_997, %mul3A_995 : vector<16xf32>
      %broadcast_in_dim3A_999 = arith.constant 44 : i32
      %broadcast_in_dim3A_1000 = vector.broadcast %broadcast_in_dim3A_999 : i32 to vector<16xi32>
      %get3A_1001 = arith.constant 45 : i32
      %get3A_1002 = arith.index_cast %get3A_1001 : i32 to index
      %get3A_1003 = arith.index_cast %mul3A_11 : i32 to index
      %get3A_1004 = tpu.vector_load %arg7[%get3A_1002, %get3A_1003] {strides = array<i32>} : memref<64x256xf32, #tpu.memory_space<vmem>>, vector<1x16xf32>,
      %get3A_1005 = vector.shape_cast %get3A_1004 : vector<1x16xf32> to vector<16xf32>
      %get3A_1006 = arith.constant 45 : i32
      %get3A_1007 = arith.index_cast %get3A_1006 : i32 to index
      %get3A_1008 = arith.constant 0 : index
      %get3A_1009 = tpu.vector_load %arg8[%get3A_1007, %get3A_1008] {strides = array<i32>} : memref<64x16xf32, #tpu.memory_space<vmem>>, vector<1x16xf32>,
      %get3A_1010 = vector.shape_cast %get3A_1009 : vector<1x16xf32> to vector<16xf32>
      %add3A_1011 = arith.addf %get3A_1005, %get3A_1010 : vector<16xf32>
      %get3A_1012 = arith.constant 45 : i32
      %get3A_1013 = arith.index_cast %get3A_1012 : i32 to index
      %get3A_1014 = arith.constant 0 : index
      %get3A_1015 = tpu.vector_load %arg9[%get3A_1013, %get3A_1014] {strides = array<i32>} : memref<64x16xf32, #tpu.memory_space<vmem>>, vector<1x16xf32>,
      %get3A_1016 = vector.shape_cast %get3A_1015 : vector<1x16xf32> to vector<16xf32>
      %mul3A_1017 = arith.mulf %get3A_1005, %get3A_1016 : vector<16xf32>
      %add3A_1018 = arith.constant 1.000000e+00 : f32
      %add3A_1019 = vector.broadcast %add3A_1018 : f32 to vector<16xf32>
      %add3A_1020 = arith.addf %add3A_1019, %mul3A_1017 : vector<16xf32>
      %broadcast_in_dim3A_1021 = arith.constant 45 : i32
      %broadcast_in_dim3A_1022 = vector.broadcast %broadcast_in_dim3A_1021 : i32 to vector<16xi32>
      %get3A_1023 = arith.constant 46 : i32
      %get3A_1024 = arith.index_cast %get3A_1023 : i32 to index
      %get3A_1025 = arith.index_cast %mul3A_11 : i32 to index
      %get3A_1026 = tpu.vector_load %arg7[%get3A_1024, %get3A_1025] {strides = array<i32>} : memref<64x256xf32, #tpu.memory_space<vmem>>, vector<1x16xf32>,
      %get3A_1027 = vector.shape_cast %get3A_1026 : vector<1x16xf32> to vector<16xf32>
      %get3A_1028 = arith.constant 46 : i32
      %get3A_1029 = arith.index_cast %get3A_1028 : i32 to index
      %get3A_1030 = arith.constant 0 : index
      %get3A_1031 = tpu.vector_load %arg8[%get3A_1029, %get3A_1030] {strides = array<i32>} : memref<64x16xf32, #tpu.memory_space<vmem>>, vector<1x16xf32>,
      %get3A_1032 = vector.shape_cast %get3A_1031 : vector<1x16xf32> to vector<16xf32>
      %add3A_1033 = arith.addf %get3A_1027, %get3A_1032 : vector<16xf32>
      %get3A_1034 = arith.constant 46 : i32
      %get3A_1035 = arith.index_cast %get3A_1034 : i32 to index
      %get3A_1036 = arith.constant 0 : index
      %get3A_1037 = tpu.vector_load %arg9[%get3A_1035, %get3A_1036] {strides = array<i32>} : memref<64x16xf32, #tpu.memory_space<vmem>>, vector<1x16xf32>,
      %get3A_1038 = vector.shape_cast %get3A_1037 : vector<1x16xf32> to vector<16xf32>
      %mul3A_1039 = arith.mulf %get3A_1027, %get3A_1038 : vector<16xf32>
      %add3A_1040 = arith.constant 1.000000e+00 : f32
      %add3A_1041 = vector.broadcast %add3A_1040 : f32 to vector<16xf32>
      %add3A_1042 = arith.addf %add3A_1041, %mul3A_1039 : vector<16xf32>
      %broadcast_in_dim3A_1043 = arith.constant 46 : i32
      %broadcast_in_dim3A_1044 = vector.broadcast %broadcast_in_dim3A_1043 : i32 to vector<16xi32>
      %get3A_1045 = arith.constant 47 : i32
      %get3A_1046 = arith.index_cast %get3A_1045 : i32 to index
      %get3A_1047 = arith.index_cast %mul3A_11 : i32 to index
      %get3A_1048 = tpu.vector_load %arg7[%get3A_1046, %get3A_1047] {strides = array<i32>} : memref<64x256xf32, #tpu.memory_space<vmem>>, vector<1x16xf32>,
      %get3A_1049 = vector.shape_cast %get3A_1048 : vector<1x16xf32> to vector<16xf32>
      %get3A_1050 = arith.constant 47 : i32
      %get3A_1051 = arith.index_cast %get3A_1050 : i32 to index
      %get3A_1052 = arith.constant 0 : index
      %get3A_1053 = tpu.vector_load %arg8[%get3A_1051, %get3A_1052] {strides = array<i32>} : memref<64x16xf32, #tpu.memory_space<vmem>>, vector<1x16xf32>,
      %get3A_1054 = vector.shape_cast %get3A_1053 : vector<1x16xf32> to vector<16xf32>
      %add3A_1055 = arith.addf %get3A_1049, %get3A_1054 : vector<16xf32>
      %get3A_1056 = arith.constant 47 : i32
      %get3A_1057 = arith.index_cast %get3A_1056 : i32 to index
      %get3A_1058 = arith.constant 0 : index
      %get3A_1059 = tpu.vector_load %arg9[%get3A_1057, %get3A_1058] {strides = array<i32>} : memref<64x16xf32, #tpu.memory_space<vmem>>, vector<1x16xf32>,
      %get3A_1060 = vector.shape_cast %get3A_1059 : vector<1x16xf32> to vector<16xf32>
      %mul3A_1061 = arith.mulf %get3A_1049, %get3A_1060 : vector<16xf32>
      %add3A_1062 = arith.constant 1.000000e+00 : f32
      %add3A_1063 = vector.broadcast %add3A_1062 : f32 to vector<16xf32>
      %add3A_1064 = arith.addf %add3A_1063, %mul3A_1061 : vector<16xf32>
      %broadcast_in_dim3A_1065 = arith.constant 47 : i32
      %broadcast_in_dim3A_1066 = vector.broadcast %broadcast_in_dim3A_1065 : i32 to vector<16xi32>
      %get3A_1067 = arith.constant 48 : i32
      %get3A_1068 = arith.index_cast %get3A_1067 : i32 to index
      %get3A_1069 = arith.index_cast %mul3A_11 : i32 to index
      %get3A_1070 = tpu.vector_load %arg7[%get3A_1068, %get3A_1069] {strides = array<i32>} : memref<64x256xf32, #tpu.memory_space<vmem>>, vector<1x16xf32>,
      %get3A_1071 = vector.shape_cast %get3A_1070 : vector<1x16xf32> to vector<16xf32>
      %get3A_1072 = arith.constant 48 : i32
      %get3A_1073 = arith.index_cast %get3A_1072 : i32 to index
      %get3A_1074 = arith.constant 0 : index
      %get3A_1075 = tpu.vector_load %arg8[%get3A_1073, %get3A_1074] {strides = array<i32>} : memref<64x16xf32, #tpu.memory_space<vmem>>, vector<1x16xf32>,
      %get3A_1076 = vector.shape_cast %get3A_1075 : vector<1x16xf32> to vector<16xf32>
      %add3A_1077 = arith.addf %get3A_1071, %get3A_1076 : vector<16xf32>
      %get3A_1078 = arith.constant 48 : i32
      %get3A_1079 = arith.index_cast %get3A_1078 : i32 to index
      %get3A_1080 = arith.constant 0 : index
      %get3A_1081 = tpu.vector_load %arg9[%get3A_1079, %get3A_1080] {strides = array<i32>} : memref<64x16xf32, #tpu.memory_space<vmem>>, vector<1x16xf32>,
      %get3A_1082 = vector.shape_cast %get3A_1081 : vector<1x16xf32> to vector<16xf32>
      %mul3A_1083 = arith.mulf %get3A_1071, %get3A_1082 : vector<16xf32>
      %add3A_1084 = arith.constant 1.000000e+00 : f32
      %add3A_1085 = vector.broadcast %add3A_1084 : f32 to vector<16xf32>
      %add3A_1086 = arith.addf %add3A_1085, %mul3A_1083 : vector<16xf32>
      %broadcast_in_dim3A_1087 = arith.constant 48 : i32
      %broadcast_in_dim3A_1088 = vector.broadcast %broadcast_in_dim3A_1087 : i32 to vector<16xi32>
      %get3A_1089 = arith.constant 49 : i32
      %get3A_1090 = arith.index_cast %get3A_1089 : i32 to index
      %get3A_1091 = arith.index_cast %mul3A_11 : i32 to index
      %get3A_1092 = tpu.vector_load %arg7[%get3A_1090, %get3A_1091] {strides = array<i32>} : memref<64x256xf32, #tpu.memory_space<vmem>>, vector<1x16xf32>,
      %get3A_1093 = vector.shape_cast %get3A_1092 : vector<1x16xf32> to vector<16xf32>
      %get3A_1094 = arith.constant 49 : i32
      %get3A_1095 = arith.index_cast %get3A_1094 : i32 to index
      %get3A_1096 = arith.constant 0 : index
      %get3A_1097 = tpu.vector_load %arg8[%get3A_1095, %get3A_1096] {strides = array<i32>} : memref<64x16xf32, #tpu.memory_space<vmem>>, vector<1x16xf32>,
      %get3A_1098 = vector.shape_cast %get3A_1097 : vector<1x16xf32> to vector<16xf32>
      %add3A_1099 = arith.addf %get3A_1093, %get3A_1098 : vector<16xf32>
      %get3A_1100 = arith.constant 49 : i32
      %get3A_1101 = arith.index_cast %get3A_1100 : i32 to index
      %get3A_1102 = arith.constant 0 : index
      %get3A_1103 = tpu.vector_load %arg9[%get3A_1101, %get3A_1102] {strides = array<i32>} : memref<64x16xf32, #tpu.memory_space<vmem>>, vector<1x16xf32>,
      %get3A_1104 = vector.shape_cast %get3A_1103 : vector<1x16xf32> to vector<16xf32>
      %mul3A_1105 = arith.mulf %get3A_1093, %get3A_1104 : vector<16xf32>
      %add3A_1106 = arith.constant 1.000000e+00 : f32
      %add3A_1107 = vector.broadcast %add3A_1106 : f32 to vector<16xf32>
      %add3A_1108 = arith.addf %add3A_1107, %mul3A_1105 : vector<16xf32>
      %broadcast_in_dim3A_1109 = arith.constant 49 : i32
      %broadcast_in_dim3A_1110 = vector.broadcast %broadcast_in_dim3A_1109 : i32 to vector<16xi32>
      %get3A_1111 = arith.constant 50 : i32
      %get3A_1112 = arith.index_cast %get3A_1111 : i32 to index
      %get3A_1113 = arith.index_cast %mul3A_11 : i32 to index
      %get3A_1114 = tpu.vector_load %arg7[%get3A_1112, %get3A_1113] {strides = array<i32>} : memref<64x256xf32, #tpu.memory_space<vmem>>, vector<1x16xf32>,
      %get3A_1115 = vector.shape_cast %get3A_1114 : vector<1x16xf32> to vector<16xf32>
      %get3A_1116 = arith.constant 50 : i32
      %get3A_1117 = arith.index_cast %get3A_1116 : i32 to index
      %get3A_1118 = arith.constant 0 : index
      %get3A_1119 = tpu.vector_load %arg8[%get3A_1117, %get3A_1118] {strides = array<i32>} : memref<64x16xf32, #tpu.memory_space<vmem>>, vector<1x16xf32>,
      %get3A_1120 = vector.shape_cast %get3A_1119 : vector<1x16xf32> to vector<16xf32>
      %add3A_1121 = arith.addf %get3A_1115, %get3A_1120 : vector<16xf32>
      %get3A_1122 = arith.constant 50 : i32
      %get3A_1123 = arith.index_cast %get3A_1122 : i32 to index
      %get3A_1124 = arith.constant 0 : index
      %get3A_1125 = tpu.vector_load %arg9[%get3A_1123, %get3A_1124] {strides = array<i32>} : memref<64x16xf32, #tpu.memory_space<vmem>>, vector<1x16xf32>,
      %get3A_1126 = vector.shape_cast %get3A_1125 : vector<1x16xf32> to vector<16xf32>
      %mul3A_1127 = arith.mulf %get3A_1115, %get3A_1126 : vector<16xf32>
      %add3A_1128 = arith.constant 1.000000e+00 : f32
      %add3A_1129 = vector.broadcast %add3A_1128 : f32 to vector<16xf32>
      %add3A_1130 = arith.addf %add3A_1129, %mul3A_1127 : vector<16xf32>
      %broadcast_in_dim3A_1131 = arith.constant 50 : i32
      %broadcast_in_dim3A_1132 = vector.broadcast %broadcast_in_dim3A_1131 : i32 to vector<16xi32>
      %get3A_1133 = arith.constant 51 : i32
      %get3A_1134 = arith.index_cast %get3A_1133 : i32 to index
      %get3A_1135 = arith.index_cast %mul3A_11 : i32 to index
      %get3A_1136 = tpu.vector_load %arg7[%get3A_1134, %get3A_1135] {strides = array<i32>} : memref<64x256xf32, #tpu.memory_space<vmem>>, vector<1x16xf32>,
      %get3A_1137 = vector.shape_cast %get3A_1136 : vector<1x16xf32> to vector<16xf32>
      %get3A_1138 = arith.constant 51 : i32
      %get3A_1139 = arith.index_cast %get3A_1138 : i32 to index
      %get3A_1140 = arith.constant 0 : index
      %get3A_1141 = tpu.vector_load %arg8[%get3A_1139, %get3A_1140] {strides = array<i32>} : memref<64x16xf32, #tpu.memory_space<vmem>>, vector<1x16xf32>,
      %get3A_1142 = vector.shape_cast %get3A_1141 : vector<1x16xf32> to vector<16xf32>
      %add3A_1143 = arith.addf %get3A_1137, %get3A_1142 : vector<16xf32>
      %get3A_1144 = arith.constant 51 : i32
      %get3A_1145 = arith.index_cast %get3A_1144 : i32 to index
      %get3A_1146 = arith.constant 0 : index
      %get3A_1147 = tpu.vector_load %arg9[%get3A_1145, %get3A_1146] {strides = array<i32>} : memref<64x16xf32, #tpu.memory_space<vmem>>, vector<1x16xf32>,
      %get3A_1148 = vector.shape_cast %get3A_1147 : vector<1x16xf32> to vector<16xf32>
      %mul3A_1149 = arith.mulf %get3A_1137, %get3A_1148 : vector<16xf32>
      %add3A_1150 = arith.constant 1.000000e+00 : f32
      %add3A_1151 = vector.broadcast %add3A_1150 : f32 to vector<16xf32>
      %add3A_1152 = arith.addf %add3A_1151, %mul3A_1149 : vector<16xf32>
      %broadcast_in_dim3A_1153 = arith.constant 51 : i32
      %broadcast_in_dim3A_1154 = vector.broadcast %broadcast_in_dim3A_1153 : i32 to vector<16xi32>
      %get3A_1155 = arith.constant 52 : i32
      %get3A_1156 = arith.index_cast %get3A_1155 : i32 to index
      %get3A_1157 = arith.index_cast %mul3A_11 : i32 to index
      %get3A_1158 = tpu.vector_load %arg7[%get3A_1156, %get3A_1157] {strides = array<i32>} : memref<64x256xf32, #tpu.memory_space<vmem>>, vector<1x16xf32>,
      %get3A_1159 = vector.shape_cast %get3A_1158 : vector<1x16xf32> to vector<16xf32>
      %get3A_1160 = arith.constant 52 : i32
      %get3A_1161 = arith.index_cast %get3A_1160 : i32 to index
      %get3A_1162 = arith.constant 0 : index
      %get3A_1163 = tpu.vector_load %arg8[%get3A_1161, %get3A_1162] {strides = array<i32>} : memref<64x16xf32, #tpu.memory_space<vmem>>, vector<1x16xf32>,
      %get3A_1164 = vector.shape_cast %get3A_1163 : vector<1x16xf32> to vector<16xf32>
      %add3A_1165 = arith.addf %get3A_1159, %get3A_1164 : vector<16xf32>
      %get3A_1166 = arith.constant 52 : i32
      %get3A_1167 = arith.index_cast %get3A_1166 : i32 to index
      %get3A_1168 = arith.constant 0 : index
      %get3A_1169 = tpu.vector_load %arg9[%get3A_1167, %get3A_1168] {strides = array<i32>} : memref<64x16xf32, #tpu.memory_space<vmem>>, vector<1x16xf32>,
      %get3A_1170 = vector.shape_cast %get3A_1169 : vector<1x16xf32> to vector<16xf32>
      %mul3A_1171 = arith.mulf %get3A_1159, %get3A_1170 : vector<16xf32>
      %add3A_1172 = arith.constant 1.000000e+00 : f32
      %add3A_1173 = vector.broadcast %add3A_1172 : f32 to vector<16xf32>
      %add3A_1174 = arith.addf %add3A_1173, %mul3A_1171 : vector<16xf32>
      %broadcast_in_dim3A_1175 = arith.constant 52 : i32
      %broadcast_in_dim3A_1176 = vector.broadcast %broadcast_in_dim3A_1175 : i32 to vector<16xi32>
      %get3A_1177 = arith.constant 53 : i32
      %get3A_1178 = arith.index_cast %get3A_1177 : i32 to index
      %get3A_1179 = arith.index_cast %mul3A_11 : i32 to index
      %get3A_1180 = tpu.vector_load %arg7[%get3A_1178, %get3A_1179] {strides = array<i32>} : memref<64x256xf32, #tpu.memory_space<vmem>>, vector<1x16xf32>,
      %get3A_1181 = vector.shape_cast %get3A_1180 : vector<1x16xf32> to vector<16xf32>
      %get3A_1182 = arith.constant 53 : i32
      %get3A_1183 = arith.index_cast %get3A_1182 : i32 to index
      %get3A_1184 = arith.constant 0 : index
      %get3A_1185 = tpu.vector_load %arg8[%get3A_1183, %get3A_1184] {strides = array<i32>} : memref<64x16xf32, #tpu.memory_space<vmem>>, vector<1x16xf32>,
      %get3A_1186 = vector.shape_cast %get3A_1185 : vector<1x16xf32> to vector<16xf32>
      %add3A_1187 = arith.addf %get3A_1181, %get3A_1186 : vector<16xf32>
      %get3A_1188 = arith.constant 53 : i32
      %get3A_1189 = arith.index_cast %get3A_1188 : i32 to index
      %get3A_1190 = arith.constant 0 : index
      %get3A_1191 = tpu.vector_load %arg9[%get3A_1189, %get3A_1190] {strides = array<i32>} : memref<64x16xf32, #tpu.memory_space<vmem>>, vector<1x16xf32>,
      %get3A_1192 = vector.shape_cast %get3A_1191 : vector<1x16xf32> to vector<16xf32>
      %mul3A_1193 = arith.mulf %get3A_1181, %get3A_1192 : vector<16xf32>
      %add3A_1194 = arith.constant 1.000000e+00 : f32
      %add3A_1195 = vector.broadcast %add3A_1194 : f32 to vector<16xf32>
      %add3A_1196 = arith.addf %add3A_1195, %mul3A_1193 : vector<16xf32>
      %broadcast_in_dim3A_1197 = arith.constant 53 : i32
      %broadcast_in_dim3A_1198 = vector.broadcast %broadcast_in_dim3A_1197 : i32 to vector<16xi32>
      %get3A_1199 = arith.constant 54 : i32
      %get3A_1200 = arith.index_cast %get3A_1199 : i32 to index
      %get3A_1201 = arith.index_cast %mul3A_11 : i32 to index
      %get3A_1202 = tpu.vector_load %arg7[%get3A_1200, %get3A_1201] {strides = array<i32>} : memref<64x256xf32, #tpu.memory_space<vmem>>, vector<1x16xf32>,
      %get3A_1203 = vector.shape_cast %get3A_1202 : vector<1x16xf32> to vector<16xf32>
      %get3A_1204 = arith.constant 54 : i32
      %get3A_1205 = arith.index_cast %get3A_1204 : i32 to index
      %get3A_1206 = arith.constant 0 : index
      %get3A_1207 = tpu.vector_load %arg8[%get3A_1205, %get3A_1206] {strides = array<i32>} : memref<64x16xf32, #tpu.memory_space<vmem>>, vector<1x16xf32>,
      %get3A_1208 = vector.shape_cast %get3A_1207 : vector<1x16xf32> to vector<16xf32>
      %add3A_1209 = arith.addf %get3A_1203, %get3A_1208 : vector<16xf32>
      %get3A_1210 = arith.constant 54 : i32
      %get3A_1211 = arith.index_cast %get3A_1210 : i32 to index
      %get3A_1212 = arith.constant 0 : index
      %get3A_1213 = tpu.vector_load %arg9[%get3A_1211, %get3A_1212] {strides = array<i32>} : memref<64x16xf32, #tpu.memory_space<vmem>>, vector<1x16xf32>,
      %get3A_1214 = vector.shape_cast %get3A_1213 : vector<1x16xf32> to vector<16xf32>
      %mul3A_1215 = arith.mulf %get3A_1203, %get3A_1214 : vector<16xf32>
      %add3A_1216 = arith.constant 1.000000e+00 : f32
      %add3A_1217 = vector.broadcast %add3A_1216 : f32 to vector<16xf32>
      %add3A_1218 = arith.addf %add3A_1217, %mul3A_1215 : vector<16xf32>
      %broadcast_in_dim3A_1219 = arith.constant 54 : i32
      %broadcast_in_dim3A_1220 = vector.broadcast %broadcast_in_dim3A_1219 : i32 to vector<16xi32>
      %get3A_1221 = arith.constant 55 : i32
      %get3A_1222 = arith.index_cast %get3A_1221 : i32 to index
      %get3A_1223 = arith.index_cast %mul3A_11 : i32 to index
      %get3A_1224 = tpu.vector_load %arg7[%get3A_1222, %get3A_1223] {strides = array<i32>} : memref<64x256xf32, #tpu.memory_space<vmem>>, vector<1x16xf32>,
      %get3A_1225 = vector.shape_cast %get3A_1224 : vector<1x16xf32> to vector<16xf32>
      %get3A_1226 = arith.constant 55 : i32
      %get3A_1227 = arith.index_cast %get3A_1226 : i32 to index
      %get3A_1228 = arith.constant 0 : index
      %get3A_1229 = tpu.vector_load %arg8[%get3A_1227, %get3A_1228] {strides = array<i32>} : memref<64x16xf32, #tpu.memory_space<vmem>>, vector<1x16xf32>,
      %get3A_1230 = vector.shape_cast %get3A_1229 : vector<1x16xf32> to vector<16xf32>
      %add3A_1231 = arith.addf %get3A_1225, %get3A_1230 : vector<16xf32>
      %get3A_1232 = arith.constant 55 : i32
      %get3A_1233 = arith.index_cast %get3A_1232 : i32 to index
      %get3A_1234 = arith.constant 0 : index
      %get3A_1235 = tpu.vector_load %arg9[%get3A_1233, %get3A_1234] {strides = array<i32>} : memref<64x16xf32, #tpu.memory_space<vmem>>, vector<1x16xf32>,
      %get3A_1236 = vector.shape_cast %get3A_1235 : vector<1x16xf32> to vector<16xf32>
      %mul3A_1237 = arith.mulf %get3A_1225, %get3A_1236 : vector<16xf32>
      %add3A_1238 = arith.constant 1.000000e+00 : f32
      %add3A_1239 = vector.broadcast %add3A_1238 : f32 to vector<16xf32>
      %add3A_1240 = arith.addf %add3A_1239, %mul3A_1237 : vector<16xf32>
      %broadcast_in_dim3A_1241 = arith.constant 55 : i32
      %broadcast_in_dim3A_1242 = vector.broadcast %broadcast_in_dim3A_1241 : i32 to vector<16xi32>
      %get3A_1243 = arith.constant 56 : i32
      %get3A_1244 = arith.index_cast %get3A_1243 : i32 to index
      %get3A_1245 = arith.index_cast %mul3A_11 : i32 to index
      %get3A_1246 = tpu.vector_load %arg7[%get3A_1244, %get3A_1245] {strides = array<i32>} : memref<64x256xf32, #tpu.memory_space<vmem>>, vector<1x16xf32>,
      %get3A_1247 = vector.shape_cast %get3A_1246 : vector<1x16xf32> to vector<16xf32>
      %get3A_1248 = arith.constant 56 : i32
      %get3A_1249 = arith.index_cast %get3A_1248 : i32 to index
      %get3A_1250 = arith.constant 0 : index
      %get3A_1251 = tpu.vector_load %arg8[%get3A_1249, %get3A_1250] {strides = array<i32>} : memref<64x16xf32, #tpu.memory_space<vmem>>, vector<1x16xf32>,
      %get3A_1252 = vector.shape_cast %get3A_1251 : vector<1x16xf32> to vector<16xf32>
      %add3A_1253 = arith.addf %get3A_1247, %get3A_1252 : vector<16xf32>
      %get3A_1254 = arith.constant 56 : i32
      %get3A_1255 = arith.index_cast %get3A_1254 : i32 to index
      %get3A_1256 = arith.constant 0 : index
      %get3A_1257 = tpu.vector_load %arg9[%get3A_1255, %get3A_1256] {strides = array<i32>} : memref<64x16xf32, #tpu.memory_space<vmem>>, vector<1x16xf32>,
      %get3A_1258 = vector.shape_cast %get3A_1257 : vector<1x16xf32> to vector<16xf32>
      %mul3A_1259 = arith.mulf %get3A_1247, %get3A_1258 : vector<16xf32>
      %add3A_1260 = arith.constant 1.000000e+00 : f32
      %add3A_1261 = vector.broadcast %add3A_1260 : f32 to vector<16xf32>
      %add3A_1262 = arith.addf %add3A_1261, %mul3A_1259 : vector<16xf32>
      %broadcast_in_dim3A_1263 = arith.constant 56 : i32
      %broadcast_in_dim3A_1264 = vector.broadcast %broadcast_in_dim3A_1263 : i32 to vector<16xi32>
      %get3A_1265 = arith.constant 57 : i32
      %get3A_1266 = arith.index_cast %get3A_1265 : i32 to index
      %get3A_1267 = arith.index_cast %mul3A_11 : i32 to index
      %get3A_1268 = tpu.vector_load %arg7[%get3A_1266, %get3A_1267] {strides = array<i32>} : memref<64x256xf32, #tpu.memory_space<vmem>>, vector<1x16xf32>,
      %get3A_1269 = vector.shape_cast %get3A_1268 : vector<1x16xf32> to vector<16xf32>
      %get3A_1270 = arith.constant 57 : i32
      %get3A_1271 = arith.index_cast %get3A_1270 : i32 to index
      %get3A_1272 = arith.constant 0 : index
      %get3A_1273 = tpu.vector_load %arg8[%get3A_1271, %get3A_1272] {strides = array<i32>} : memref<64x16xf32, #tpu.memory_space<vmem>>, vector<1x16xf32>,
      %get3A_1274 = vector.shape_cast %get3A_1273 : vector<1x16xf32> to vector<16xf32>
      %add3A_1275 = arith.addf %get3A_1269, %get3A_1274 : vector<16xf32>
      %get3A_1276 = arith.constant 57 : i32
      %get3A_1277 = arith.index_cast %get3A_1276 : i32 to index
      %get3A_1278 = arith.constant 0 : index
      %get3A_1279 = tpu.vector_load %arg9[%get3A_1277, %get3A_1278] {strides = array<i32>} : memref<64x16xf32, #tpu.memory_space<vmem>>, vector<1x16xf32>,
      %get3A_1280 = vector.shape_cast %get3A_1279 : vector<1x16xf32> to vector<16xf32>
      %mul3A_1281 = arith.mulf %get3A_1269, %get3A_1280 : vector<16xf32>
      %add3A_1282 = arith.constant 1.000000e+00 : f32
      %add3A_1283 = vector.broadcast %add3A_1282 : f32 to vector<16xf32>
      %add3A_1284 = arith.addf %add3A_1283, %mul3A_1281 : vector<16xf32>
      %broadcast_in_dim3A_1285 = arith.constant 57 : i32
      %broadcast_in_dim3A_1286 = vector.broadcast %broadcast_in_dim3A_1285 : i32 to vector<16xi32>
      %get3A_1287 = arith.constant 58 : i32
      %get3A_1288 = arith.index_cast %get3A_1287 : i32 to index
      %get3A_1289 = arith.index_cast %mul3A_11 : i32 to index
      %get3A_1290 = tpu.vector_load %arg7[%get3A_1288, %get3A_1289] {strides = array<i32>} : memref<64x256xf32, #tpu.memory_space<vmem>>, vector<1x16xf32>,
      %get3A_1291 = vector.shape_cast %get3A_1290 : vector<1x16xf32> to vector<16xf32>
      %get3A_1292 = arith.constant 58 : i32
      %get3A_1293 = arith.index_cast %get3A_1292 : i32 to index
      %get3A_1294 = arith.constant 0 : index
      %get3A_1295 = tpu.vector_load %arg8[%get3A_1293, %get3A_1294] {strides = array<i32>} : memref<64x16xf32, #tpu.memory_space<vmem>>, vector<1x16xf32>,
      %get3A_1296 = vector.shape_cast %get3A_1295 : vector<1x16xf32> to vector<16xf32>
      %add3A_1297 = arith.addf %get3A_1291, %get3A_1296 : vector<16xf32>
      %get3A_1298 = arith.constant 58 : i32
      %get3A_1299 = arith.index_cast %get3A_1298 : i32 to index
      %get3A_1300 = arith.constant 0 : index
      %get3A_1301 = tpu.vector_load %arg9[%get3A_1299, %get3A_1300] {strides = array<i32>} : memref<64x16xf32, #tpu.memory_space<vmem>>, vector<1x16xf32>,
      %get3A_1302 = vector.shape_cast %get3A_1301 : vector<1x16xf32> to vector<16xf32>
      %mul3A_1303 = arith.mulf %get3A_1291, %get3A_1302 : vector<16xf32>
      %add3A_1304 = arith.constant 1.000000e+00 : f32
      %add3A_1305 = vector.broadcast %add3A_1304 : f32 to vector<16xf32>
      %add3A_1306 = arith.addf %add3A_1305, %mul3A_1303 : vector<16xf32>
      %broadcast_in_dim3A_1307 = arith.constant 58 : i32
      %broadcast_in_dim3A_1308 = vector.broadcast %broadcast_in_dim3A_1307 : i32 to vector<16xi32>
      %get3A_1309 = arith.constant 59 : i32
      %get3A_1310 = arith.index_cast %get3A_1309 : i32 to index
      %get3A_1311 = arith.index_cast %mul3A_11 : i32 to index
      %get3A_1312 = tpu.vector_load %arg7[%get3A_1310, %get3A_1311] {strides = array<i32>} : memref<64x256xf32, #tpu.memory_space<vmem>>, vector<1x16xf32>,
      %get3A_1313 = vector.shape_cast %get3A_1312 : vector<1x16xf32> to vector<16xf32>
      %get3A_1314 = arith.constant 59 : i32
      %get3A_1315 = arith.index_cast %get3A_1314 : i32 to index
      %get3A_1316 = arith.constant 0 : index
      %get3A_1317 = tpu.vector_load %arg8[%get3A_1315, %get3A_1316] {strides = array<i32>} : memref<64x16xf32, #tpu.memory_space<vmem>>, vector<1x16xf32>,
      %get3A_1318 = vector.shape_cast %get3A_1317 : vector<1x16xf32> to vector<16xf32>
      %add3A_1319 = arith.addf %get3A_1313, %get3A_1318 : vector<16xf32>
      %get3A_1320 = arith.constant 59 : i32
      %get3A_1321 = arith.index_cast %get3A_1320 : i32 to index
      %get3A_1322 = arith.constant 0 : index
      %get3A_1323 = tpu.vector_load %arg9[%get3A_1321, %get3A_1322] {strides = array<i32>} : memref<64x16xf32, #tpu.memory_space<vmem>>, vector<1x16xf32>,
      %get3A_1324 = vector.shape_cast %get3A_1323 : vector<1x16xf32> to vector<16xf32>
      %mul3A_1325 = arith.mulf %get3A_1313, %get3A_1324 : vector<16xf32>
      %add3A_1326 = arith.constant 1.000000e+00 : f32
      %add3A_1327 = vector.broadcast %add3A_1326 : f32 to vector<16xf32>
      %add3A_1328 = arith.addf %add3A_1327, %mul3A_1325 : vector<16xf32>
      %broadcast_in_dim3A_1329 = arith.constant 59 : i32
      %broadcast_in_dim3A_1330 = vector.broadcast %broadcast_in_dim3A_1329 : i32 to vector<16xi32>
      %get3A_1331 = arith.constant 60 : i32
      %get3A_1332 = arith.index_cast %get3A_1331 : i32 to index
      %get3A_1333 = arith.index_cast %mul3A_11 : i32 to index
      %get3A_1334 = tpu.vector_load %arg7[%get3A_1332, %get3A_1333] {strides = array<i32>} : memref<64x256xf32, #tpu.memory_space<vmem>>, vector<1x16xf32>,
      %get3A_1335 = vector.shape_cast %get3A_1334 : vector<1x16xf32> to vector<16xf32>
      %get3A_1336 = arith.constant 60 : i32
      %get3A_1337 = arith.index_cast %get3A_1336 : i32 to index
      %get3A_1338 = arith.constant 0 : index
      %get3A_1339 = tpu.vector_load %arg8[%get3A_1337, %get3A_1338] {strides = array<i32>} : memref<64x16xf32, #tpu.memory_space<vmem>>, vector<1x16xf32>,
      %get3A_1340 = vector.shape_cast %get3A_1339 : vector<1x16xf32> to vector<16xf32>
      %add3A_1341 = arith.addf %get3A_1335, %get3A_1340 : vector<16xf32>
      %get3A_1342 = arith.constant 60 : i32
      %get3A_1343 = arith.index_cast %get3A_1342 : i32 to index
      %get3A_1344 = arith.constant 0 : index
      %get3A_1345 = tpu.vector_load %arg9[%get3A_1343, %get3A_1344] {strides = array<i32>} : memref<64x16xf32, #tpu.memory_space<vmem>>, vector<1x16xf32>,
      %get3A_1346 = vector.shape_cast %get3A_1345 : vector<1x16xf32> to vector<16xf32>
      %mul3A_1347 = arith.mulf %get3A_1335, %get3A_1346 : vector<16xf32>
      %add3A_1348 = arith.constant 1.000000e+00 : f32
      %add3A_1349 = vector.broadcast %add3A_1348 : f32 to vector<16xf32>
      %add3A_1350 = arith.addf %add3A_1349, %mul3A_1347 : vector<16xf32>
      %broadcast_in_dim3A_1351 = arith.constant 60 : i32
      %broadcast_in_dim3A_1352 = vector.broadcast %broadcast_in_dim3A_1351 : i32 to vector<16xi32>
      %get3A_1353 = arith.constant 61 : i32
      %get3A_1354 = arith.index_cast %get3A_1353 : i32 to index
      %get3A_1355 = arith.index_cast %mul3A_11 : i32 to index
      %get3A_1356 = tpu.vector_load %arg7[%get3A_1354, %get3A_1355] {strides = array<i32>} : memref<64x256xf32, #tpu.memory_space<vmem>>, vector<1x16xf32>,
      %get3A_1357 = vector.shape_cast %get3A_1356 : vector<1x16xf32> to vector<16xf32>
      %get3A_1358 = arith.constant 61 : i32
      %get3A_1359 = arith.index_cast %get3A_1358 : i32 to index
      %get3A_1360 = arith.constant 0 : index
      %get3A_1361 = tpu.vector_load %arg8[%get3A_1359, %get3A_1360] {strides = array<i32>} : memref<64x16xf32, #tpu.memory_space<vmem>>, vector<1x16xf32>,
      %get3A_1362 = vector.shape_cast %get3A_1361 : vector<1x16xf32> to vector<16xf32>
      %add3A_1363 = arith.addf %get3A_1357, %get3A_1362 : vector<16xf32>
      %get3A_1364 = arith.constant 61 : i32
      %get3A_1365 = arith.index_cast %get3A_1364 : i32 to index
      %get3A_1366 = arith.constant 0 : index
      %get3A_1367 = tpu.vector_load %arg9[%get3A_1365, %get3A_1366] {strides = array<i32>} : memref<64x16xf32, #tpu.memory_space<vmem>>, vector<1x16xf32>,
      %get3A_1368 = vector.shape_cast %get3A_1367 : vector<1x16xf32> to vector<16xf32>
      %mul3A_1369 = arith.mulf %get3A_1357, %get3A_1368 : vector<16xf32>
      %add3A_1370 = arith.constant 1.000000e+00 : f32
      %add3A_1371 = vector.broadcast %add3A_1370 : f32 to vector<16xf32>
      %add3A_1372 = arith.addf %add3A_1371, %mul3A_1369 : vector<16xf32>
      %broadcast_in_dim3A_1373 = arith.constant 61 : i32
      %broadcast_in_dim3A_1374 = vector.broadcast %broadcast_in_dim3A_1373 : i32 to vector<16xi32>
      %get3A_1375 = arith.constant 62 : i32
      %get3A_1376 = arith.index_cast %get3A_1375 : i32 to index
      %get3A_1377 = arith.index_cast %mul3A_11 : i32 to index
      %get3A_1378 = tpu.vector_load %arg7[%get3A_1376, %get3A_1377] {strides = array<i32>} : memref<64x256xf32, #tpu.memory_space<vmem>>, vector<1x16xf32>,
      %get3A_1379 = vector.shape_cast %get3A_1378 : vector<1x16xf32> to vector<16xf32>
      %get3A_1380 = arith.constant 62 : i32
      %get3A_1381 = arith.index_cast %get3A_1380 : i32 to index
      %get3A_1382 = arith.constant 0 : index
      %get3A_1383 = tpu.vector_load %arg8[%get3A_1381, %get3A_1382] {strides = array<i32>} : memref<64x16xf32, #tpu.memory_space<vmem>>, vector<1x16xf32>,
      %get3A_1384 = vector.shape_cast %get3A_1383 : vector<1x16xf32> to vector<16xf32>
      %add3A_1385 = arith.addf %get3A_1379, %get3A_1384 : vector<16xf32>
      %get3A_1386 = arith.constant 62 : i32
      %get3A_1387 = arith.index_cast %get3A_1386 : i32 to index
      %get3A_1388 = arith.constant 0 : index
      %get3A_1389 = tpu.vector_load %arg9[%get3A_1387, %get3A_1388] {strides = array<i32>} : memref<64x16xf32, #tpu.memory_space<vmem>>, vector<1x16xf32>,
      %get3A_1390 = vector.shape_cast %get3A_1389 : vector<1x16xf32> to vector<16xf32>
      %mul3A_1391 = arith.mulf %get3A_1379, %get3A_1390 : vector<16xf32>
      %add3A_1392 = arith.constant 1.000000e+00 : f32
      %add3A_1393 = vector.broadcast %add3A_1392 : f32 to vector<16xf32>
      %add3A_1394 = arith.addf %add3A_1393, %mul3A_1391 : vector<16xf32>
      %broadcast_in_dim3A_1395 = arith.constant 62 : i32
      %broadcast_in_dim3A_1396 = vector.broadcast %broadcast_in_dim3A_1395 : i32 to vector<16xi32>
      %get3A_1397 = arith.constant 63 : i32
      %get3A_1398 = arith.index_cast %get3A_1397 : i32 to index
      %get3A_1399 = arith.index_cast %mul3A_11 : i32 to index
      %get3A_1400 = tpu.vector_load %arg7[%get3A_1398, %get3A_1399] {strides = array<i32>} : memref<64x256xf32, #tpu.memory_space<vmem>>, vector<1x16xf32>,
      %get3A_1401 = vector.shape_cast %get3A_1400 : vector<1x16xf32> to vector<16xf32>
      %get3A_1402 = arith.constant 63 : i32
      %get3A_1403 = arith.index_cast %get3A_1402 : i32 to index
      %get3A_1404 = arith.constant 0 : index
      %get3A_1405 = tpu.vector_load %arg8[%get3A_1403, %get3A_1404] {strides = array<i32>} : memref<64x16xf32, #tpu.memory_space<vmem>>, vector<1x16xf32>,
      %get3A_1406 = vector.shape_cast %get3A_1405 : vector<1x16xf32> to vector<16xf32>
      %add3A_1407 = arith.addf %get3A_1401, %get3A_1406 : vector<16xf32>
      %get3A_1408 = arith.constant 63 : i32
      %get3A_1409 = arith.index_cast %get3A_1408 : i32 to index
      %get3A_1410 = arith.constant 0 : index
      %get3A_1411 = tpu.vector_load %arg9[%get3A_1409, %get3A_1410] {strides = array<i32>} : memref<64x16xf32, #tpu.memory_space<vmem>>, vector<1x16xf32>,
      %get3A_1412 = vector.shape_cast %get3A_1411 : vector<1x16xf32> to vector<16xf32>
      %mul3A_1413 = arith.mulf %get3A_1401, %get3A_1412 : vector<16xf32>
      %add3A_1414 = arith.constant 1.000000e+00 : f32
      %add3A_1415 = vector.broadcast %add3A_1414 : f32 to vector<16xf32>
      %add3A_1416 = arith.addf %add3A_1415, %mul3A_1413 : vector<16xf32>
      %broadcast_in_dim3A_1417 = arith.constant 63 : i32
      %broadcast_in_dim3A_1418 = vector.broadcast %broadcast_in_dim3A_1417 : i32 to vector<16xi32>
      %ge3A = arith.cmpf oge, %add3A_21, %add3A_43 : vector<16xf32>
      %select_n3A = arith.select %ge3A, %add3A_21, %add3A_43 : vector<16xi1>, vector<16xf32>
      %select_n3A_1419 = arith.select %ge3A, %broadcast_in_dim3A_32, %broadcast_in_dim3A_54 : vector<16xi1>, vector<16xi32>
      %select_n3A_1420 = arith.select %ge3A, %add3A_30, %add3A_52 : vector<16xi1>, vector<16xf32>
      %ge3A_1421 = arith.cmpf oge, %add3A_65, %add3A_87 : vector<16xf32>
      %select_n3A_1422 = arith.select %ge3A_1421, %add3A_65, %add3A_87 : vector<16xi1>, vector<16xf32>
      %select_n3A_1423 = arith.select %ge3A_1421, %broadcast_in_dim3A_76, %broadcast_in_dim3A_98 : vector<16xi1>, vector<16xi32>
      %select_n3A_1424 = arith.select %ge3A_1421, %add3A_74, %add3A_96 : vector<16xi1>, vector<16xf32>
      %ge3A_1425 = arith.cmpf oge, %add3A_109, %add3A_131 : vector<16xf32>
      %select_n3A_1426 = arith.select %ge3A_1425, %add3A_109, %add3A_131 : vector<16xi1>, vector<16xf32>
      %select_n3A_1427 = arith.select %ge3A_1425, %broadcast_in_dim3A_120, %broadcast_in_dim3A_142 : vector<16xi1>, vector<16xi32>
      %select_n3A_1428 = arith.select %ge3A_1425, %add3A_118, %add3A_140 : vector<16xi1>, vector<16xf32>
      %ge3A_1429 = arith.cmpf oge, %add3A_153, %add3A_175 : vector<16xf32>
      %select_n3A_1430 = arith.select %ge3A_1429, %add3A_153, %add3A_175 : vector<16xi1>, vector<16xf32>
      %select_n3A_1431 = arith.select %ge3A_1429, %broadcast_in_dim3A_164, %broadcast_in_dim3A_186 : vector<16xi1>, vector<16xi32>
      %select_n3A_1432 = arith.select %ge3A_1429, %add3A_162, %add3A_184 : vector<16xi1>, vector<16xf32>
      %ge3A_1433 = arith.cmpf oge, %add3A_197, %add3A_219 : vector<16xf32>
      %select_n3A_1434 = arith.select %ge3A_1433, %add3A_197, %add3A_219 : vector<16xi1>, vector<16xf32>
      %select_n3A_1435 = arith.select %ge3A_1433, %broadcast_in_dim3A_208, %broadcast_in_dim3A_230 : vector<16xi1>, vector<16xi32>
      %select_n3A_1436 = arith.select %ge3A_1433, %add3A_206, %add3A_228 : vector<16xi1>, vector<16xf32>
      %ge3A_1437 = arith.cmpf oge, %add3A_241, %add3A_263 : vector<16xf32>
      %select_n3A_1438 = arith.select %ge3A_1437, %add3A_241, %add3A_263 : vector<16xi1>, vector<16xf32>
      %select_n3A_1439 = arith.select %ge3A_1437, %broadcast_in_dim3A_252, %broadcast_in_dim3A_274 : vector<16xi1>, vector<16xi32>
      %select_n3A_1440 = arith.select %ge3A_1437, %add3A_250, %add3A_272 : vector<16xi1>, vector<16xf32>
      %ge3A_1441 = arith.cmpf oge, %add3A_285, %add3A_307 : vector<16xf32>
      %select_n3A_1442 = arith.select %ge3A_1441, %add3A_285, %add3A_307 : vector<16xi1>, vector<16xf32>
      %select_n3A_1443 = arith.select %ge3A_1441, %broadcast_in_dim3A_296, %broadcast_in_dim3A_318 : vector<16xi1>, vector<16xi32>
      %select_n3A_1444 = arith.select %ge3A_1441, %add3A_294, %add3A_316 : vector<16xi1>, vector<16xf32>
      %ge3A_1445 = arith.cmpf oge, %add3A_329, %add3A_351 : vector<16xf32>
      %select_n3A_1446 = arith.select %ge3A_1445, %add3A_329, %add3A_351 : vector<16xi1>, vector<16xf32>
      %select_n3A_1447 = arith.select %ge3A_1445, %broadcast_in_dim3A_340, %broadcast_in_dim3A_362 : vector<16xi1>, vector<16xi32>
      %select_n3A_1448 = arith.select %ge3A_1445, %add3A_338, %add3A_360 : vector<16xi1>, vector<16xf32>
      %ge3A_1449 = arith.cmpf oge, %add3A_373, %add3A_395 : vector<16xf32>
      %select_n3A_1450 = arith.select %ge3A_1449, %add3A_373, %add3A_395 : vector<16xi1>, vector<16xf32>
      %select_n3A_1451 = arith.select %ge3A_1449, %broadcast_in_dim3A_384, %broadcast_in_dim3A_406 : vector<16xi1>, vector<16xi32>
      %select_n3A_1452 = arith.select %ge3A_1449, %add3A_382, %add3A_404 : vector<16xi1>, vector<16xf32>
      %ge3A_1453 = arith.cmpf oge, %add3A_417, %add3A_439 : vector<16xf32>
      %select_n3A_1454 = arith.select %ge3A_1453, %add3A_417, %add3A_439 : vector<16xi1>, vector<16xf32>
      %select_n3A_1455 = arith.select %ge3A_1453, %broadcast_in_dim3A_428, %broadcast_in_dim3A_450 : vector<16xi1>, vector<16xi32>
      %select_n3A_1456 = arith.select %ge3A_1453, %add3A_426, %add3A_448 : vector<16xi1>, vector<16xf32>
      %ge3A_1457 = arith.cmpf oge, %add3A_461, %add3A_483 : vector<16xf32>
      %select_n3A_1458 = arith.select %ge3A_1457, %add3A_461, %add3A_483 : vector<16xi1>, vector<16xf32>
      %select_n3A_1459 = arith.select %ge3A_1457, %broadcast_in_dim3A_472, %broadcast_in_dim3A_494 : vector<16xi1>, vector<16xi32>
      %select_n3A_1460 = arith.select %ge3A_1457, %add3A_470, %add3A_492 : vector<16xi1>, vector<16xf32>
      %ge3A_1461 = arith.cmpf oge, %add3A_505, %add3A_527 : vector<16xf32>
      %select_n3A_1462 = arith.select %ge3A_1461, %add3A_505, %add3A_527 : vector<16xi1>, vector<16xf32>
      %select_n3A_1463 = arith.select %ge3A_1461, %broadcast_in_dim3A_516, %broadcast_in_dim3A_538 : vector<16xi1>, vector<16xi32>
      %select_n3A_1464 = arith.select %ge3A_1461, %add3A_514, %add3A_536 : vector<16xi1>, vector<16xf32>
      %ge3A_1465 = arith.cmpf oge, %add3A_549, %add3A_571 : vector<16xf32>
      %select_n3A_1466 = arith.select %ge3A_1465, %add3A_549, %add3A_571 : vector<16xi1>, vector<16xf32>
      %select_n3A_1467 = arith.select %ge3A_1465, %broadcast_in_dim3A_560, %broadcast_in_dim3A_582 : vector<16xi1>, vector<16xi32>
      %select_n3A_1468 = arith.select %ge3A_1465, %add3A_558, %add3A_580 : vector<16xi1>, vector<16xf32>
      %ge3A_1469 = arith.cmpf oge, %add3A_593, %add3A_615 : vector<16xf32>
      %select_n3A_1470 = arith.select %ge3A_1469, %add3A_593, %add3A_615 : vector<16xi1>, vector<16xf32>
      %select_n3A_1471 = arith.select %ge3A_1469, %broadcast_in_dim3A_604, %broadcast_in_dim3A_626 : vector<16xi1>, vector<16xi32>
      %select_n3A_1472 = arith.select %ge3A_1469, %add3A_602, %add3A_624 : vector<16xi1>, vector<16xf32>
      %ge3A_1473 = arith.cmpf oge, %add3A_637, %add3A_659 : vector<16xf32>
      %select_n3A_1474 = arith.select %ge3A_1473, %add3A_637, %add3A_659 : vector<16xi1>, vector<16xf32>
      %select_n3A_1475 = arith.select %ge3A_1473, %broadcast_in_dim3A_648, %broadcast_in_dim3A_670 : vector<16xi1>, vector<16xi32>
      %select_n3A_1476 = arith.select %ge3A_1473, %add3A_646, %add3A_668 : vector<16xi1>, vector<16xf32>
      %ge3A_1477 = arith.cmpf oge, %add3A_681, %add3A_703 : vector<16xf32>
      %select_n3A_1478 = arith.select %ge3A_1477, %add3A_681, %add3A_703 : vector<16xi1>, vector<16xf32>
      %select_n3A_1479 = arith.select %ge3A_1477, %broadcast_in_dim3A_692, %broadcast_in_dim3A_714 : vector<16xi1>, vector<16xi32>
      %select_n3A_1480 = arith.select %ge3A_1477, %add3A_690, %add3A_712 : vector<16xi1>, vector<16xf32>
      %ge3A_1481 = arith.cmpf oge, %add3A_725, %add3A_747 : vector<16xf32>
      %select_n3A_1482 = arith.select %ge3A_1481, %add3A_725, %add3A_747 : vector<16xi1>, vector<16xf32>
      %select_n3A_1483 = arith.select %ge3A_1481, %broadcast_in_dim3A_736, %broadcast_in_dim3A_758 : vector<16xi1>, vector<16xi32>
      %select_n3A_1484 = arith.select %ge3A_1481, %add3A_734, %add3A_756 : vector<16xi1>, vector<16xf32>
      %ge3A_1485 = arith.cmpf oge, %add3A_769, %add3A_791 : vector<16xf32>
      %select_n3A_1486 = arith.select %ge3A_1485, %add3A_769, %add3A_791 : vector<16xi1>, vector<16xf32>
      %select_n3A_1487 = arith.select %ge3A_1485, %broadcast_in_dim3A_780, %broadcast_in_dim3A_802 : vector<16xi1>, vector<16xi32>
      %select_n3A_1488 = arith.select %ge3A_1485, %add3A_778, %add3A_800 : vector<16xi1>, vector<16xf32>
      %ge3A_1489 = arith.cmpf oge, %add3A_813, %add3A_835 : vector<16xf32>
      %select_n3A_1490 = arith.select %ge3A_1489, %add3A_813, %add3A_835 : vector<16xi1>, vector<16xf32>
      %select_n3A_1491 = arith.select %ge3A_1489, %broadcast_in_dim3A_824, %broadcast_in_dim3A_846 : vector<16xi1>, vector<16xi32>
      %select_n3A_1492 = arith.select %ge3A_1489, %add3A_822, %add3A_844 : vector<16xi1>, vector<16xf32>
      %ge3A_1493 = arith.cmpf oge, %add3A_857, %add3A_879 : vector<16xf32>
      %select_n3A_1494 = arith.select %ge3A_1493, %add3A_857, %add3A_879 : vector<16xi1>, vector<16xf32>
      %select_n3A_1495 = arith.select %ge3A_1493, %broadcast_in_dim3A_868, %broadcast_in_dim3A_890 : vector<16xi1>, vector<16xi32>
      %select_n3A_1496 = arith.select %ge3A_1493, %add3A_866, %add3A_888 : vector<16xi1>, vector<16xf32>
      %ge3A_1497 = arith.cmpf oge, %add3A_901, %add3A_923 : vector<16xf32>
      %select_n3A_1498 = arith.select %ge3A_1497, %add3A_901, %add3A_923 : vector<16xi1>, vector<16xf32>
      %select_n3A_1499 = arith.select %ge3A_1497, %broadcast_in_dim3A_912, %broadcast_in_dim3A_934 : vector<16xi1>, vector<16xi32>
      %select_n3A_1500 = arith.select %ge3A_1497, %add3A_910, %add3A_932 : vector<16xi1>, vector<16xf32>
      %ge3A_1501 = arith.cmpf oge, %add3A_945, %add3A_967 : vector<16xf32>
      %select_n3A_1502 = arith.select %ge3A_1501, %add3A_945, %add3A_967 : vector<16xi1>, vector<16xf32>
      %select_n3A_1503 = arith.select %ge3A_1501, %broadcast_in_dim3A_956, %broadcast_in_dim3A_978 : vector<16xi1>, vector<16xi32>
      %select_n3A_1504 = arith.select %ge3A_1501, %add3A_954, %add3A_976 : vector<16xi1>, vector<16xf32>
      %ge3A_1505 = arith.cmpf oge, %add3A_989, %add3A_1011 : vector<16xf32>
      %select_n3A_1506 = arith.select %ge3A_1505, %add3A_989, %add3A_1011 : vector<16xi1>, vector<16xf32>
      %select_n3A_1507 = arith.select %ge3A_1505, %broadcast_in_dim3A_1000, %broadcast_in_dim3A_1022 : vector<16xi1>, vector<16xi32>
      %select_n3A_1508 = arith.select %ge3A_1505, %add3A_998, %add3A_1020 : vector<16xi1>, vector<16xf32>
      %ge3A_1509 = arith.cmpf oge, %add3A_1033, %add3A_1055 : vector<16xf32>
      %select_n3A_1510 = arith.select %ge3A_1509, %add3A_1033, %add3A_1055 : vector<16xi1>, vector<16xf32>
      %select_n3A_1511 = arith.select %ge3A_1509, %broadcast_in_dim3A_1044, %broadcast_in_dim3A_1066 : vector<16xi1>, vector<16xi32>
      %select_n3A_1512 = arith.select %ge3A_1509, %add3A_1042, %add3A_1064 : vector<16xi1>, vector<16xf32>
      %ge3A_1513 = arith.cmpf oge, %add3A_1077, %add3A_1099 : vector<16xf32>
      %select_n3A_1514 = arith.select %ge3A_1513, %add3A_1077, %add3A_1099 : vector<16xi1>, vector<16xf32>
      %select_n3A_1515 = arith.select %ge3A_1513, %broadcast_in_dim3A_1088, %broadcast_in_dim3A_1110 : vector<16xi1>, vector<16xi32>
      %select_n3A_1516 = arith.select %ge3A_1513, %add3A_1086, %add3A_1108 : vector<16xi1>, vector<16xf32>
      %ge3A_1517 = arith.cmpf oge, %add3A_1121, %add3A_1143 : vector<16xf32>
      %select_n3A_1518 = arith.select %ge3A_1517, %add3A_1121, %add3A_1143 : vector<16xi1>, vector<16xf32>
      %select_n3A_1519 = arith.select %ge3A_1517, %broadcast_in_dim3A_1132, %broadcast_in_dim3A_1154 : vector<16xi1>, vector<16xi32>
      %select_n3A_1520 = arith.select %ge3A_1517, %add3A_1130, %add3A_1152 : vector<16xi1>, vector<16xf32>
      %ge3A_1521 = arith.cmpf oge, %add3A_1165, %add3A_1187 : vector<16xf32>
      %select_n3A_1522 = arith.select %ge3A_1521, %add3A_1165, %add3A_1187 : vector<16xi1>, vector<16xf32>
      %select_n3A_1523 = arith.select %ge3A_1521, %broadcast_in_dim3A_1176, %broadcast_in_dim3A_1198 : vector<16xi1>, vector<16xi32>
      %select_n3A_1524 = arith.select %ge3A_1521, %add3A_1174, %add3A_1196 : vector<16xi1>, vector<16xf32>
      %ge3A_1525 = arith.cmpf oge, %add3A_1209, %add3A_1231 : vector<16xf32>
      %select_n3A_1526 = arith.select %ge3A_1525, %add3A_1209, %add3A_1231 : vector<16xi1>, vector<16xf32>
      %select_n3A_1527 = arith.select %ge3A_1525, %broadcast_in_dim3A_1220, %broadcast_in_dim3A_1242 : vector<16xi1>, vector<16xi32>
      %select_n3A_1528 = arith.select %ge3A_1525, %add3A_1218, %add3A_1240 : vector<16xi1>, vector<16xf32>
      %ge3A_1529 = arith.cmpf oge, %add3A_1253, %add3A_1275 : vector<16xf32>
      %select_n3A_1530 = arith.select %ge3A_1529, %add3A_1253, %add3A_1275 : vector<16xi1>, vector<16xf32>
      %select_n3A_1531 = arith.select %ge3A_1529, %broadcast_in_dim3A_1264, %broadcast_in_dim3A_1286 : vector<16xi1>, vector<16xi32>
      %select_n3A_1532 = arith.select %ge3A_1529, %add3A_1262, %add3A_1284 : vector<16xi1>, vector<16xf32>
      %ge3A_1533 = arith.cmpf oge, %add3A_1297, %add3A_1319 : vector<16xf32>
      %select_n3A_1534 = arith.select %ge3A_1533, %add3A_1297, %add3A_1319 : vector<16xi1>, vector<16xf32>
      %select_n3A_1535 = arith.select %ge3A_1533, %broadcast_in_dim3A_1308, %broadcast_in_dim3A_1330 : vector<16xi1>, vector<16xi32>
      %select_n3A_1536 = arith.select %ge3A_1533, %add3A_1306, %add3A_1328 : vector<16xi1>, vector<16xf32>
      %ge3A_1537 = arith.cmpf oge, %add3A_1341, %add3A_1363 : vector<16xf32>
      %select_n3A_1538 = arith.select %ge3A_1537, %add3A_1341, %add3A_1363 : vector<16xi1>, vector<16xf32>
      %select_n3A_1539 = arith.select %ge3A_1537, %broadcast_in_dim3A_1352, %broadcast_in_dim3A_1374 : vector<16xi1>, vector<16xi32>
      %select_n3A_1540 = arith.select %ge3A_1537, %add3A_1350, %add3A_1372 : vector<16xi1>, vector<16xf32>
      %ge3A_1541 = arith.cmpf oge, %add3A_1385, %add3A_1407 : vector<16xf32>
      %select_n3A_1542 = arith.select %ge3A_1541, %add3A_1385, %add3A_1407 : vector<16xi1>, vector<16xf32>
      %select_n3A_1543 = arith.select %ge3A_1541, %broadcast_in_dim3A_1396, %broadcast_in_dim3A_1418 : vector<16xi1>, vector<16xi32>
      %select_n3A_1544 = arith.select %ge3A_1541, %add3A_1394, %add3A_1416 : vector<16xi1>, vector<16xf32>
      %ge3A_1545 = arith.cmpf oge, %select_n3A, %select_n3A_1422 : vector<16xf32>
      %select_n3A_1546 = arith.select %ge3A_1545, %select_n3A, %select_n3A_1422 : vector<16xi1>, vector<16xf32>
      %select_n3A_1547 = arith.select %ge3A_1545, %select_n3A_1419, %select_n3A_1423 : vector<16xi1>, vector<16xi32>
      %select_n3A_1548 = arith.select %ge3A_1545, %select_n3A_1420, %select_n3A_1424 : vector<16xi1>, vector<16xf32>
      %ge3A_1549 = arith.cmpf oge, %select_n3A_1426, %select_n3A_1430 : vector<16xf32>
      %select_n3A_1550 = arith.select %ge3A_1549, %select_n3A_1426, %select_n3A_1430 : vector<16xi1>, vector<16xf32>
      %select_n3A_1551 = arith.select %ge3A_1549, %select_n3A_1427, %select_n3A_1431 : vector<16xi1>, vector<16xi32>
      %select_n3A_1552 = arith.select %ge3A_1549, %select_n3A_1428, %select_n3A_1432 : vector<16xi1>, vector<16xf32>
      %ge3A_1553 = arith.cmpf oge, %select_n3A_1434, %select_n3A_1438 : vector<16xf32>
      %select_n3A_1554 = arith.select %ge3A_1553, %select_n3A_1434, %select_n3A_1438 : vector<16xi1>, vector<16xf32>
      %select_n3A_1555 = arith.select %ge3A_1553, %select_n3A_1435, %select_n3A_1439 : vector<16xi1>, vector<16xi32>
      %select_n3A_1556 = arith.select %ge3A_1553, %select_n3A_1436, %select_n3A_1440 : vector<16xi1>, vector<16xf32>
      %ge3A_1557 = arith.cmpf oge, %select_n3A_1442, %select_n3A_1446 : vector<16xf32>
      %select_n3A_1558 = arith.select %ge3A_1557, %select_n3A_1442, %select_n3A_1446 : vector<16xi1>, vector<16xf32>
      %select_n3A_1559 = arith.select %ge3A_1557, %select_n3A_1443, %select_n3A_1447 : vector<16xi1>, vector<16xi32>
      %select_n3A_1560 = arith.select %ge3A_1557, %select_n3A_1444, %select_n3A_1448 : vector<16xi1>, vector<16xf32>
      %ge3A_1561 = arith.cmpf oge, %select_n3A_1450, %select_n3A_1454 : vector<16xf32>
      %select_n3A_1562 = arith.select %ge3A_1561, %select_n3A_1450, %select_n3A_1454 : vector<16xi1>, vector<16xf32>
      %select_n3A_1563 = arith.select %ge3A_1561, %select_n3A_1451, %select_n3A_1455 : vector<16xi1>, vector<16xi32>
      %select_n3A_1564 = arith.select %ge3A_1561, %select_n3A_1452, %select_n3A_1456 : vector<16xi1>, vector<16xf32>
      %ge3A_1565 = arith.cmpf oge, %select_n3A_1458, %select_n3A_1462 : vector<16xf32>
      %select_n3A_1566 = arith.select %ge3A_1565, %select_n3A_1458, %select_n3A_1462 : vector<16xi1>, vector<16xf32>
      %select_n3A_1567 = arith.select %ge3A_1565, %select_n3A_1459, %select_n3A_1463 : vector<16xi1>, vector<16xi32>
      %select_n3A_1568 = arith.select %ge3A_1565, %select_n3A_1460, %select_n3A_1464 : vector<16xi1>, vector<16xf32>
      %ge3A_1569 = arith.cmpf oge, %select_n3A_1466, %select_n3A_1470 : vector<16xf32>
      %select_n3A_1570 = arith.select %ge3A_1569, %select_n3A_1466, %select_n3A_1470 : vector<16xi1>, vector<16xf32>
      %select_n3A_1571 = arith.select %ge3A_1569, %select_n3A_1467, %select_n3A_1471 : vector<16xi1>, vector<16xi32>
      %select_n3A_1572 = arith.select %ge3A_1569, %select_n3A_1468, %select_n3A_1472 : vector<16xi1>, vector<16xf32>
      %ge3A_1573 = arith.cmpf oge, %select_n3A_1474, %select_n3A_1478 : vector<16xf32>
      %select_n3A_1574 = arith.select %ge3A_1573, %select_n3A_1474, %select_n3A_1478 : vector<16xi1>, vector<16xf32>
      %select_n3A_1575 = arith.select %ge3A_1573, %select_n3A_1475, %select_n3A_1479 : vector<16xi1>, vector<16xi32>
      %select_n3A_1576 = arith.select %ge3A_1573, %select_n3A_1476, %select_n3A_1480 : vector<16xi1>, vector<16xf32>
      %ge3A_1577 = arith.cmpf oge, %select_n3A_1482, %select_n3A_1486 : vector<16xf32>
      %select_n3A_1578 = arith.select %ge3A_1577, %select_n3A_1482, %select_n3A_1486 : vector<16xi1>, vector<16xf32>
      %select_n3A_1579 = arith.select %ge3A_1577, %select_n3A_1483, %select_n3A_1487 : vector<16xi1>, vector<16xi32>
      %select_n3A_1580 = arith.select %ge3A_1577, %select_n3A_1484, %select_n3A_1488 : vector<16xi1>, vector<16xf32>
      %ge3A_1581 = arith.cmpf oge, %select_n3A_1490, %select_n3A_1494 : vector<16xf32>
      %select_n3A_1582 = arith.select %ge3A_1581, %select_n3A_1490, %select_n3A_1494 : vector<16xi1>, vector<16xf32>
      %select_n3A_1583 = arith.select %ge3A_1581, %select_n3A_1491, %select_n3A_1495 : vector<16xi1>, vector<16xi32>
      %select_n3A_1584 = arith.select %ge3A_1581, %select_n3A_1492, %select_n3A_1496 : vector<16xi1>, vector<16xf32>
      %ge3A_1585 = arith.cmpf oge, %select_n3A_1498, %select_n3A_1502 : vector<16xf32>
      %select_n3A_1586 = arith.select %ge3A_1585, %select_n3A_1498, %select_n3A_1502 : vector<16xi1>, vector<16xf32>
      %select_n3A_1587 = arith.select %ge3A_1585, %select_n3A_1499, %select_n3A_1503 : vector<16xi1>, vector<16xi32>
      %select_n3A_1588 = arith.select %ge3A_1585, %select_n3A_1500, %select_n3A_1504 : vector<16xi1>, vector<16xf32>
      %ge3A_1589 = arith.cmpf oge, %select_n3A_1506, %select_n3A_1510 : vector<16xf32>
      %select_n3A_1590 = arith.select %ge3A_1589, %select_n3A_1506, %select_n3A_1510 : vector<16xi1>, vector<16xf32>
      %select_n3A_1591 = arith.select %ge3A_1589, %select_n3A_1507, %select_n3A_1511 : vector<16xi1>, vector<16xi32>
      %select_n3A_1592 = arith.select %ge3A_1589, %select_n3A_1508, %select_n3A_1512 : vector<16xi1>, vector<16xf32>
      %ge3A_1593 = arith.cmpf oge, %select_n3A_1514, %select_n3A_1518 : vector<16xf32>
      %select_n3A_1594 = arith.select %ge3A_1593, %select_n3A_1514, %select_n3A_1518 : vector<16xi1>, vector<16xf32>
      %select_n3A_1595 = arith.select %ge3A_1593, %select_n3A_1515, %select_n3A_1519 : vector<16xi1>, vector<16xi32>
      %select_n3A_1596 = arith.select %ge3A_1593, %select_n3A_1516, %select_n3A_1520 : vector<16xi1>, vector<16xf32>
      %ge3A_1597 = arith.cmpf oge, %select_n3A_1522, %select_n3A_1526 : vector<16xf32>
      %select_n3A_1598 = arith.select %ge3A_1597, %select_n3A_1522, %select_n3A_1526 : vector<16xi1>, vector<16xf32>
      %select_n3A_1599 = arith.select %ge3A_1597, %select_n3A_1523, %select_n3A_1527 : vector<16xi1>, vector<16xi32>
      %select_n3A_1600 = arith.select %ge3A_1597, %select_n3A_1524, %select_n3A_1528 : vector<16xi1>, vector<16xf32>
      %ge3A_1601 = arith.cmpf oge, %select_n3A_1530, %select_n3A_1534 : vector<16xf32>
      %select_n3A_1602 = arith.select %ge3A_1601, %select_n3A_1530, %select_n3A_1534 : vector<16xi1>, vector<16xf32>
      %select_n3A_1603 = arith.select %ge3A_1601, %select_n3A_1531, %select_n3A_1535 : vector<16xi1>, vector<16xi32>
      %select_n3A_1604 = arith.select %ge3A_1601, %select_n3A_1532, %select_n3A_1536 : vector<16xi1>, vector<16xf32>
      %ge3A_1605 = arith.cmpf oge, %select_n3A_1538, %select_n3A_1542 : vector<16xf32>
      %select_n3A_1606 = arith.select %ge3A_1605, %select_n3A_1538, %select_n3A_1542 : vector<16xi1>, vector<16xf32>
      %select_n3A_1607 = arith.select %ge3A_1605, %select_n3A_1539, %select_n3A_1543 : vector<16xi1>, vector<16xi32>
      %select_n3A_1608 = arith.select %ge3A_1605, %select_n3A_1540, %select_n3A_1544 : vector<16xi1>, vector<16xf32>
      %ge3A_1609 = arith.cmpf oge, %select_n3A_1546, %select_n3A_1550 : vector<16xf32>
      %select_n3A_1610 = arith.select %ge3A_1609, %select_n3A_1546, %select_n3A_1550 : vector<16xi1>, vector<16xf32>
      %select_n3A_1611 = arith.select %ge3A_1609, %select_n3A_1547, %select_n3A_1551 : vector<16xi1>, vector<16xi32>
      %select_n3A_1612 = arith.select %ge3A_1609, %select_n3A_1548, %select_n3A_1552 : vector<16xi1>, vector<16xf32>
      %ge3A_1613 = arith.cmpf oge, %select_n3A_1554, %select_n3A_1558 : vector<16xf32>
      %select_n3A_1614 = arith.select %ge3A_1613, %select_n3A_1554, %select_n3A_1558 : vector<16xi1>, vector<16xf32>
      %select_n3A_1615 = arith.select %ge3A_1613, %select_n3A_1555, %select_n3A_1559 : vector<16xi1>, vector<16xi32>
      %select_n3A_1616 = arith.select %ge3A_1613, %select_n3A_1556, %select_n3A_1560 : vector<16xi1>, vector<16xf32>
      %ge3A_1617 = arith.cmpf oge, %select_n3A_1562, %select_n3A_1566 : vector<16xf32>
      %select_n3A_1618 = arith.select %ge3A_1617, %select_n3A_1562, %select_n3A_1566 : vector<16xi1>, vector<16xf32>
      %select_n3A_1619 = arith.select %ge3A_1617, %select_n3A_1563, %select_n3A_1567 : vector<16xi1>, vector<16xi32>
      %select_n3A_1620 = arith.select %ge3A_1617, %select_n3A_1564, %select_n3A_1568 : vector<16xi1>, vector<16xf32>
      %ge3A_1621 = arith.cmpf oge, %select_n3A_1570, %select_n3A_1574 : vector<16xf32>
      %select_n3A_1622 = arith.select %ge3A_1621, %select_n3A_1570, %select_n3A_1574 : vector<16xi1>, vector<16xf32>
      %select_n3A_1623 = arith.select %ge3A_1621, %select_n3A_1571, %select_n3A_1575 : vector<16xi1>, vector<16xi32>
      %select_n3A_1624 = arith.select %ge3A_1621, %select_n3A_1572, %select_n3A_1576 : vector<16xi1>, vector<16xf32>
      %ge3A_1625 = arith.cmpf oge, %select_n3A_1578, %select_n3A_1582 : vector<16xf32>
      %select_n3A_1626 = arith.select %ge3A_1625, %select_n3A_1578, %select_n3A_1582 : vector<16xi1>, vector<16xf32>
      %select_n3A_1627 = arith.select %ge3A_1625, %select_n3A_1579, %select_n3A_1583 : vector<16xi1>, vector<16xi32>
      %select_n3A_1628 = arith.select %ge3A_1625, %select_n3A_1580, %select_n3A_1584 : vector<16xi1>, vector<16xf32>
      %ge3A_1629 = arith.cmpf oge, %select_n3A_1586, %select_n3A_1590 : vector<16xf32>
      %select_n3A_1630 = arith.select %ge3A_1629, %select_n3A_1586, %select_n3A_1590 : vector<16xi1>, vector<16xf32>
      %select_n3A_1631 = arith.select %ge3A_1629, %select_n3A_1587, %select_n3A_1591 : vector<16xi1>, vector<16xi32>
      %select_n3A_1632 = arith.select %ge3A_1629, %select_n3A_1588, %select_n3A_1592 : vector<16xi1>, vector<16xf32>
      %ge3A_1633 = arith.cmpf oge, %select_n3A_1594, %select_n3A_1598 : vector<16xf32>
      %select_n3A_1634 = arith.select %ge3A_1633, %select_n3A_1594, %select_n3A_1598 : vector<16xi1>, vector<16xf32>
      %select_n3A_1635 = arith.select %ge3A_1633, %select_n3A_1595, %select_n3A_1599 : vector<16xi1>, vector<16xi32>
      %select_n3A_1636 = arith.select %ge3A_1633, %select_n3A_1596, %select_n3A_1600 : vector<16xi1>, vector<16xf32>
      %ge3A_1637 = arith.cmpf oge, %select_n3A_1602, %select_n3A_1606 : vector<16xf32>
      %select_n3A_1638 = arith.select %ge3A_1637, %select_n3A_1602, %select_n3A_1606 : vector<16xi1>, vector<16xf32>
      %select_n3A_1639 = arith.select %ge3A_1637, %select_n3A_1603, %select_n3A_1607 : vector<16xi1>, vector<16xi32>
      %select_n3A_1640 = arith.select %ge3A_1637, %select_n3A_1604, %select_n3A_1608 : vector<16xi1>, vector<16xf32>
      %ge3A_1641 = arith.cmpf oge, %select_n3A_1610, %select_n3A_1614 : vector<16xf32>
      %select_n3A_1642 = arith.select %ge3A_1641, %select_n3A_1610, %select_n3A_1614 : vector<16xi1>, vector<16xf32>
      %select_n3A_1643 = arith.select %ge3A_1641, %select_n3A_1611, %select_n3A_1615 : vector<16xi1>, vector<16xi32>
      %select_n3A_1644 = arith.select %ge3A_1641, %select_n3A_1612, %select_n3A_1616 : vector<16xi1>, vector<16xf32>
      %ge3A_1645 = arith.cmpf oge, %select_n3A_1618, %select_n3A_1622 : vector<16xf32>
      %select_n3A_1646 = arith.select %ge3A_1645, %select_n3A_1618, %select_n3A_1622 : vector<16xi1>, vector<16xf32>
      %select_n3A_1647 = arith.select %ge3A_1645, %select_n3A_1619, %select_n3A_1623 : vector<16xi1>, vector<16xi32>
      %select_n3A_1648 = arith.select %ge3A_1645, %select_n3A_1620, %select_n3A_1624 : vector<16xi1>, vector<16xf32>
      %ge3A_1649 = arith.cmpf oge, %select_n3A_1626, %select_n3A_1630 : vector<16xf32>
      %select_n3A_1650 = arith.select %ge3A_1649, %select_n3A_1626, %select_n3A_1630 : vector<16xi1>, vector<16xf32>
      %select_n3A_1651 = arith.select %ge3A_1649, %select_n3A_1627, %select_n3A_1631 : vector<16xi1>, vector<16xi32>
      %select_n3A_1652 = arith.select %ge3A_1649, %select_n3A_1628, %select_n3A_1632 : vector<16xi1>, vector<16xf32>
      %ge3A_1653 = arith.cmpf oge, %select_n3A_1634, %select_n3A_1638 : vector<16xf32>
      %select_n3A_1654 = arith.select %ge3A_1653, %select_n3A_1634, %select_n3A_1638 : vector<16xi1>, vector<16xf32>
      %select_n3A_1655 = arith.select %ge3A_1653, %select_n3A_1635, %select_n3A_1639 : vector<16xi1>, vector<16xi32>
      %select_n3A_1656 = arith.select %ge3A_1653, %select_n3A_1636, %select_n3A_1640 : vector<16xi1>, vector<16xf32>
      %ge3A_1657 = arith.cmpf oge, %select_n3A_1642, %select_n3A_1646 : vector<16xf32>
      %select_n3A_1658 = arith.select %ge3A_1657, %select_n3A_1642, %select_n3A_1646 : vector<16xi1>, vector<16xf32>
      %select_n3A_1659 = arith.select %ge3A_1657, %select_n3A_1643, %select_n3A_1647 : vector<16xi1>, vector<16xi32>
      %select_n3A_1660 = arith.select %ge3A_1657, %select_n3A_1644, %select_n3A_1648 : vector<16xi1>, vector<16xf32>
      %ge3A_1661 = arith.cmpf oge, %select_n3A_1650, %select_n3A_1654 : vector<16xf32>
      %select_n3A_1662 = arith.select %ge3A_1661, %select_n3A_1650, %select_n3A_1654 : vector<16xi1>, vector<16xf32>
      %select_n3A_1663 = arith.select %ge3A_1661, %select_n3A_1651, %select_n3A_1655 : vector<16xi1>, vector<16xi32>
      %select_n3A_1664 = arith.select %ge3A_1661, %select_n3A_1652, %select_n3A_1656 : vector<16xi1>, vector<16xf32>
      %ge3A_1665 = arith.cmpf oge, %select_n3A_1658, %select_n3A_1662 : vector<16xf32>
      %select_n3A_1666 = arith.select %ge3A_1665, %select_n3A_1658, %select_n3A_1662 : vector<16xi1>, vector<16xf32>
      %select_n3A_1667 = arith.select %ge3A_1665, %select_n3A_1659, %select_n3A_1663 : vector<16xi1>, vector<16xi32>
      %select_n3A_1668 = arith.select %ge3A_1665, %select_n3A_1660, %select_n3A_1664 : vector<16xi1>, vector<16xf32>
      %eq3A = arith.constant 0 : i32
      %eq3A_1669 = vector.broadcast %eq3A : i32 to vector<16xi32>
      %eq3A_1670 = arith.cmpi eq, %select_n3A_1667, %eq3A_1669 : vector<16xi32>
      %select_n3A_1671 = arith.select %eq3A_1670, %broadcast_in_dim3A_3, %add3A_21 : vector<16xi1>, vector<16xf32>
      %eq3A_1672 = arith.constant 1 : i32
      %eq3A_1673 = vector.broadcast %eq3A_1672 : i32 to vector<16xi32>
      %eq3A_1674 = arith.cmpi eq, %select_n3A_1667, %eq3A_1673 : vector<16xi32>
      %select_n3A_1675 = arith.select %eq3A_1674, %broadcast_in_dim3A_3, %add3A_43 : vector<16xi1>, vector<16xf32>
      %eq3A_1676 = arith.constant 2 : i32
      %eq3A_1677 = vector.broadcast %eq3A_1676 : i32 to vector<16xi32>
      %eq3A_1678 = arith.cmpi eq, %select_n3A_1667, %eq3A_1677 : vector<16xi32>
      %select_n3A_1679 = arith.select %eq3A_1678, %broadcast_in_dim3A_3, %add3A_65 : vector<16xi1>, vector<16xf32>
      %eq3A_1680 = arith.constant 3 : i32
      %eq3A_1681 = vector.broadcast %eq3A_1680 : i32 to vector<16xi32>
      %eq3A_1682 = arith.cmpi eq, %select_n3A_1667, %eq3A_1681 : vector<16xi32>
      %select_n3A_1683 = arith.select %eq3A_1682, %broadcast_in_dim3A_3, %add3A_87 : vector<16xi1>, vector<16xf32>
      %eq3A_1684 = arith.constant 4 : i32
      %eq3A_1685 = vector.broadcast %eq3A_1684 : i32 to vector<16xi32>
      %eq3A_1686 = arith.cmpi eq, %select_n3A_1667, %eq3A_1685 : vector<16xi32>
      %select_n3A_1687 = arith.select %eq3A_1686, %broadcast_in_dim3A_3, %add3A_109 : vector<16xi1>, vector<16xf32>
      %eq3A_1688 = arith.constant 5 : i32
      %eq3A_1689 = vector.broadcast %eq3A_1688 : i32 to vector<16xi32>
      %eq3A_1690 = arith.cmpi eq, %select_n3A_1667, %eq3A_1689 : vector<16xi32>
      %select_n3A_1691 = arith.select %eq3A_1690, %broadcast_in_dim3A_3, %add3A_131 : vector<16xi1>, vector<16xf32>
      %eq3A_1692 = arith.constant 6 : i32
      %eq3A_1693 = vector.broadcast %eq3A_1692 : i32 to vector<16xi32>
      %eq3A_1694 = arith.cmpi eq, %select_n3A_1667, %eq3A_1693 : vector<16xi32>
      %select_n3A_1695 = arith.select %eq3A_1694, %broadcast_in_dim3A_3, %add3A_153 : vector<16xi1>, vector<16xf32>
      %eq3A_1696 = arith.constant 7 : i32
      %eq3A_1697 = vector.broadcast %eq3A_1696 : i32 to vector<16xi32>
      %eq3A_1698 = arith.cmpi eq, %select_n3A_1667, %eq3A_1697 : vector<16xi32>
      %select_n3A_1699 = arith.select %eq3A_1698, %broadcast_in_dim3A_3, %add3A_175 : vector<16xi1>, vector<16xf32>
      %eq3A_1700 = arith.constant 8 : i32
      %eq3A_1701 = vector.broadcast %eq3A_1700 : i32 to vector<16xi32>
      %eq3A_1702 = arith.cmpi eq, %select_n3A_1667, %eq3A_1701 : vector<16xi32>
      %select_n3A_1703 = arith.select %eq3A_1702, %broadcast_in_dim3A_3, %add3A_197 : vector<16xi1>, vector<16xf32>
      %eq3A_1704 = arith.constant 9 : i32
      %eq3A_1705 = vector.broadcast %eq3A_1704 : i32 to vector<16xi32>
      %eq3A_1706 = arith.cmpi eq, %select_n3A_1667, %eq3A_1705 : vector<16xi32>
      %select_n3A_1707 = arith.select %eq3A_1706, %broadcast_in_dim3A_3, %add3A_219 : vector<16xi1>, vector<16xf32>
      %eq3A_1708 = arith.constant 10 : i32
      %eq3A_1709 = vector.broadcast %eq3A_1708 : i32 to vector<16xi32>
      %eq3A_1710 = arith.cmpi eq, %select_n3A_1667, %eq3A_1709 : vector<16xi32>
      %select_n3A_1711 = arith.select %eq3A_1710, %broadcast_in_dim3A_3, %add3A_241 : vector<16xi1>, vector<16xf32>
      %eq3A_1712 = arith.constant 11 : i32
      %eq3A_1713 = vector.broadcast %eq3A_1712 : i32 to vector<16xi32>
      %eq3A_1714 = arith.cmpi eq, %select_n3A_1667, %eq3A_1713 : vector<16xi32>
      %select_n3A_1715 = arith.select %eq3A_1714, %broadcast_in_dim3A_3, %add3A_263 : vector<16xi1>, vector<16xf32>
      %eq3A_1716 = arith.constant 12 : i32
      %eq3A_1717 = vector.broadcast %eq3A_1716 : i32 to vector<16xi32>
      %eq3A_1718 = arith.cmpi eq, %select_n3A_1667, %eq3A_1717 : vector<16xi32>
      %select_n3A_1719 = arith.select %eq3A_1718, %broadcast_in_dim3A_3, %add3A_285 : vector<16xi1>, vector<16xf32>
      %eq3A_1720 = arith.constant 13 : i32
      %eq3A_1721 = vector.broadcast %eq3A_1720 : i32 to vector<16xi32>
      %eq3A_1722 = arith.cmpi eq, %select_n3A_1667, %eq3A_1721 : vector<16xi32>
      %select_n3A_1723 = arith.select %eq3A_1722, %broadcast_in_dim3A_3, %add3A_307 : vector<16xi1>, vector<16xf32>
      %eq3A_1724 = arith.constant 14 : i32
      %eq3A_1725 = vector.broadcast %eq3A_1724 : i32 to vector<16xi32>
      %eq3A_1726 = arith.cmpi eq, %select_n3A_1667, %eq3A_1725 : vector<16xi32>
      %select_n3A_1727 = arith.select %eq3A_1726, %broadcast_in_dim3A_3, %add3A_329 : vector<16xi1>, vector<16xf32>
      %eq3A_1728 = arith.constant 15 : i32
      %eq3A_1729 = vector.broadcast %eq3A_1728 : i32 to vector<16xi32>
      %eq3A_1730 = arith.cmpi eq, %select_n3A_1667, %eq3A_1729 : vector<16xi32>
      %select_n3A_1731 = arith.select %eq3A_1730, %broadcast_in_dim3A_3, %add3A_351 : vector<16xi1>, vector<16xf32>
      %eq3A_1732 = arith.constant 16 : i32
      %eq3A_1733 = vector.broadcast %eq3A_1732 : i32 to vector<16xi32>
      %eq3A_1734 = arith.cmpi eq, %select_n3A_1667, %eq3A_1733 : vector<16xi32>
      %select_n3A_1735 = arith.select %eq3A_1734, %broadcast_in_dim3A_3, %add3A_373 : vector<16xi1>, vector<16xf32>
      %eq3A_1736 = arith.constant 17 : i32
      %eq3A_1737 = vector.broadcast %eq3A_1736 : i32 to vector<16xi32>
      %eq3A_1738 = arith.cmpi eq, %select_n3A_1667, %eq3A_1737 : vector<16xi32>
      %select_n3A_1739 = arith.select %eq3A_1738, %broadcast_in_dim3A_3, %add3A_395 : vector<16xi1>, vector<16xf32>
      %eq3A_1740 = arith.constant 18 : i32
      %eq3A_1741 = vector.broadcast %eq3A_1740 : i32 to vector<16xi32>
      %eq3A_1742 = arith.cmpi eq, %select_n3A_1667, %eq3A_1741 : vector<16xi32>
      %select_n3A_1743 = arith.select %eq3A_1742, %broadcast_in_dim3A_3, %add3A_417 : vector<16xi1>, vector<16xf32>
      %eq3A_1744 = arith.constant 19 : i32
      %eq3A_1745 = vector.broadcast %eq3A_1744 : i32 to vector<16xi32>
      %eq3A_1746 = arith.cmpi eq, %select_n3A_1667, %eq3A_1745 : vector<16xi32>
      %select_n3A_1747 = arith.select %eq3A_1746, %broadcast_in_dim3A_3, %add3A_439 : vector<16xi1>, vector<16xf32>
      %eq3A_1748 = arith.constant 20 : i32
      %eq3A_1749 = vector.broadcast %eq3A_1748 : i32 to vector<16xi32>
      %eq3A_1750 = arith.cmpi eq, %select_n3A_1667, %eq3A_1749 : vector<16xi32>
      %select_n3A_1751 = arith.select %eq3A_1750, %broadcast_in_dim3A_3, %add3A_461 : vector<16xi1>, vector<16xf32>
      %eq3A_1752 = arith.constant 21 : i32
      %eq3A_1753 = vector.broadcast %eq3A_1752 : i32 to vector<16xi32>
      %eq3A_1754 = arith.cmpi eq, %select_n3A_1667, %eq3A_1753 : vector<16xi32>
      %select_n3A_1755 = arith.select %eq3A_1754, %broadcast_in_dim3A_3, %add3A_483 : vector<16xi1>, vector<16xf32>
      %eq3A_1756 = arith.constant 22 : i32
      %eq3A_1757 = vector.broadcast %eq3A_1756 : i32 to vector<16xi32>
      %eq3A_1758 = arith.cmpi eq, %select_n3A_1667, %eq3A_1757 : vector<16xi32>
      %select_n3A_1759 = arith.select %eq3A_1758, %broadcast_in_dim3A_3, %add3A_505 : vector<16xi1>, vector<16xf32>
      %eq3A_1760 = arith.constant 23 : i32
      %eq3A_1761 = vector.broadcast %eq3A_1760 : i32 to vector<16xi32>
      %eq3A_1762 = arith.cmpi eq, %select_n3A_1667, %eq3A_1761 : vector<16xi32>
      %select_n3A_1763 = arith.select %eq3A_1762, %broadcast_in_dim3A_3, %add3A_527 : vector<16xi1>, vector<16xf32>
      %eq3A_1764 = arith.constant 24 : i32
      %eq3A_1765 = vector.broadcast %eq3A_1764 : i32 to vector<16xi32>
      %eq3A_1766 = arith.cmpi eq, %select_n3A_1667, %eq3A_1765 : vector<16xi32>
      %select_n3A_1767 = arith.select %eq3A_1766, %broadcast_in_dim3A_3, %add3A_549 : vector<16xi1>, vector<16xf32>
      %eq3A_1768 = arith.constant 25 : i32
      %eq3A_1769 = vector.broadcast %eq3A_1768 : i32 to vector<16xi32>
      %eq3A_1770 = arith.cmpi eq, %select_n3A_1667, %eq3A_1769 : vector<16xi32>
      %select_n3A_1771 = arith.select %eq3A_1770, %broadcast_in_dim3A_3, %add3A_571 : vector<16xi1>, vector<16xf32>
      %eq3A_1772 = arith.constant 26 : i32
      %eq3A_1773 = vector.broadcast %eq3A_1772 : i32 to vector<16xi32>
      %eq3A_1774 = arith.cmpi eq, %select_n3A_1667, %eq3A_1773 : vector<16xi32>
      %select_n3A_1775 = arith.select %eq3A_1774, %broadcast_in_dim3A_3, %add3A_593 : vector<16xi1>, vector<16xf32>
      %eq3A_1776 = arith.constant 27 : i32
      %eq3A_1777 = vector.broadcast %eq3A_1776 : i32 to vector<16xi32>
      %eq3A_1778 = arith.cmpi eq, %select_n3A_1667, %eq3A_1777 : vector<16xi32>
      %select_n3A_1779 = arith.select %eq3A_1778, %broadcast_in_dim3A_3, %add3A_615 : vector<16xi1>, vector<16xf32>
      %eq3A_1780 = arith.constant 28 : i32
      %eq3A_1781 = vector.broadcast %eq3A_1780 : i32 to vector<16xi32>
      %eq3A_1782 = arith.cmpi eq, %select_n3A_1667, %eq3A_1781 : vector<16xi32>
      %select_n3A_1783 = arith.select %eq3A_1782, %broadcast_in_dim3A_3, %add3A_637 : vector<16xi1>, vector<16xf32>
      %eq3A_1784 = arith.constant 29 : i32
      %eq3A_1785 = vector.broadcast %eq3A_1784 : i32 to vector<16xi32>
      %eq3A_1786 = arith.cmpi eq, %select_n3A_1667, %eq3A_1785 : vector<16xi32>
      %select_n3A_1787 = arith.select %eq3A_1786, %broadcast_in_dim3A_3, %add3A_659 : vector<16xi1>, vector<16xf32>
      %eq3A_1788 = arith.constant 30 : i32
      %eq3A_1789 = vector.broadcast %eq3A_1788 : i32 to vector<16xi32>
      %eq3A_1790 = arith.cmpi eq, %select_n3A_1667, %eq3A_1789 : vector<16xi32>
      %select_n3A_1791 = arith.select %eq3A_1790, %broadcast_in_dim3A_3, %add3A_681 : vector<16xi1>, vector<16xf32>
      %eq3A_1792 = arith.constant 31 : i32
      %eq3A_1793 = vector.broadcast %eq3A_1792 : i32 to vector<16xi32>
      %eq3A_1794 = arith.cmpi eq, %select_n3A_1667, %eq3A_1793 : vector<16xi32>
      %select_n3A_1795 = arith.select %eq3A_1794, %broadcast_in_dim3A_3, %add3A_703 : vector<16xi1>, vector<16xf32>
      %eq3A_1796 = arith.constant 32 : i32
      %eq3A_1797 = vector.broadcast %eq3A_1796 : i32 to vector<16xi32>
      %eq3A_1798 = arith.cmpi eq, %select_n3A_1667, %eq3A_1797 : vector<16xi32>
      %select_n3A_1799 = arith.select %eq3A_1798, %broadcast_in_dim3A_3, %add3A_725 : vector<16xi1>, vector<16xf32>
      %eq3A_1800 = arith.constant 33 : i32
      %eq3A_1801 = vector.broadcast %eq3A_1800 : i32 to vector<16xi32>
      %eq3A_1802 = arith.cmpi eq, %select_n3A_1667, %eq3A_1801 : vector<16xi32>
      %select_n3A_1803 = arith.select %eq3A_1802, %broadcast_in_dim3A_3, %add3A_747 : vector<16xi1>, vector<16xf32>
      %eq3A_1804 = arith.constant 34 : i32
      %eq3A_1805 = vector.broadcast %eq3A_1804 : i32 to vector<16xi32>
      %eq3A_1806 = arith.cmpi eq, %select_n3A_1667, %eq3A_1805 : vector<16xi32>
      %select_n3A_1807 = arith.select %eq3A_1806, %broadcast_in_dim3A_3, %add3A_769 : vector<16xi1>, vector<16xf32>
      %eq3A_1808 = arith.constant 35 : i32
      %eq3A_1809 = vector.broadcast %eq3A_1808 : i32 to vector<16xi32>
      %eq3A_1810 = arith.cmpi eq, %select_n3A_1667, %eq3A_1809 : vector<16xi32>
      %select_n3A_1811 = arith.select %eq3A_1810, %broadcast_in_dim3A_3, %add3A_791 : vector<16xi1>, vector<16xf32>
      %eq3A_1812 = arith.constant 36 : i32
      %eq3A_1813 = vector.broadcast %eq3A_1812 : i32 to vector<16xi32>
      %eq3A_1814 = arith.cmpi eq, %select_n3A_1667, %eq3A_1813 : vector<16xi32>
      %select_n3A_1815 = arith.select %eq3A_1814, %broadcast_in_dim3A_3, %add3A_813 : vector<16xi1>, vector<16xf32>
      %eq3A_1816 = arith.constant 37 : i32
      %eq3A_1817 = vector.broadcast %eq3A_1816 : i32 to vector<16xi32>
      %eq3A_1818 = arith.cmpi eq, %select_n3A_1667, %eq3A_1817 : vector<16xi32>
      %select_n3A_1819 = arith.select %eq3A_1818, %broadcast_in_dim3A_3, %add3A_835 : vector<16xi1>, vector<16xf32>
      %eq3A_1820 = arith.constant 38 : i32
      %eq3A_1821 = vector.broadcast %eq3A_1820 : i32 to vector<16xi32>
      %eq3A_1822 = arith.cmpi eq, %select_n3A_1667, %eq3A_1821 : vector<16xi32>
      %select_n3A_1823 = arith.select %eq3A_1822, %broadcast_in_dim3A_3, %add3A_857 : vector<16xi1>, vector<16xf32>
      %eq3A_1824 = arith.constant 39 : i32
      %eq3A_1825 = vector.broadcast %eq3A_1824 : i32 to vector<16xi32>
      %eq3A_1826 = arith.cmpi eq, %select_n3A_1667, %eq3A_1825 : vector<16xi32>
      %select_n3A_1827 = arith.select %eq3A_1826, %broadcast_in_dim3A_3, %add3A_879 : vector<16xi1>, vector<16xf32>
      %eq3A_1828 = arith.constant 40 : i32
      %eq3A_1829 = vector.broadcast %eq3A_1828 : i32 to vector<16xi32>
      %eq3A_1830 = arith.cmpi eq, %select_n3A_1667, %eq3A_1829 : vector<16xi32>
      %select_n3A_1831 = arith.select %eq3A_1830, %broadcast_in_dim3A_3, %add3A_901 : vector<16xi1>, vector<16xf32>
      %eq3A_1832 = arith.constant 41 : i32
      %eq3A_1833 = vector.broadcast %eq3A_1832 : i32 to vector<16xi32>
      %eq3A_1834 = arith.cmpi eq, %select_n3A_1667, %eq3A_1833 : vector<16xi32>
      %select_n3A_1835 = arith.select %eq3A_1834, %broadcast_in_dim3A_3, %add3A_923 : vector<16xi1>, vector<16xf32>
      %eq3A_1836 = arith.constant 42 : i32
      %eq3A_1837 = vector.broadcast %eq3A_1836 : i32 to vector<16xi32>
      %eq3A_1838 = arith.cmpi eq, %select_n3A_1667, %eq3A_1837 : vector<16xi32>
      %select_n3A_1839 = arith.select %eq3A_1838, %broadcast_in_dim3A_3, %add3A_945 : vector<16xi1>, vector<16xf32>
      %eq3A_1840 = arith.constant 43 : i32
      %eq3A_1841 = vector.broadcast %eq3A_1840 : i32 to vector<16xi32>
      %eq3A_1842 = arith.cmpi eq, %select_n3A_1667, %eq3A_1841 : vector<16xi32>
      %select_n3A_1843 = arith.select %eq3A_1842, %broadcast_in_dim3A_3, %add3A_967 : vector<16xi1>, vector<16xf32>
      %eq3A_1844 = arith.constant 44 : i32
      %eq3A_1845 = vector.broadcast %eq3A_1844 : i32 to vector<16xi32>
      %eq3A_1846 = arith.cmpi eq, %select_n3A_1667, %eq3A_1845 : vector<16xi32>
      %select_n3A_1847 = arith.select %eq3A_1846, %broadcast_in_dim3A_3, %add3A_989 : vector<16xi1>, vector<16xf32>
      %eq3A_1848 = arith.constant 45 : i32
      %eq3A_1849 = vector.broadcast %eq3A_1848 : i32 to vector<16xi32>
      %eq3A_1850 = arith.cmpi eq, %select_n3A_1667, %eq3A_1849 : vector<16xi32>
      %select_n3A_1851 = arith.select %eq3A_1850, %broadcast_in_dim3A_3, %add3A_1011 : vector<16xi1>, vector<16xf32>
      %eq3A_1852 = arith.constant 46 : i32
      %eq3A_1853 = vector.broadcast %eq3A_1852 : i32 to vector<16xi32>
      %eq3A_1854 = arith.cmpi eq, %select_n3A_1667, %eq3A_1853 : vector<16xi32>
      %select_n3A_1855 = arith.select %eq3A_1854, %broadcast_in_dim3A_3, %add3A_1033 : vector<16xi1>, vector<16xf32>
      %eq3A_1856 = arith.constant 47 : i32
      %eq3A_1857 = vector.broadcast %eq3A_1856 : i32 to vector<16xi32>
      %eq3A_1858 = arith.cmpi eq, %select_n3A_1667, %eq3A_1857 : vector<16xi32>
      %select_n3A_1859 = arith.select %eq3A_1858, %broadcast_in_dim3A_3, %add3A_1055 : vector<16xi1>, vector<16xf32>
      %eq3A_1860 = arith.constant 48 : i32
      %eq3A_1861 = vector.broadcast %eq3A_1860 : i32 to vector<16xi32>
      %eq3A_1862 = arith.cmpi eq, %select_n3A_1667, %eq3A_1861 : vector<16xi32>
      %select_n3A_1863 = arith.select %eq3A_1862, %broadcast_in_dim3A_3, %add3A_1077 : vector<16xi1>, vector<16xf32>
      %eq3A_1864 = arith.constant 49 : i32
      %eq3A_1865 = vector.broadcast %eq3A_1864 : i32 to vector<16xi32>
      %eq3A_1866 = arith.cmpi eq, %select_n3A_1667, %eq3A_1865 : vector<16xi32>
      %select_n3A_1867 = arith.select %eq3A_1866, %broadcast_in_dim3A_3, %add3A_1099 : vector<16xi1>, vector<16xf32>
      %eq3A_1868 = arith.constant 50 : i32
      %eq3A_1869 = vector.broadcast %eq3A_1868 : i32 to vector<16xi32>
      %eq3A_1870 = arith.cmpi eq, %select_n3A_1667, %eq3A_1869 : vector<16xi32>
      %select_n3A_1871 = arith.select %eq3A_1870, %broadcast_in_dim3A_3, %add3A_1121 : vector<16xi1>, vector<16xf32>
      %eq3A_1872 = arith.constant 51 : i32
      %eq3A_1873 = vector.broadcast %eq3A_1872 : i32 to vector<16xi32>
      %eq3A_1874 = arith.cmpi eq, %select_n3A_1667, %eq3A_1873 : vector<16xi32>
      %select_n3A_1875 = arith.select %eq3A_1874, %broadcast_in_dim3A_3, %add3A_1143 : vector<16xi1>, vector<16xf32>
      %eq3A_1876 = arith.constant 52 : i32
      %eq3A_1877 = vector.broadcast %eq3A_1876 : i32 to vector<16xi32>
      %eq3A_1878 = arith.cmpi eq, %select_n3A_1667, %eq3A_1877 : vector<16xi32>
      %select_n3A_1879 = arith.select %eq3A_1878, %broadcast_in_dim3A_3, %add3A_1165 : vector<16xi1>, vector<16xf32>
      %eq3A_1880 = arith.constant 53 : i32
      %eq3A_1881 = vector.broadcast %eq3A_1880 : i32 to vector<16xi32>
      %eq3A_1882 = arith.cmpi eq, %select_n3A_1667, %eq3A_1881 : vector<16xi32>
      %select_n3A_1883 = arith.select %eq3A_1882, %broadcast_in_dim3A_3, %add3A_1187 : vector<16xi1>, vector<16xf32>
      %eq3A_1884 = arith.constant 54 : i32
      %eq3A_1885 = vector.broadcast %eq3A_1884 : i32 to vector<16xi32>
      %eq3A_1886 = arith.cmpi eq, %select_n3A_1667, %eq3A_1885 : vector<16xi32>
      %select_n3A_1887 = arith.select %eq3A_1886, %broadcast_in_dim3A_3, %add3A_1209 : vector<16xi1>, vector<16xf32>
      %eq3A_1888 = arith.constant 55 : i32
      %eq3A_1889 = vector.broadcast %eq3A_1888 : i32 to vector<16xi32>
      %eq3A_1890 = arith.cmpi eq, %select_n3A_1667, %eq3A_1889 : vector<16xi32>
      %select_n3A_1891 = arith.select %eq3A_1890, %broadcast_in_dim3A_3, %add3A_1231 : vector<16xi1>, vector<16xf32>
      %eq3A_1892 = arith.constant 56 : i32
      %eq3A_1893 = vector.broadcast %eq3A_1892 : i32 to vector<16xi32>
      %eq3A_1894 = arith.cmpi eq, %select_n3A_1667, %eq3A_1893 : vector<16xi32>
      %select_n3A_1895 = arith.select %eq3A_1894, %broadcast_in_dim3A_3, %add3A_1253 : vector<16xi1>, vector<16xf32>
      %eq3A_1896 = arith.constant 57 : i32
      %eq3A_1897 = vector.broadcast %eq3A_1896 : i32 to vector<16xi32>
      %eq3A_1898 = arith.cmpi eq, %select_n3A_1667, %eq3A_1897 : vector<16xi32>
      %select_n3A_1899 = arith.select %eq3A_1898, %broadcast_in_dim3A_3, %add3A_1275 : vector<16xi1>, vector<16xf32>
      %eq3A_1900 = arith.constant 58 : i32
      %eq3A_1901 = vector.broadcast %eq3A_1900 : i32 to vector<16xi32>
      %eq3A_1902 = arith.cmpi eq, %select_n3A_1667, %eq3A_1901 : vector<16xi32>
      %select_n3A_1903 = arith.select %eq3A_1902, %broadcast_in_dim3A_3, %add3A_1297 : vector<16xi1>, vector<16xf32>
      %eq3A_1904 = arith.constant 59 : i32
      %eq3A_1905 = vector.broadcast %eq3A_1904 : i32 to vector<16xi32>
      %eq3A_1906 = arith.cmpi eq, %select_n3A_1667, %eq3A_1905 : vector<16xi32>
      %select_n3A_1907 = arith.select %eq3A_1906, %broadcast_in_dim3A_3, %add3A_1319 : vector<16xi1>, vector<16xf32>
      %eq3A_1908 = arith.constant 60 : i32
      %eq3A_1909 = vector.broadcast %eq3A_1908 : i32 to vector<16xi32>
      %eq3A_1910 = arith.cmpi eq, %select_n3A_1667, %eq3A_1909 : vector<16xi32>
      %select_n3A_1911 = arith.select %eq3A_1910, %broadcast_in_dim3A_3, %add3A_1341 : vector<16xi1>, vector<16xf32>
      %eq3A_1912 = arith.constant 61 : i32
      %eq3A_1913 = vector.broadcast %eq3A_1912 : i32 to vector<16xi32>
      %eq3A_1914 = arith.cmpi eq, %select_n3A_1667, %eq3A_1913 : vector<16xi32>
      %select_n3A_1915 = arith.select %eq3A_1914, %broadcast_in_dim3A_3, %add3A_1363 : vector<16xi1>, vector<16xf32>
      %eq3A_1916 = arith.constant 62 : i32
      %eq3A_1917 = vector.broadcast %eq3A_1916 : i32 to vector<16xi32>
      %eq3A_1918 = arith.cmpi eq, %select_n3A_1667, %eq3A_1917 : vector<16xi32>
      %select_n3A_1919 = arith.select %eq3A_1918, %broadcast_in_dim3A_3, %add3A_1385 : vector<16xi1>, vector<16xf32>
      %eq3A_1920 = arith.constant 63 : i32
      %eq3A_1921 = vector.broadcast %eq3A_1920 : i32 to vector<16xi32>
      %eq3A_1922 = arith.cmpi eq, %select_n3A_1667, %eq3A_1921 : vector<16xi32>
      %select_n3A_1923 = arith.select %eq3A_1922, %broadcast_in_dim3A_3, %add3A_1407 : vector<16xi1>, vector<16xf32>
      %ge3A_1924 = arith.cmpf oge, %select_n3A_1671, %select_n3A_1675 : vector<16xf32>
      %select_n3A_1925 = arith.select %ge3A_1924, %select_n3A_1671, %select_n3A_1675 : vector<16xi1>, vector<16xf32>
      %select_n3A_1926 = arith.select %ge3A_1924, %broadcast_in_dim3A_32, %broadcast_in_dim3A_54 : vector<16xi1>, vector<16xi32>
      %select_n3A_1927 = arith.select %ge3A_1924, %add3A_30, %add3A_52 : vector<16xi1>, vector<16xf32>
      %ge3A_1928 = arith.cmpf oge, %select_n3A_1679, %select_n3A_1683 : vector<16xf32>
      %select_n3A_1929 = arith.select %ge3A_1928, %select_n3A_1679, %select_n3A_1683 : vector<16xi1>, vector<16xf32>
      %select_n3A_1930 = arith.select %ge3A_1928, %broadcast_in_dim3A_76, %broadcast_in_dim3A_98 : vector<16xi1>, vector<16xi32>
      %select_n3A_1931 = arith.select %ge3A_1928, %add3A_74, %add3A_96 : vector<16xi1>, vector<16xf32>
      %ge3A_1932 = arith.cmpf oge, %select_n3A_1687, %select_n3A_1691 : vector<16xf32>
      %select_n3A_1933 = arith.select %ge3A_1932, %select_n3A_1687, %select_n3A_1691 : vector<16xi1>, vector<16xf32>
      %select_n3A_1934 = arith.select %ge3A_1932, %broadcast_in_dim3A_120, %broadcast_in_dim3A_142 : vector<16xi1>, vector<16xi32>
      %select_n3A_1935 = arith.select %ge3A_1932, %add3A_118, %add3A_140 : vector<16xi1>, vector<16xf32>
      %ge3A_1936 = arith.cmpf oge, %select_n3A_1695, %select_n3A_1699 : vector<16xf32>
      %select_n3A_1937 = arith.select %ge3A_1936, %select_n3A_1695, %select_n3A_1699 : vector<16xi1>, vector<16xf32>
      %select_n3A_1938 = arith.select %ge3A_1936, %broadcast_in_dim3A_164, %broadcast_in_dim3A_186 : vector<16xi1>, vector<16xi32>
      %select_n3A_1939 = arith.select %ge3A_1936, %add3A_162, %add3A_184 : vector<16xi1>, vector<16xf32>
      %ge3A_1940 = arith.cmpf oge, %select_n3A_1703, %select_n3A_1707 : vector<16xf32>
      %select_n3A_1941 = arith.select %ge3A_1940, %select_n3A_1703, %select_n3A_1707 : vector<16xi1>, vector<16xf32>
      %select_n3A_1942 = arith.select %ge3A_1940, %broadcast_in_dim3A_208, %broadcast_in_dim3A_230 : vector<16xi1>, vector<16xi32>
      %select_n3A_1943 = arith.select %ge3A_1940, %add3A_206, %add3A_228 : vector<16xi1>, vector<16xf32>
      %ge3A_1944 = arith.cmpf oge, %select_n3A_1711, %select_n3A_1715 : vector<16xf32>
      %select_n3A_1945 = arith.select %ge3A_1944, %select_n3A_1711, %select_n3A_1715 : vector<16xi1>, vector<16xf32>
      %select_n3A_1946 = arith.select %ge3A_1944, %broadcast_in_dim3A_252, %broadcast_in_dim3A_274 : vector<16xi1>, vector<16xi32>
      %select_n3A_1947 = arith.select %ge3A_1944, %add3A_250, %add3A_272 : vector<16xi1>, vector<16xf32>
      %ge3A_1948 = arith.cmpf oge, %select_n3A_1719, %select_n3A_1723 : vector<16xf32>
      %select_n3A_1949 = arith.select %ge3A_1948, %select_n3A_1719, %select_n3A_1723 : vector<16xi1>, vector<16xf32>
      %select_n3A_1950 = arith.select %ge3A_1948, %broadcast_in_dim3A_296, %broadcast_in_dim3A_318 : vector<16xi1>, vector<16xi32>
      %select_n3A_1951 = arith.select %ge3A_1948, %add3A_294, %add3A_316 : vector<16xi1>, vector<16xf32>
      %ge3A_1952 = arith.cmpf oge, %select_n3A_1727, %select_n3A_1731 : vector<16xf32>
      %select_n3A_1953 = arith.select %ge3A_1952, %select_n3A_1727, %select_n3A_1731 : vector<16xi1>, vector<16xf32>
      %select_n3A_1954 = arith.select %ge3A_1952, %broadcast_in_dim3A_340, %broadcast_in_dim3A_362 : vector<16xi1>, vector<16xi32>
      %select_n3A_1955 = arith.select %ge3A_1952, %add3A_338, %add3A_360 : vector<16xi1>, vector<16xf32>
      %ge3A_1956 = arith.cmpf oge, %select_n3A_1735, %select_n3A_1739 : vector<16xf32>
      %select_n3A_1957 = arith.select %ge3A_1956, %select_n3A_1735, %select_n3A_1739 : vector<16xi1>, vector<16xf32>
      %select_n3A_1958 = arith.select %ge3A_1956, %broadcast_in_dim3A_384, %broadcast_in_dim3A_406 : vector<16xi1>, vector<16xi32>
      %select_n3A_1959 = arith.select %ge3A_1956, %add3A_382, %add3A_404 : vector<16xi1>, vector<16xf32>
      %ge3A_1960 = arith.cmpf oge, %select_n3A_1743, %select_n3A_1747 : vector<16xf32>
      %select_n3A_1961 = arith.select %ge3A_1960, %select_n3A_1743, %select_n3A_1747 : vector<16xi1>, vector<16xf32>
      %select_n3A_1962 = arith.select %ge3A_1960, %broadcast_in_dim3A_428, %broadcast_in_dim3A_450 : vector<16xi1>, vector<16xi32>
      %select_n3A_1963 = arith.select %ge3A_1960, %add3A_426, %add3A_448 : vector<16xi1>, vector<16xf32>
      %ge3A_1964 = arith.cmpf oge, %select_n3A_1751, %select_n3A_1755 : vector<16xf32>
      %select_n3A_1965 = arith.select %ge3A_1964, %select_n3A_1751, %select_n3A_1755 : vector<16xi1>, vector<16xf32>
      %select_n3A_1966 = arith.select %ge3A_1964, %broadcast_in_dim3A_472, %broadcast_in_dim3A_494 : vector<16xi1>, vector<16xi32>
      %select_n3A_1967 = arith.select %ge3A_1964, %add3A_470, %add3A_492 : vector<16xi1>, vector<16xf32>
      %ge3A_1968 = arith.cmpf oge, %select_n3A_1759, %select_n3A_1763 : vector<16xf32>
      %select_n3A_1969 = arith.select %ge3A_1968, %select_n3A_1759, %select_n3A_1763 : vector<16xi1>, vector<16xf32>
      %select_n3A_1970 = arith.select %ge3A_1968, %broadcast_in_dim3A_516, %broadcast_in_dim3A_538 : vector<16xi1>, vector<16xi32>
      %select_n3A_1971 = arith.select %ge3A_1968, %add3A_514, %add3A_536 : vector<16xi1>, vector<16xf32>
      %ge3A_1972 = arith.cmpf oge, %select_n3A_1767, %select_n3A_1771 : vector<16xf32>
      %select_n3A_1973 = arith.select %ge3A_1972, %select_n3A_1767, %select_n3A_1771 : vector<16xi1>, vector<16xf32>
      %select_n3A_1974 = arith.select %ge3A_1972, %broadcast_in_dim3A_560, %broadcast_in_dim3A_582 : vector<16xi1>, vector<16xi32>
      %select_n3A_1975 = arith.select %ge3A_1972, %add3A_558, %add3A_580 : vector<16xi1>, vector<16xf32>
      %ge3A_1976 = arith.cmpf oge, %select_n3A_1775, %select_n3A_1779 : vector<16xf32>
      %select_n3A_1977 = arith.select %ge3A_1976, %select_n3A_1775, %select_n3A_1779 : vector<16xi1>, vector<16xf32>
      %select_n3A_1978 = arith.select %ge3A_1976, %broadcast_in_dim3A_604, %broadcast_in_dim3A_626 : vector<16xi1>, vector<16xi32>
      %select_n3A_1979 = arith.select %ge3A_1976, %add3A_602, %add3A_624 : vector<16xi1>, vector<16xf32>
      %ge3A_1980 = arith.cmpf oge, %select_n3A_1783, %select_n3A_1787 : vector<16xf32>
      %select_n3A_1981 = arith.select %ge3A_1980, %select_n3A_1783, %select_n3A_1787 : vector<16xi1>, vector<16xf32>
      %select_n3A_1982 = arith.select %ge3A_1980, %broadcast_in_dim3A_648, %broadcast_in_dim3A_670 : vector<16xi1>, vector<16xi32>
      %select_n3A_1983 = arith.select %ge3A_1980, %add3A_646, %add3A_668 : vector<16xi1>, vector<16xf32>
      %ge3A_1984 = arith.cmpf oge, %select_n3A_1791, %select_n3A_1795 : vector<16xf32>
      %select_n3A_1985 = arith.select %ge3A_1984, %select_n3A_1791, %select_n3A_1795 : vector<16xi1>, vector<16xf32>
      %select_n3A_1986 = arith.select %ge3A_1984, %broadcast_in_dim3A_692, %broadcast_in_dim3A_714 : vector<16xi1>, vector<16xi32>
      %select_n3A_1987 = arith.select %ge3A_1984, %add3A_690, %add3A_712 : vector<16xi1>, vector<16xf32>
      %ge3A_1988 = arith.cmpf oge, %select_n3A_1799, %select_n3A_1803 : vector<16xf32>
      %select_n3A_1989 = arith.select %ge3A_1988, %select_n3A_1799, %select_n3A_1803 : vector<16xi1>, vector<16xf32>
      %select_n3A_1990 = arith.select %ge3A_1988, %broadcast_in_dim3A_736, %broadcast_in_dim3A_758 : vector<16xi1>, vector<16xi32>
      %select_n3A_1991 = arith.select %ge3A_1988, %add3A_734, %add3A_756 : vector<16xi1>, vector<16xf32>
      %ge3A_1992 = arith.cmpf oge, %select_n3A_1807, %select_n3A_1811 : vector<16xf32>
      %select_n3A_1993 = arith.select %ge3A_1992, %select_n3A_1807, %select_n3A_1811 : vector<16xi1>, vector<16xf32>
      %select_n3A_1994 = arith.select %ge3A_1992, %broadcast_in_dim3A_780, %broadcast_in_dim3A_802 : vector<16xi1>, vector<16xi32>
      %select_n3A_1995 = arith.select %ge3A_1992, %add3A_778, %add3A_800 : vector<16xi1>, vector<16xf32>
      %ge3A_1996 = arith.cmpf oge, %select_n3A_1815, %select_n3A_1819 : vector<16xf32>
      %select_n3A_1997 = arith.select %ge3A_1996, %select_n3A_1815, %select_n3A_1819 : vector<16xi1>, vector<16xf32>
      %select_n3A_1998 = arith.select %ge3A_1996, %broadcast_in_dim3A_824, %broadcast_in_dim3A_846 : vector<16xi1>, vector<16xi32>
      %select_n3A_1999 = arith.select %ge3A_1996, %add3A_822, %add3A_844 : vector<16xi1>, vector<16xf32>
      %ge3A_2000 = arith.cmpf oge, %select_n3A_1823, %select_n3A_1827 : vector<16xf32>
      %select_n3A_2001 = arith.select %ge3A_2000, %select_n3A_1823, %select_n3A_1827 : vector<16xi1>, vector<16xf32>
      %select_n3A_2002 = arith.select %ge3A_2000, %broadcast_in_dim3A_868, %broadcast_in_dim3A_890 : vector<16xi1>, vector<16xi32>
      %select_n3A_2003 = arith.select %ge3A_2000, %add3A_866, %add3A_888 : vector<16xi1>, vector<16xf32>
      %ge3A_2004 = arith.cmpf oge, %select_n3A_1831, %select_n3A_1835 : vector<16xf32>
      %select_n3A_2005 = arith.select %ge3A_2004, %select_n3A_1831, %select_n3A_1835 : vector<16xi1>, vector<16xf32>
      %select_n3A_2006 = arith.select %ge3A_2004, %broadcast_in_dim3A_912, %broadcast_in_dim3A_934 : vector<16xi1>, vector<16xi32>
      %select_n3A_2007 = arith.select %ge3A_2004, %add3A_910, %add3A_932 : vector<16xi1>, vector<16xf32>
      %ge3A_2008 = arith.cmpf oge, %select_n3A_1839, %select_n3A_1843 : vector<16xf32>
      %select_n3A_2009 = arith.select %ge3A_2008, %select_n3A_1839, %select_n3A_1843 : vector<16xi1>, vector<16xf32>
      %select_n3A_2010 = arith.select %ge3A_2008, %broadcast_in_dim3A_956, %broadcast_in_dim3A_978 : vector<16xi1>, vector<16xi32>
      %select_n3A_2011 = arith.select %ge3A_2008, %add3A_954, %add3A_976 : vector<16xi1>, vector<16xf32>
      %ge3A_2012 = arith.cmpf oge, %select_n3A_1847, %select_n3A_1851 : vector<16xf32>
      %select_n3A_2013 = arith.select %ge3A_2012, %select_n3A_1847, %select_n3A_1851 : vector<16xi1>, vector<16xf32>
      %select_n3A_2014 = arith.select %ge3A_2012, %broadcast_in_dim3A_1000, %broadcast_in_dim3A_1022 : vector<16xi1>, vector<16xi32>
      %select_n3A_2015 = arith.select %ge3A_2012, %add3A_998, %add3A_1020 : vector<16xi1>, vector<16xf32>
      %ge3A_2016 = arith.cmpf oge, %select_n3A_1855, %select_n3A_1859 : vector<16xf32>
      %select_n3A_2017 = arith.select %ge3A_2016, %select_n3A_1855, %select_n3A_1859 : vector<16xi1>, vector<16xf32>
      %select_n3A_2018 = arith.select %ge3A_2016, %broadcast_in_dim3A_1044, %broadcast_in_dim3A_1066 : vector<16xi1>, vector<16xi32>
      %select_n3A_2019 = arith.select %ge3A_2016, %add3A_1042, %add3A_1064 : vector<16xi1>, vector<16xf32>
      %ge3A_2020 = arith.cmpf oge, %select_n3A_1863, %select_n3A_1867 : vector<16xf32>
      %select_n3A_2021 = arith.select %ge3A_2020, %select_n3A_1863, %select_n3A_1867 : vector<16xi1>, vector<16xf32>
      %select_n3A_2022 = arith.select %ge3A_2020, %broadcast_in_dim3A_1088, %broadcast_in_dim3A_1110 : vector<16xi1>, vector<16xi32>
      %select_n3A_2023 = arith.select %ge3A_2020, %add3A_1086, %add3A_1108 : vector<16xi1>, vector<16xf32>
      %ge3A_2024 = arith.cmpf oge, %select_n3A_1871, %select_n3A_1875 : vector<16xf32>
      %select_n3A_2025 = arith.select %ge3A_2024, %select_n3A_1871, %select_n3A_1875 : vector<16xi1>, vector<16xf32>
      %select_n3A_2026 = arith.select %ge3A_2024, %broadcast_in_dim3A_1132, %broadcast_in_dim3A_1154 : vector<16xi1>, vector<16xi32>
      %select_n3A_2027 = arith.select %ge3A_2024, %add3A_1130, %add3A_1152 : vector<16xi1>, vector<16xf32>
      %ge3A_2028 = arith.cmpf oge, %select_n3A_1879, %select_n3A_1883 : vector<16xf32>
      %select_n3A_2029 = arith.select %ge3A_2028, %select_n3A_1879, %select_n3A_1883 : vector<16xi1>, vector<16xf32>
      %select_n3A_2030 = arith.select %ge3A_2028, %broadcast_in_dim3A_1176, %broadcast_in_dim3A_1198 : vector<16xi1>, vector<16xi32>
      %select_n3A_2031 = arith.select %ge3A_2028, %add3A_1174, %add3A_1196 : vector<16xi1>, vector<16xf32>
      %ge3A_2032 = arith.cmpf oge, %select_n3A_1887, %select_n3A_1891 : vector<16xf32>
      %select_n3A_2033 = arith.select %ge3A_2032, %select_n3A_1887, %select_n3A_1891 : vector<16xi1>, vector<16xf32>
      %select_n3A_2034 = arith.select %ge3A_2032, %broadcast_in_dim3A_1220, %broadcast_in_dim3A_1242 : vector<16xi1>, vector<16xi32>
      %select_n3A_2035 = arith.select %ge3A_2032, %add3A_1218, %add3A_1240 : vector<16xi1>, vector<16xf32>
      %ge3A_2036 = arith.cmpf oge, %select_n3A_1895, %select_n3A_1899 : vector<16xf32>
      %select_n3A_2037 = arith.select %ge3A_2036, %select_n3A_1895, %select_n3A_1899 : vector<16xi1>, vector<16xf32>
      %select_n3A_2038 = arith.select %ge3A_2036, %broadcast_in_dim3A_1264, %broadcast_in_dim3A_1286 : vector<16xi1>, vector<16xi32>
      %select_n3A_2039 = arith.select %ge3A_2036, %add3A_1262, %add3A_1284 : vector<16xi1>, vector<16xf32>
      %ge3A_2040 = arith.cmpf oge, %select_n3A_1903, %select_n3A_1907 : vector<16xf32>
      %select_n3A_2041 = arith.select %ge3A_2040, %select_n3A_1903, %select_n3A_1907 : vector<16xi1>, vector<16xf32>
      %select_n3A_2042 = arith.select %ge3A_2040, %broadcast_in_dim3A_1308, %broadcast_in_dim3A_1330 : vector<16xi1>, vector<16xi32>
      %select_n3A_2043 = arith.select %ge3A_2040, %add3A_1306, %add3A_1328 : vector<16xi1>, vector<16xf32>
      %ge3A_2044 = arith.cmpf oge, %select_n3A_1911, %select_n3A_1915 : vector<16xf32>
      %select_n3A_2045 = arith.select %ge3A_2044, %select_n3A_1911, %select_n3A_1915 : vector<16xi1>, vector<16xf32>
      %select_n3A_2046 = arith.select %ge3A_2044, %broadcast_in_dim3A_1352, %broadcast_in_dim3A_1374 : vector<16xi1>, vector<16xi32>
      %select_n3A_2047 = arith.select %ge3A_2044, %add3A_1350, %add3A_1372 : vector<16xi1>, vector<16xf32>
      %ge3A_2048 = arith.cmpf oge, %select_n3A_1919, %select_n3A_1923 : vector<16xf32>
      %select_n3A_2049 = arith.select %ge3A_2048, %select_n3A_1919, %select_n3A_1923 : vector<16xi1>, vector<16xf32>
      %select_n3A_2050 = arith.select %ge3A_2048, %broadcast_in_dim3A_1396, %broadcast_in_dim3A_1418 : vector<16xi1>, vector<16xi32>
      %select_n3A_2051 = arith.select %ge3A_2048, %add3A_1394, %add3A_1416 : vector<16xi1>, vector<16xf32>
      %ge3A_2052 = arith.cmpf oge, %select_n3A_1925, %select_n3A_1929 : vector<16xf32>
      %select_n3A_2053 = arith.select %ge3A_2052, %select_n3A_1925, %select_n3A_1929 : vector<16xi1>, vector<16xf32>
      %select_n3A_2054 = arith.select %ge3A_2052, %select_n3A_1926, %select_n3A_1930 : vector<16xi1>, vector<16xi32>
      %select_n3A_2055 = arith.select %ge3A_2052, %select_n3A_1927, %select_n3A_1931 : vector<16xi1>, vector<16xf32>
      %ge3A_2056 = arith.cmpf oge, %select_n3A_1933, %select_n3A_1937 : vector<16xf32>
      %select_n3A_2057 = arith.select %ge3A_2056, %select_n3A_1933, %select_n3A_1937 : vector<16xi1>, vector<16xf32>
      %select_n3A_2058 = arith.select %ge3A_2056, %select_n3A_1934, %select_n3A_1938 : vector<16xi1>, vector<16xi32>
      %select_n3A_2059 = arith.select %ge3A_2056, %select_n3A_1935, %select_n3A_1939 : vector<16xi1>, vector<16xf32>
      %ge3A_2060 = arith.cmpf oge, %select_n3A_1941, %select_n3A_1945 : vector<16xf32>
      %select_n3A_2061 = arith.select %ge3A_2060, %select_n3A_1941, %select_n3A_1945 : vector<16xi1>, vector<16xf32>
      %select_n3A_2062 = arith.select %ge3A_2060, %select_n3A_1942, %select_n3A_1946 : vector<16xi1>, vector<16xi32>
      %select_n3A_2063 = arith.select %ge3A_2060, %select_n3A_1943, %select_n3A_1947 : vector<16xi1>, vector<16xf32>
      %ge3A_2064 = arith.cmpf oge, %select_n3A_1949, %select_n3A_1953 : vector<16xf32>
      %select_n3A_2065 = arith.select %ge3A_2064, %select_n3A_1949, %select_n3A_1953 : vector<16xi1>, vector<16xf32>
      %select_n3A_2066 = arith.select %ge3A_2064, %select_n3A_1950, %select_n3A_1954 : vector<16xi1>, vector<16xi32>
      %select_n3A_2067 = arith.select %ge3A_2064, %select_n3A_1951, %select_n3A_1955 : vector<16xi1>, vector<16xf32>
      %ge3A_2068 = arith.cmpf oge, %select_n3A_1957, %select_n3A_1961 : vector<16xf32>
      %select_n3A_2069 = arith.select %ge3A_2068, %select_n3A_1957, %select_n3A_1961 : vector<16xi1>, vector<16xf32>
      %select_n3A_2070 = arith.select %ge3A_2068, %select_n3A_1958, %select_n3A_1962 : vector<16xi1>, vector<16xi32>
      %select_n3A_2071 = arith.select %ge3A_2068, %select_n3A_1959, %select_n3A_1963 : vector<16xi1>, vector<16xf32>
      %ge3A_2072 = arith.cmpf oge, %select_n3A_1965, %select_n3A_1969 : vector<16xf32>
      %select_n3A_2073 = arith.select %ge3A_2072, %select_n3A_1965, %select_n3A_1969 : vector<16xi1>, vector<16xf32>
      %select_n3A_2074 = arith.select %ge3A_2072, %select_n3A_1966, %select_n3A_1970 : vector<16xi1>, vector<16xi32>
      %select_n3A_2075 = arith.select %ge3A_2072, %select_n3A_1967, %select_n3A_1971 : vector<16xi1>, vector<16xf32>
      %ge3A_2076 = arith.cmpf oge, %select_n3A_1973, %select_n3A_1977 : vector<16xf32>
      %select_n3A_2077 = arith.select %ge3A_2076, %select_n3A_1973, %select_n3A_1977 : vector<16xi1>, vector<16xf32>
      %select_n3A_2078 = arith.select %ge3A_2076, %select_n3A_1974, %select_n3A_1978 : vector<16xi1>, vector<16xi32>
      %select_n3A_2079 = arith.select %ge3A_2076, %select_n3A_1975, %select_n3A_1979 : vector<16xi1>, vector<16xf32>
      %ge3A_2080 = arith.cmpf oge, %select_n3A_1981, %select_n3A_1985 : vector<16xf32>
      %select_n3A_2081 = arith.select %ge3A_2080, %select_n3A_1981, %select_n3A_1985 : vector<16xi1>, vector<16xf32>
      %select_n3A_2082 = arith.select %ge3A_2080, %select_n3A_1982, %select_n3A_1986 : vector<16xi1>, vector<16xi32>
      %select_n3A_2083 = arith.select %ge3A_2080, %select_n3A_1983, %select_n3A_1987 : vector<16xi1>, vector<16xf32>
      %ge3A_2084 = arith.cmpf oge, %select_n3A_1989, %select_n3A_1993 : vector<16xf32>
      %select_n3A_2085 = arith.select %ge3A_2084, %select_n3A_1989, %select_n3A_1993 : vector<16xi1>, vector<16xf32>
      %select_n3A_2086 = arith.select %ge3A_2084, %select_n3A_1990, %select_n3A_1994 : vector<16xi1>, vector<16xi32>
      %select_n3A_2087 = arith.select %ge3A_2084, %select_n3A_1991, %select_n3A_1995 : vector<16xi1>, vector<16xf32>
      %ge3A_2088 = arith.cmpf oge, %select_n3A_1997, %select_n3A_2001 : vector<16xf32>
      %select_n3A_2089 = arith.select %ge3A_2088, %select_n3A_1997, %select_n3A_2001 : vector<16xi1>, vector<16xf32>
      %select_n3A_2090 = arith.select %ge3A_2088, %select_n3A_1998, %select_n3A_2002 : vector<16xi1>, vector<16xi32>
      %select_n3A_2091 = arith.select %ge3A_2088, %select_n3A_1999, %select_n3A_2003 : vector<16xi1>, vector<16xf32>
      %ge3A_2092 = arith.cmpf oge, %select_n3A_2005, %select_n3A_2009 : vector<16xf32>
      %select_n3A_2093 = arith.select %ge3A_2092, %select_n3A_2005, %select_n3A_2009 : vector<16xi1>, vector<16xf32>
      %select_n3A_2094 = arith.select %ge3A_2092, %select_n3A_2006, %select_n3A_2010 : vector<16xi1>, vector<16xi32>
      %select_n3A_2095 = arith.select %ge3A_2092, %select_n3A_2007, %select_n3A_2011 : vector<16xi1>, vector<16xf32>
      %ge3A_2096 = arith.cmpf oge, %select_n3A_2013, %select_n3A_2017 : vector<16xf32>
      %select_n3A_2097 = arith.select %ge3A_2096, %select_n3A_2013, %select_n3A_2017 : vector<16xi1>, vector<16xf32>
      %select_n3A_2098 = arith.select %ge3A_2096, %select_n3A_2014, %select_n3A_2018 : vector<16xi1>, vector<16xi32>
      %select_n3A_2099 = arith.select %ge3A_2096, %select_n3A_2015, %select_n3A_2019 : vector<16xi1>, vector<16xf32>
      %ge3A_2100 = arith.cmpf oge, %select_n3A_2021, %select_n3A_2025 : vector<16xf32>
      %select_n3A_2101 = arith.select %ge3A_2100, %select_n3A_2021, %select_n3A_2025 : vector<16xi1>, vector<16xf32>
      %select_n3A_2102 = arith.select %ge3A_2100, %select_n3A_2022, %select_n3A_2026 : vector<16xi1>, vector<16xi32>
      %select_n3A_2103 = arith.select %ge3A_2100, %select_n3A_2023, %select_n3A_2027 : vector<16xi1>, vector<16xf32>
      %ge3A_2104 = arith.cmpf oge, %select_n3A_2029, %select_n3A_2033 : vector<16xf32>
      %select_n3A_2105 = arith.select %ge3A_2104, %select_n3A_2029, %select_n3A_2033 : vector<16xi1>, vector<16xf32>
      %select_n3A_2106 = arith.select %ge3A_2104, %select_n3A_2030, %select_n3A_2034 : vector<16xi1>, vector<16xi32>
      %select_n3A_2107 = arith.select %ge3A_2104, %select_n3A_2031, %select_n3A_2035 : vector<16xi1>, vector<16xf32>
      %ge3A_2108 = arith.cmpf oge, %select_n3A_2037, %select_n3A_2041 : vector<16xf32>
      %select_n3A_2109 = arith.select %ge3A_2108, %select_n3A_2037, %select_n3A_2041 : vector<16xi1>, vector<16xf32>
      %select_n3A_2110 = arith.select %ge3A_2108, %select_n3A_2038, %select_n3A_2042 : vector<16xi1>, vector<16xi32>
      %select_n3A_2111 = arith.select %ge3A_2108, %select_n3A_2039, %select_n3A_2043 : vector<16xi1>, vector<16xf32>
      %ge3A_2112 = arith.cmpf oge, %select_n3A_2045, %select_n3A_2049 : vector<16xf32>
      %select_n3A_2113 = arith.select %ge3A_2112, %select_n3A_2045, %select_n3A_2049 : vector<16xi1>, vector<16xf32>
      %select_n3A_2114 = arith.select %ge3A_2112, %select_n3A_2046, %select_n3A_2050 : vector<16xi1>, vector<16xi32>
      %select_n3A_2115 = arith.select %ge3A_2112, %select_n3A_2047, %select_n3A_2051 : vector<16xi1>, vector<16xf32>
      %ge3A_2116 = arith.cmpf oge, %select_n3A_2053, %select_n3A_2057 : vector<16xf32>
      %select_n3A_2117 = arith.select %ge3A_2116, %select_n3A_2053, %select_n3A_2057 : vector<16xi1>, vector<16xf32>
      %select_n3A_2118 = arith.select %ge3A_2116, %select_n3A_2054, %select_n3A_2058 : vector<16xi1>, vector<16xi32>
      %select_n3A_2119 = arith.select %ge3A_2116, %select_n3A_2055, %select_n3A_2059 : vector<16xi1>, vector<16xf32>
      %ge3A_2120 = arith.cmpf oge, %select_n3A_2061, %select_n3A_2065 : vector<16xf32>
      %select_n3A_2121 = arith.select %ge3A_2120, %select_n3A_2061, %select_n3A_2065 : vector<16xi1>, vector<16xf32>
      %select_n3A_2122 = arith.select %ge3A_2120, %select_n3A_2062, %select_n3A_2066 : vector<16xi1>, vector<16xi32>
      %select_n3A_2123 = arith.select %ge3A_2120, %select_n3A_2063, %select_n3A_2067 : vector<16xi1>, vector<16xf32>
      %ge3A_2124 = arith.cmpf oge, %select_n3A_2069, %select_n3A_2073 : vector<16xf32>
      %select_n3A_2125 = arith.select %ge3A_2124, %select_n3A_2069, %select_n3A_2073 : vector<16xi1>, vector<16xf32>
      %select_n3A_2126 = arith.select %ge3A_2124, %select_n3A_2070, %select_n3A_2074 : vector<16xi1>, vector<16xi32>
      %select_n3A_2127 = arith.select %ge3A_2124, %select_n3A_2071, %select_n3A_2075 : vector<16xi1>, vector<16xf32>
      %ge3A_2128 = arith.cmpf oge, %select_n3A_2077, %select_n3A_2081 : vector<16xf32>
      %select_n3A_2129 = arith.select %ge3A_2128, %select_n3A_2077, %select_n3A_2081 : vector<16xi1>, vector<16xf32>
      %select_n3A_2130 = arith.select %ge3A_2128, %select_n3A_2078, %select_n3A_2082 : vector<16xi1>, vector<16xi32>
      %select_n3A_2131 = arith.select %ge3A_2128, %select_n3A_2079, %select_n3A_2083 : vector<16xi1>, vector<16xf32>
      %ge3A_2132 = arith.cmpf oge, %select_n3A_2085, %select_n3A_2089 : vector<16xf32>
      %select_n3A_2133 = arith.select %ge3A_2132, %select_n3A_2085, %select_n3A_2089 : vector<16xi1>, vector<16xf32>
      %select_n3A_2134 = arith.select %ge3A_2132, %select_n3A_2086, %select_n3A_2090 : vector<16xi1>, vector<16xi32>
      %select_n3A_2135 = arith.select %ge3A_2132, %select_n3A_2087, %select_n3A_2091 : vector<16xi1>, vector<16xf32>
      %ge3A_2136 = arith.cmpf oge, %select_n3A_2093, %select_n3A_2097 : vector<16xf32>
      %select_n3A_2137 = arith.select %ge3A_2136, %select_n3A_2093, %select_n3A_2097 : vector<16xi1>, vector<16xf32>
      %select_n3A_2138 = arith.select %ge3A_2136, %select_n3A_2094, %select_n3A_2098 : vector<16xi1>, vector<16xi32>
      %select_n3A_2139 = arith.select %ge3A_2136, %select_n3A_2095, %select_n3A_2099 : vector<16xi1>, vector<16xf32>
      %ge3A_2140 = arith.cmpf oge, %select_n3A_2101, %select_n3A_2105 : vector<16xf32>
      %select_n3A_2141 = arith.select %ge3A_2140, %select_n3A_2101, %select_n3A_2105 : vector<16xi1>, vector<16xf32>
      %select_n3A_2142 = arith.select %ge3A_2140, %select_n3A_2102, %select_n3A_2106 : vector<16xi1>, vector<16xi32>
      %select_n3A_2143 = arith.select %ge3A_2140, %select_n3A_2103, %select_n3A_2107 : vector<16xi1>, vector<16xf32>
      %ge3A_2144 = arith.cmpf oge, %select_n3A_2109, %select_n3A_2113 : vector<16xf32>
      %select_n3A_2145 = arith.select %ge3A_2144, %select_n3A_2109, %select_n3A_2113 : vector<16xi1>, vector<16xf32>
      %select_n3A_2146 = arith.select %ge3A_2144, %select_n3A_2110, %select_n3A_2114 : vector<16xi1>, vector<16xi32>
      %select_n3A_2147 = arith.select %ge3A_2144, %select_n3A_2111, %select_n3A_2115 : vector<16xi1>, vector<16xf32>
      %ge3A_2148 = arith.cmpf oge, %select_n3A_2117, %select_n3A_2121 : vector<16xf32>
      %select_n3A_2149 = arith.select %ge3A_2148, %select_n3A_2117, %select_n3A_2121 : vector<16xi1>, vector<16xf32>
      %select_n3A_2150 = arith.select %ge3A_2148, %select_n3A_2118, %select_n3A_2122 : vector<16xi1>, vector<16xi32>
      %select_n3A_2151 = arith.select %ge3A_2148, %select_n3A_2119, %select_n3A_2123 : vector<16xi1>, vector<16xf32>
      %ge3A_2152 = arith.cmpf oge, %select_n3A_2125, %select_n3A_2129 : vector<16xf32>
      %select_n3A_2153 = arith.select %ge3A_2152, %select_n3A_2125, %select_n3A_2129 : vector<16xi1>, vector<16xf32>
      %select_n3A_2154 = arith.select %ge3A_2152, %select_n3A_2126, %select_n3A_2130 : vector<16xi1>, vector<16xi32>
      %select_n3A_2155 = arith.select %ge3A_2152, %select_n3A_2127, %select_n3A_2131 : vector<16xi1>, vector<16xf32>
      %ge3A_2156 = arith.cmpf oge, %select_n3A_2133, %select_n3A_2137 : vector<16xf32>
      %select_n3A_2157 = arith.select %ge3A_2156, %select_n3A_2133, %select_n3A_2137 : vector<16xi1>, vector<16xf32>
      %select_n3A_2158 = arith.select %ge3A_2156, %select_n3A_2134, %select_n3A_2138 : vector<16xi1>, vector<16xi32>
      %select_n3A_2159 = arith.select %ge3A_2156, %select_n3A_2135, %select_n3A_2139 : vector<16xi1>, vector<16xf32>
      %ge3A_2160 = arith.cmpf oge, %select_n3A_2141, %select_n3A_2145 : vector<16xf32>
      %select_n3A_2161 = arith.select %ge3A_2160, %select_n3A_2141, %select_n3A_2145 : vector<16xi1>, vector<16xf32>
      %select_n3A_2162 = arith.select %ge3A_2160, %select_n3A_2142, %select_n3A_2146 : vector<16xi1>, vector<16xi32>
      %select_n3A_2163 = arith.select %ge3A_2160, %select_n3A_2143, %select_n3A_2147 : vector<16xi1>, vector<16xf32>
      %ge3A_2164 = arith.cmpf oge, %select_n3A_2149, %select_n3A_2153 : vector<16xf32>
      %select_n3A_2165 = arith.select %ge3A_2164, %select_n3A_2149, %select_n3A_2153 : vector<16xi1>, vector<16xf32>
      %select_n3A_2166 = arith.select %ge3A_2164, %select_n3A_2150, %select_n3A_2154 : vector<16xi1>, vector<16xi32>
      %select_n3A_2167 = arith.select %ge3A_2164, %select_n3A_2151, %select_n3A_2155 : vector<16xi1>, vector<16xf32>
      %ge3A_2168 = arith.cmpf oge, %select_n3A_2157, %select_n3A_2161 : vector<16xf32>
      %select_n3A_2169 = arith.select %ge3A_2168, %select_n3A_2157, %select_n3A_2161 : vector<16xi1>, vector<16xf32>
      %select_n3A_2170 = arith.select %ge3A_2168, %select_n3A_2158, %select_n3A_2162 : vector<16xi1>, vector<16xi32>
      %select_n3A_2171 = arith.select %ge3A_2168, %select_n3A_2159, %select_n3A_2163 : vector<16xi1>, vector<16xf32>
      %ge3A_2172 = arith.cmpf oge, %select_n3A_2165, %select_n3A_2169 : vector<16xf32>
      %select_n3A_2173 = arith.select %ge3A_2172, %select_n3A_2165, %select_n3A_2169 : vector<16xi1>, vector<16xf32>
      %select_n3A_2174 = arith.select %ge3A_2172, %select_n3A_2166, %select_n3A_2170 : vector<16xi1>, vector<16xi32>
      %select_n3A_2175 = arith.select %ge3A_2172, %select_n3A_2167, %select_n3A_2171 : vector<16xi1>, vector<16xf32>
      %swap3A = arith.constant 0 : i32
      %swap3A_2176 = arith.index_cast %swap3A : i32 to index
      %swap3A_2177 = arith.index_cast %mul3A_11 : i32 to index
      %swap3A_2178 = tpu.vector_load %arg10[%swap3A_2176, %swap3A_2177] {strides = array<i32>} : memref<2x256xf32, #tpu.memory_space<vmem>>, vector<1x16xf32>,
      %swap3A_2179 = vector.shape_cast %swap3A_2178 : vector<1x16xf32> to vector<16xf32>
      %swap3A_2180 = vector.shape_cast %select_n3A_1668 : vector<16xf32> to vector<1x16xf32>
      tpu.vector_store %arg10[%swap3A_2176, %swap3A_2177], %swap3A_2180 {strides = array<i32>} : memref<2x256xf32, #tpu.memory_space<vmem>>, vector<1x16xf32>,
      %swap3A_2181 = arith.constant 1 : i32
      %swap3A_2182 = arith.index_cast %swap3A_2181 : i32 to index
      %swap3A_2183 = arith.index_cast %mul3A_11 : i32 to index
      %swap3A_2184 = tpu.vector_load %arg10[%swap3A_2182, %swap3A_2183] {strides = array<i32>} : memref<2x256xf32, #tpu.memory_space<vmem>>, vector<1x16xf32>,
      %swap3A_2185 = vector.shape_cast %swap3A_2184 : vector<1x16xf32> to vector<16xf32>
      %swap3A_2186 = vector.shape_cast %select_n3A_2175 : vector<16xf32> to vector<1x16xf32>
      tpu.vector_store %arg10[%swap3A_2182, %swap3A_2183], %swap3A_2186 {strides = array<i32>} : memref<2x256xf32, #tpu.memory_space<vmem>>, vector<1x16xf32>,
      %swap3A_2187 = arith.constant 0 : i32
      %swap3A_2188 = arith.index_cast %swap3A_2187 : i32 to index
      %swap3A_2189 = arith.index_cast %mul3A_11 : i32 to index
      %swap3A_2190 = tpu.vector_load %arg11[%swap3A_2188, %swap3A_2189] {strides = array<i32>} : memref<2x256xi32, #tpu.memory_space<vmem>>, vector<1x16xi32>,
      %swap3A_2191 = vector.shape_cast %swap3A_2190 : vector<1x16xi32> to vector<16xi32>
      %swap3A_2192 = vector.shape_cast %select_n3A_1667 : vector<16xi32> to vector<1x16xi32>
      tpu.vector_store %arg11[%swap3A_2188, %swap3A_2189], %swap3A_2192 {strides = array<i32>} : memref<2x256xi32, #tpu.memory_space<vmem>>, vector<1x16xi32>,
      %swap3A_2193 = arith.constant 1 : i32
      %swap3A_2194 = arith.index_cast %swap3A_2193 : i32 to index
      %swap3A_2195 = arith.index_cast %mul3A_11 : i32 to index
      %swap3A_2196 = tpu.vector_load %arg11[%swap3A_2194, %swap3A_2195] {strides = array<i32>} : memref<2x256xi32, #tpu.memory_space<vmem>>, vector<1x16xi32>,
      %swap3A_2197 = vector.shape_cast %swap3A_2196 : vector<1x16xi32> to vector<16xi32>
      %swap3A_2198 = vector.shape_cast %select_n3A_2174 : vector<16xi32> to vector<1x16xi32>
      tpu.vector_store %arg11[%swap3A_2194, %swap3A_2195], %swap3A_2198 {strides = array<i32>} : memref<2x256xi32, #tpu.memory_space<vmem>>, vector<1x16xi32>,
    }
    %scan3A_8 = arith.constant 16 : i32
    "tpu.region"() ({
      %run_scoped3A = tpu.sem_alloc : memref<!tpu.dma_semaphore, #tpu.memory_space<semaphore_mem>>
      %dma_start3A = arith.constant 0 : i32
      %dma_start3A_9 = tpu.memref_slice %arg5[%dma_start3A, %mul3A_2] : memref<2x8192xf32, #tpu.memory_space<hbm>> -> memref<2x256xf32, #tpu.memory_space<hbm>>
      %dma_start3A_10 = arith.constant 0 : i32
      %dma_start3A_11 = tpu.memref_slice %arg5[%dma_start3A_10, %mul3A_2] : memref<2x8192xf32, #tpu.memory_space<hbm>> -> memref<2x256xf32, #tpu.memory_space<hbm>>
      tpu.enqueue_dma source(%arg10 : memref<2x256xf32, #tpu.memory_space<vmem>>) target(%dma_start3A_11 : memref<2x256xf32, #tpu.memory_space<hbm>>) target_semaphore(%run_scoped3A : memref<!tpu.dma_semaphore, #tpu.memory_space<semaphore_mem>>)
      %dma_wait3A = arith.constant 0 : i32
      %dma_wait3A_12 = tpu.memref_slice %arg5[%dma_wait3A, %mul3A_2] : memref<2x8192xf32, #tpu.memory_space<hbm>> -> memref<2x256xf32, #tpu.memory_space<hbm>>
      %dma_wait3A_13 = arith.constant 0 : i32
      %dma_wait3A_14 = tpu.memref_slice %arg5[%dma_wait3A_13, %mul3A_2] : memref<2x8192xf32, #tpu.memory_space<hbm>> -> memref<2x256xf32, #tpu.memory_space<hbm>>
      tpu.wait_dma2 semaphore(%run_scoped3A : memref<!tpu.dma_semaphore, #tpu.memory_space<semaphore_mem>>) src(%arg10 : memref<2x256xf32, #tpu.memory_space<vmem>>) dst(%dma_wait3A_14 : memref<2x256xf32, #tpu.memory_space<hbm>>)
      tpu.yield
    }) : () -> ()
    "tpu.region"() ({
      %run_scoped3A = tpu.sem_alloc : memref<!tpu.dma_semaphore, #tpu.memory_space<semaphore_mem>>
      %dma_start3A = arith.constant 0 : i32
      %dma_start3A_9 = tpu.memref_slice %arg6[%dma_start3A, %mul3A_2] : memref<2x8192xi32, #tpu.memory_space<hbm>> -> memref<2x256xi32, #tpu.memory_space<hbm>>
      %dma_start3A_10 = arith.constant 0 : i32
      %dma_start3A_11 = tpu.memref_slice %arg6[%dma_start3A_10, %mul3A_2] : memref<2x8192xi32, #tpu.memory_space<hbm>> -> memref<2x256xi32, #tpu.memory_space<hbm>>
      tpu.enqueue_dma source(%arg11 : memref<2x256xi32, #tpu.memory_space<vmem>>) target(%dma_start3A_11 : memref<2x256xi32, #tpu.memory_space<hbm>>) target_semaphore(%run_scoped3A : memref<!tpu.dma_semaphore, #tpu.memory_space<semaphore_mem>>)
      %dma_wait3A = arith.constant 0 : i32
      %dma_wait3A_12 = tpu.memref_slice %arg6[%dma_wait3A, %mul3A_2] : memref<2x8192xi32, #tpu.memory_space<hbm>> -> memref<2x256xi32, #tpu.memory_space<hbm>>
      %dma_wait3A_13 = arith.constant 0 : i32
      %dma_wait3A_14 = tpu.memref_slice %arg6[%dma_wait3A_13, %mul3A_2] : memref<2x8192xi32, #tpu.memory_space<hbm>> -> memref<2x256xi32, #tpu.memory_space<hbm>>
      tpu.wait_dma2 semaphore(%run_scoped3A : memref<!tpu.dma_semaphore, #tpu.memory_space<semaphore_mem>>) src(%arg11 : memref<2x256xi32, #tpu.memory_space<vmem>>) dst(%dma_wait3A_14 : memref<2x256xi32, #tpu.memory_space<hbm>>)
      tpu.yield
    }) : () -> ()
    return
  }
}

module attributes {stable_mosaic.version = 14 : i64} {
  func.func @_scores_kernel(%arg0: i32, %arg1: memref<1024x2048xf32, #tpu.memory_space<vmem>>, %arg2: memref<2048x64xf32, #tpu.memory_space<vmem>>, %arg3: memref<2048x64xf32, #tpu.memory_space<vmem>>, %arg4: memref<64x1024xf32, #tpu.memory_space<vmem>>, %arg5: memref<2048x128xf32, #tpu.memory_space<vmem>>) attributes {dimension_semantics = [#tpu.dimension_semantics<arbitrary>], iteration_bounds = array<i64: 8>, scalar_prefetch = 0 : i64, scratch_operands = 1 : i64, tpu.core_type = #tpu.core_type<tc>, window_params = [{transform_indices = @transform_0, window_bounds = array<i64: 1024, 2048>}, {pipeline_mode = #tpu.pipeline_mode<synchronous>, transform_indices = @transform_1, window_bounds = array<i64: 2048, 64>}, {pipeline_mode = #tpu.pipeline_mode<synchronous>, transform_indices = @transform_2, window_bounds = array<i64: 2048, 64>}, {transform_indices = @transform_3, window_bounds = array<i64: 64, 1024>}]} {
    %eq3A = arith.constant 0 : i32
    %eq3A_0 = arith.cmpi eq, %arg0, %eq3A : i32
    %convert_element_type3A = arith.extui %eq3A_0 : i1 to i32
    %cond3A = arith.constant 0 : i32
    %cond3A_1 = arith.cmpi ne, %convert_element_type3A, %cond3A : i32
    scf.if %cond3A_1 {
      %get3A_21 = arith.constant 0 : index
      %get3A_22 = arith.constant 0 : index
      %get3A_23 = vector.load %arg2[%get3A_21, %get3A_22] : memref<2048x64xf32, #tpu.memory_space<vmem>>, vector<2048x64xf32>
      %swap3A_24 = arith.constant 0 : index
      %swap3A_25 = arith.constant 0 : index
      %swap3A_26 = vector.load %arg5[%swap3A_24, %swap3A_25] : memref<2048x128xf32, #tpu.memory_space<vmem>>, vector<2048x64xf32>
      tpu.vector_store %arg5[%swap3A_24, %swap3A_25], %get3A_23 {strides = array<i32>} : memref<2048x128xf32, #tpu.memory_space<vmem>>, vector<2048x64xf32>,
      %get3A_27 = arith.constant 0 : index
      %get3A_28 = arith.constant 0 : index
      %get3A_29 = vector.load %arg3[%get3A_27, %get3A_28] : memref<2048x64xf32, #tpu.memory_space<vmem>>, vector<2048x64xf32>
      %swap3A_30 = arith.constant 0 : index
      %swap3A_31 = arith.constant 64 : index
      %swap3A_32 = vector.load %arg5[%swap3A_30, %swap3A_31] : memref<2048x128xf32, #tpu.memory_space<vmem>>, vector<2048x64xf32>
      tpu.vector_store %arg5[%swap3A_30, %swap3A_31], %get3A_29 {strides = array<i32>} : memref<2048x128xf32, #tpu.memory_space<vmem>>, vector<2048x64xf32>,
    } else {
    }
    %get3A = arith.constant 0 : index
    %get3A_2 = arith.constant 0 : index
    %get3A_3 = vector.load %arg5[%get3A, %get3A_2] : memref<2048x128xf32, #tpu.memory_space<vmem>>, vector<2048x128xf32>
    %get3A_4 = arith.constant 0 : index
    %get3A_5 = arith.constant 0 : index
    %get3A_6 = vector.load %arg1[%get3A_4, %get3A_5] : memref<1024x2048xf32, #tpu.memory_space<vmem>>, vector<1024x2048xf32>
    %dot_general3A = arith.constant dense<0.000000e+00> : vector<128x1024xf32>
    %dot_general3A_7 = tpu.matmul %get3A_3, %get3A_6, %dot_general3A {dimension_numbers = #tpu.dot_dimension_numbers<[0], [1], [1], [0], [0, 1, 1, 0], [], []>, transpose_lhs_hint = false} : vector<2048x128xf32>, vector<1024x2048xf32>, vector<128x1024xf32> -> vector<128x1024xf32>
    %slice3A = vector.extract_strided_slice %dot_general3A_7 {offsets = [0, 0], sizes = [64, 1024], strides = [1, 1]} : vector<128x1024xf32> to vector<64x1024xf32>
    %slice3A_8 = vector.extract_strided_slice %dot_general3A_7 {offsets = [64, 0], sizes = [64, 1024], strides = [1, 1]} : vector<128x1024xf32> to vector<64x1024xf32>
    %mul3A = arith.mulf %slice3A_8, %slice3A : vector<64x1024xf32>
    %logistic3A = arith.negf %slice3A : vector<64x1024xf32>
    %logistic3A_9 = math.exp %logistic3A : vector<64x1024xf32>
    %logistic3A_10 = arith.constant 1.000000e+00 : f32
    %logistic3A_11 = vector.broadcast %logistic3A_10 : f32 to vector<64x1024xf32>
    %logistic3A_12 = arith.addf %logistic3A_11, %logistic3A_9 : vector<64x1024xf32>
    %logistic3A_13 = arith.divf %logistic3A_11, %logistic3A_12 : vector<64x1024xf32>
    %mul3A_14 = arith.mulf %mul3A, %logistic3A_13 : vector<64x1024xf32>
    %abs3A = math.absf %mul3A_14 : vector<64x1024xf32>
    %min3A = arith.constant 8.000000e+01 : f32
    %min3A_15 = vector.broadcast %min3A : f32 to vector<64x1024xf32>
    %min3A_16 = arith.minimumf %abs3A, %min3A_15 : vector<64x1024xf32>
    %exp3A = math.exp %min3A_16 : vector<64x1024xf32>
    %reduce_sum3A = arith.constant dense<0.000000e+00> : vector<1024xf32>
    %reduce_sum3A_17 = vector.multi_reduction <add>, %exp3A, %reduce_sum3A [0] : vector<64x1024xf32> to vector<1024xf32>
    %broadcast_in_dim3A = vector.shape_cast %reduce_sum3A_17 : vector<1024xf32> to vector<1x1024xf32>
    %div3A = vector.broadcast %broadcast_in_dim3A : vector<1x1024xf32> to vector<64x1024xf32>
    %div3A_18 = arith.divf %exp3A, %div3A : vector<64x1024xf32>
    %swap3A = arith.constant 0 : index
    %swap3A_19 = arith.constant 0 : index
    %swap3A_20 = vector.load %arg4[%swap3A, %swap3A_19] : memref<64x1024xf32, #tpu.memory_space<vmem>>, vector<64x1024xf32>
    tpu.vector_store %arg4[%swap3A, %swap3A_19], %div3A_18 {strides = array<i32>} : memref<64x1024xf32, #tpu.memory_space<vmem>>, vector<64x1024xf32>,
    return
  }
  func.func @transform_0(%arg0: i32) -> (i32, i32) {
    %c0_i32 = arith.constant 0 : i32
    %c0_i32_0 = arith.constant 0 : i32
    return %arg0, %c0_i32 : i32, i32
  }
  func.func @transform_1(%arg0: i32) -> (i32, i32) {
    %c0_i32 = arith.constant 0 : i32
    %c0_i32_0 = arith.constant 0 : i32
    %c0_i32_1 = arith.constant 0 : i32
    return %c0_i32, %c0_i32_0 : i32, i32
  }
  func.func @transform_2(%arg0: i32) -> (i32, i32) {
    %c0_i32 = arith.constant 0 : i32
    %c0_i32_0 = arith.constant 0 : i32
    %c0_i32_1 = arith.constant 0 : i32
    return %c0_i32, %c0_i32_0 : i32, i32
  }
  func.func @transform_3(%arg0: i32) -> (i32, i32) {
    %c0_i32 = arith.constant 0 : i32
    %c0_i32_0 = arith.constant 0 : i32
    return %c0_i32, %arg0 : i32, i32
  }
}

</mosaic_0001>

<sc_bundles>
// kernel: kernel.4.cloned.1.call-start
scs
__scs_entry_jumppad:
0x0: {  	(pc) =	sbr.rel $0x88, $3  }
0x1: {  	(tag) =	ssettag $0x0;
	lr =	simm.s32 $0x1  }
0x2: {  	[smem:$0x3F9C] =	sst lr;
	_ =	strace $0xD0000000  }
0x3: {  	_ = 	snop  }
0x4: {  	_ = 	snop  }
0x5: {  	_ = 	snop  }
0x6: {  	_ = 	snop  }
0x7: {  	_ = 	snop  }
__scs_overlays_trampoline_lowered:
0x8: {  	[smem:$0x3FAB] =	sst s0  }
0x9: {  	[smem:$0x3FAC] =	sst s1  }
0xa: {  	[smem:$0x3FAD] =	sst s2  }
0xb: {  	[smem:$0x3FAE] =	sst s3  }
0xc: {  	[smem:$0x3FAF] =	sst s4  }
0xd: {  	[smem:$0x3FB0] =	sst s5  }
0xe: {  	[smem:$0x3FB1] =	sst s6  }
0xf: {  	[smem:$0x3FB2] =	sst s7  }
0x10: {  	[smem:$0x3FB3] =	sst s8  }
0x11: {  	[smem:$0x3FB4] =	sst s9;
	s0 =	simm.s32 @!p0 $0x0  }
0x12: {  	s1 =	sld [smem:$0x3F9A];
	s0 =	simm.s32 @p0 $0x1  }
0x13: {  	[smem:$0x3FB5] =	sst s0;
	s0 =	simm.s32 @!p1 $0x0  }
0x14: {  	s2 =	sld [smem:$0x3F99];
	s0 =	simm.s32 @p1 $0x1  }
0x15: {  	[smem:$0x3FB6] =	sst s0;
	s0 =	simm.s32 @!p2 $0x0  }
0x16: {  	s3 =	sld [smem:$0x3FDB];
	s0 =	simm.s32 @p2 $0x1  }
0x17: {  	s4 =	simm.s32 $0x1BF5;
	[smem:$0x3FB8] =	sst s0  }
0x18: {  	s0 =	sld [smem:$0x3F9B];
	_ =	swait.ge [sflag:s4], $0x0  }
0x19: {  	s7 =	sld [smem:$0x3F9C]  }
0x1a: {  	s8 =	sadd.s32 $0xFFFFE003, lr  }
0x1b: {  	s9 =	sadd.s32 $0xFFFFFEF7, lr;
	s5 =	simm.s32 $0xFFFFFFFF;
	p2 =	slt.u32 s8, $0xFFFFF086  }
0x1c: {  	p1 =	slt.u32 s9, $0xF7A;
	s5 =	simm.s32 @!p2 $0x0  }
0x1d: {  	s5 =	simm.s32 @p1 $0x1;
	p0 =	seq.s32 s7, s2  }
0x1e: {  	s7 =	smul.u32 @!p0 $0xF7A, s2;
	p2 =	seq.s32 @!p0 s5, $0x0  }
0x1f: {  	s9 =	smul.u32 $0xF7A, s1;
	s8 =	simm.s32 @!p0 $0x1BF5;
	p2 =	por !p2, p0  }
0x20: {  	[sflag:s8] =	ssyncset.s32 @!p0 $0xFFFFF086;
	s6 =	sadd.s32 @!p0 s3, s7;
	s7 =	simm.s32 @!p0 $0x108  }
0x21: {  	s3 =	sadd.s32 s3, s9;
	s6 =	sadd.s32 @!p0 $0x88, s6;
	s7 =	simm.s32 @p2 $0x1082  }
0x22: {  	[simem:s7], [sflag:s8] =	dma.local @!p0 [hbm:s6], $0xF7A  }
0x23: {  	s9 =	sor.u32 $0xD0000000, s2;
	s6 =	simm.s32 $0x108;
	_ =	swait.ge @!p0 [sflag:s8], $0x0  }
0x24: {  	s3 =	sadd.s32 $0x88, s3;
	s6 =	simm.s32 @!p1 $0x1082;
	[sflag:s4] =	ssyncset.s32 $0xFFFFF086  }
0x25: {  	[simem:s6], [sflag:s4] =	dma.local [hbm:s3], $0xF7A  }
0x26: {  	[smem:$0x3F9C] =	sst s1;
	(tag) =	ssettag s2;
	_ =	strace s9  }
0x27: {  	s1 =	sld [smem:$0x3FAC]  }
0x28: {  	s2 =	sld [smem:$0x3FAD]  }
0x29: {  	s4 =	sld [smem:$0x3FAF]  }
0x2a: {  	p0 =	seq.s32 s5, $0x0;
	s5 =	sld [smem:$0x3FB0]  }
0x2b: {  	s6 =	sld [smem:$0x3FB1]  }
0x2c: {  	s7 =	sld [smem:$0x3FB2]  }
0x2d: {  	s3 =	simm.s32 $0x108;
	s8 =	sld [smem:$0x3FB3]  }
0x2e: {  	s3 =	simm.s32 @!p0 $0x1082;
	s9 =	sld [smem:$0x3FB4]  }
0x2f: {  	lr =	sadd.s32 s0, s3;
	s0 =	sld [smem:$0x3FAB]  }
0x30: {  	s3 =	sld [smem:$0x3FAE]  }
0x31: {  	[smem:$0x3FB7] =	sst s10  }
0x32: {  	s10 =	sld [smem:$0x3FB5];
	_ =	sdelay $0x3  }
0x33: {  	p0 =	seq.s32 s10, $0x1;
	s10 =	sld [smem:$0x3FB7];
	_ =	sdelay $0x3  }
0x34: {  	[smem:$0x3FB7] =	sst s10  }
0x35: {  	s10 =	sld [smem:$0x3FB6];
	_ =	sdelay $0x3  }
0x36: {  	p1 =	seq.s32 s10, $0x1;
	s10 =	sld [smem:$0x3FB7];
	_ =	sdelay $0x3  }
0x37: {  	[smem:$0x3FB7] =	sst s10  }
0x38: {  	s10 =	sld [smem:$0x3FB8]  }
0x39: {  	_ = 	snop;
	(pc) =	sbr.ind lr, $3  }
0x3a: {  	_ = 	snop  }
0x3b: {  	_ = 	snop  }
0x3c: {  	p2 =	seq.s32 s10, $0x1;
	s10 =	sld [smem:$0x3FB7]  }
0x3d: {  	_ =	shalt  }
0x3e: {  	_ =	shalt  }
0x3f: {  	_ =	shalt  }
0x40: {  	_ =	shalt  }
0x41: {  	_ =	shalt  }
0x42: {  	_ =	shalt  }
0x43: {  	_ =	shalt  }
0x44: {  	_ =	shalt  }
0x45: {  	_ =	shalt  }
0x46: {  	_ =	shalt  }
0x47: {  	_ =	shalt  }
0x48: {  	_ =	shalt  }
0x49: {  	_ =	shalt  }
0x4a: {  	_ =	shalt  }
0x4b: {  	_ =	shalt  }
0x4c: {  	_ =	shalt  }
0x4d: {  	_ =	shalt  }
0x4e: {  	_ =	shalt  }
0x4f: {  	_ =	shalt  }
0x50: {  	_ =	shalt  }
0x51: {  	_ =	shalt  }
0x52: {  	_ =	shalt  }
0x53: {  	_ =	shalt  }
0x54: {  	_ =	shalt  }
0x55: {  	_ =	shalt  }
0x56: {  	_ =	shalt  }
0x57: {  	_ =	shalt  }
0x58: {  	_ =	shalt  }
0x59: {  	_ =	shalt  }
0x5a: {  	_ =	shalt  }
0x5b: {  	_ =	shalt  }
0x5c: {  	_ =	shalt  }
0x5d: {  	_ =	shalt  }
0x5e: {  	_ =	shalt  }
0x5f: {  	_ =	shalt  }
0x60: {  	_ =	shalt  }
0x61: {  	_ =	shalt  }
0x62: {  	_ =	shalt  }
0x63: {  	_ =	shalt  }
0x64: {  	_ =	shalt  }
0x65: {  	_ =	shalt  }
0x66: {  	_ =	shalt  }
0x67: {  	_ =	shalt  }
0x68: {  	_ =	shalt  }
0x69: {  	_ =	shalt  }
0x6a: {  	_ =	shalt  }
0x6b: {  	_ =	shalt  }
0x6c: {  	_ =	shalt  }
0x6d: {  	_ =	shalt  }
0x6e: {  	_ =	shalt  }
0x6f: {  	_ =	shalt  }
0x70: {  	_ =	shalt  }
0x71: {  	_ =	shalt  }
0x72: {  	_ =	shalt  }
0x73: {  	_ =	shalt  }
0x74: {  	_ =	shalt  }
0x75: {  	_ =	shalt  }
0x76: {  	_ =	shalt  }
0x77: {  	_ =	shalt  }
0x78: {  	_ =	shalt  }
0x79: {  	_ =	shalt  }
0x7a: {  	_ =	shalt  }
0x7b: {  	_ =	shalt  }
0x7c: {  	_ =	shalt  }
0x7d: {  	_ =	shalt  }
0x7e: {  	_ =	shalt  }
0x7f: {  	_ =	shalt  }
0x80: {  	_ =	shalt  }
0x81: {  	_ =	shalt  }
0x82: {  	_ =	shalt  }
0x83: {  	_ =	shalt  }
0x84: {  	_ =	shalt  }
0x85: {  	_ =	shalt  }
0x86: {  	_ =	shalt  }
0x87: {  	_ =	shalt  }
.Lfunc_end0:
.L_simem_size_0:
called_computation_lowered:
.L_overlay_start_0:
0x88: {  	s2 =	sld [smem:$0x3FD9]  }
0x89: {  	s3 =	sld [smem:$0x3FFE];
	_ =	sdelay $0x1  }
0x8a: {  	s1 =	srdreg.scid  }
0x8b: {  	s0 =	sand.u32 $0x1, s1  }
0x8c: {  	s14 =	sshll.u32 s0, $0xA;
	s2 =	sadd.s32 s3, s2  }
0x8d: {  	s2 =	sadd.s32 s2, s14  }
0x8e: {  	[smem:$0x3FC3] =	sst s2  }
0x8f: {  	_ = 	snop  }
0x90: {  	s2 =	sld [smem:$0x3FD0];
	_ =	sdelay $0x2  }
0x91: {  	s15 =	simm.s32 $0xA;
	s4 =	simm.s32 $0x10  }
0x92: {  	[smem:s4], [sflag:s15] =	dma.local [hbm:s2], $0x1  }
0x93: {  	_ =	swait.eq [sflag:s15], $0x1  }
0x94: {  	[sflag:s15] =	ssyncset.done $0x0  }
0x95: {  	s16 =	sld [smem:$0x10];
	[sflag:s15] =	ssyncadd.s32 $0xFFFFFFFF  }
0x96: {  	s17 =	sld [smem:$0x11];
	(tm) =	ssettm $0x1  }
0x97: {  	s18 =	sld [smem:$0x3FFB];
	_ =	sdelay $0x3  }
0x98: {  	_ =	strace s18  }
0x99: {  	s4 =	sld [smem:$0x3FFC];
	_ =	sdelay $0x3  }
0x9a: {  	_ =	strace s4  }
0x9b: {  	s4 =	sld [smem:$0x3FFD];
	_ =	sdelay $0x3  }
0x9c: {  	_ =	strace s4  }
0x9d: {  	_ =	strace $0x8FFFFFFF  }
0x9e: {  	s19 =	sld [smem:$0x3FDB];
	_ =	sdelay $0x1  }
0x9f: {  	s5 =	simm.s32 $_scs_section_size  }
0xa0: {  	s6 =	simm.s32 $_size__tile_overlayer_lowered;
	s7 =	simm.s32 $_tile_overlayer_lowered  }
0xa1: {  	s22 =	simm.s32 $0x1BFF;
	s21 =	sshll.u32 s7, $0x1;
	s4 =	sadd.s32 s5, s19  }
0xa2: {  	s8 =	simm.s32 $0x0;
	s20 =	sshll.u32 s6, $0x1;
	s6 =	sadd.s32 s21, s4  }
0xa3: {  	[timem:s8], [sflag:s22] =	dma.local [hbm:s6], s20  }
0xa4: {  	_ =	swait.ge [sflag:s22], s20  }
0xa5: {  	s5 =	ssub.s32 $0x0, s20;
	[sflag:s22] =	ssyncset.done $0x0  }
0xa6: {  	[sflag:s22] =	ssyncadd.s32 s5;
	_ =	sdelay $0x1  }
0xa7: {  	s23 =	simm.s32 $0x1B8B  }
0xa8: {  	_ =	swait.ge [sflag:s23], $0x1  }
0xa9: {  	[sflag:s23] =	ssyncset.done $0x0  }
0xaa: {  	s25 =	simm.s32 $0x1B8E;
	s24 =	sld [smem:$0x3FFE];
	[sflag:s23] =	ssyncadd.s32 $0xFFFFFFFF  }
0xab: {  	s26 =	simm.s32 $execute0_lowered;
	[smem:$0x3FD2] =	sst s25  }
0xac: {  	s6 =	sshll.u32 s26, $0x1;
	_ =	strace $0x80000046;
	[dreg:$0x1] =	wrdreg $0xFFFFFFFF  }
0xad: {  	s28 =	simm.s32 $_size_execute0_lowered;
	s4 =	sadd.s32 s4, s6;
	[dreg:$0x0] =	wrdreg $0x0  }
0xae: {  	s6 =	sshll.u32 s28, $0x1;
	[dreg:$0x2] =	wrdreg s4  }
0xaf: {  	[dreg:$0x3] =	wrdreg s6  }
0xb0: {  	[dreg:$0x4] =	wrdreg $0xC0  }
0xb1: {  	_ =	task [dreg:s8], $0x5FFFF  }
0xb2: {  	[dreg:$0x1] =	wrdreg $0xFFFFFFFF  }
0xb3: {  	[dreg:$0x0] =	wrdreg $0x60  }
0xb4: {  	[dreg:$0x2] =	wrdreg s24  }
0xb5: {  	[dreg:$0x3] =	wrdreg s16  }
0xb6: {  	[dreg:$0x4] =	wrdreg s17  }
0xb7: {  	[dreg:$0x5] =	wrdreg $0x9  }
0xb8: {  	_ =	task.clear_ibuf [dreg:s8], $0x6FFFF;
	_ =	strace $0x90000046  }
0xb9: {  	s29 =	simm.s32 $0x9;
	_ =	strace $0x80000048  }
0xba: {  	_ =	swait.ge [sflag:s29], $0x1  }
0xbb: {  	[sflag:s29] =	ssyncadd.s32 $0xFFFFFFFF  }
0xbc: {  	_ =	strace $0x90000048  }
0xbd: {  	_ =	sfence  }
0xbe: {  	s30 =	sld [smem:$0x0];
	_ =	sdelay $0x2  }
0xbf: {  	s31 =	sshll.u32 s1, $0xD;
	s1 =	sshrl.u32 s1, $0x2  }
0xc0: {  	s3 =	sand.u32 $0x4000, s31;
	s1 =	sadd.s32 s1, s30  }
0xc1: {  	s0 =	sor.u32 s3, s0;
	s1 =	sshll.u32 s1, $0x11  }
0xc2: {  	s0 =	sor.u32 s1, s0  }
0xc3: {  	s0 =	sadd.s32 $0x8F2B, s0  }
0xc4: {  	[sflag:s0] =	ssyncadd.remote.s32 $0x1  }
0xc5: {  	_ =	sfence.sel $0xFFFF  }
0xc6: {  	[dreg:$0x0] =	wrdreg $0xFFFFFFFF;
	(pc) =	sbr.abs _section_cstart, $3  }
0xc7: {  	[dreg:$0x1] =	wrdreg $0xFFFFFFFF  }
0xc8: {  	_ =	task.clear_ibuf [dreg:s8], $0x2FFFF;
	_ =	strace $0x9FFFFFFF  }
0xc9: {  	(tm) =	ssettm $0x7FFFFFFF  }
tec
execute0_lowered:
.L_overlay_start_1:
0x0: {  	(tag) =	ssettag $0x1  }
0x1: {  	s4 =	rddreg [dreg:$0x0]  }
0x2: {  	s6 =	rddreg [dreg:$0x1]  }
0x3: {  	s7 =	rddreg [dreg:$0x2]  }
0x4: {  	s0 =	rddreg [dreg:$0x3];
	s3 =	srdreg.scid  }
0x5: {  	s2 =	simm.s32 $0x0;
	s1 =	stileid.u32;
	s11 =	simm.s32 $0x1  }
0x6: {  	s12 =	simm.s32 $0x4000;
	s13 =	simm.s32 $0x6000;
	s14 =	simm.s32 $0x8000  }
0x7: {  	s15 =	simm.s32 $0x8200;
	s16 =	simm.s32 $0x0;
	s3 =	sand.u32 $0x1, s3  }
0x8: {  	[smem:$0x7FF] =	sst s2;
	s5 =	sshll.u32 s1, $0x9;
	s8 =	sshll.u32 s3, $0x8  }
0x9: {  	_ =	strace $0x80000047;
	s30 =	ssub.s32 $0x2, s3;
	s5 =	sor.u32 s8, s5  }
0xa: {  	s3 =	sadd.s32 $0x11200, s4;
	s10 =	sshrl.u32 s30, $0x1;
	s9 =	sadd.s32 s5, s4  }
0xb: {  	s4 =	sadd.s32 $0x10E00, s4;
	s8 =	ssub.s32 s30, s10;
	s31 =	sshrl.u32 s5, $0x2  }
0xc: {  	s10 =	simm.s32 $0x10000;
	s5 =	sadd.s32 $0xE00, s9;
	s6 =	sadd.s32 s6, s31  }
0xd: {  	s7 =	sadd.s32 s7, s31;
	s8 =	smax.u32 s8, $0x1;
	s9 =	simm.s32 $0x800  }
.LBB2_1:
0xe: {  	[tilespmem:s2], [sflag:$0x1] =	stream.strided.gather [hbm4b:s5+s9], $0x4000, s10, s9, $0x38;
	[tilespmem:$0x8400] =	vst v63  }
0xf: {  	_ =	swait.ge [sflag:s11], $0x4000  }
0x10: {  	[sflag:s11] =	ssyncset.done $0x0  }
0x11: {  	[sflag:s11] =	ssyncadd.s32 $0xFFFFC000  }
0x12: {  	[tilespmem:s12], [sflag:$0x1] =	stream.linear.gather [hbm4b:s3+s2], $0x2000, $0x38;
	[tilespmem:$0x8400] =	vst v63  }
0x13: {  	_ =	swait.ge [sflag:s11], $0x2000  }
0x14: {  	[sflag:s11] =	ssyncset.done $0x0  }
0x15: {  	[sflag:s11] =	ssyncadd.s32 $0xFFFFE000  }
0x16: {  	[tilespmem:s13], [sflag:$0x1] =	stream.linear.gather [hbm4b:s4+s2], $0x2000, $0x38;
	[tilespmem:$0x8400] =	vst v63  }
0x17: {  	_ =	swait.ge [sflag:s11], $0x2000  }
0x18: {  	[sflag:s11] =	ssyncset.done $0x0  }
0x19: {  	s17 =	simm.s32 $0x0;
	s18 =	simm.s32 $0x0;
	[sflag:s11] =	ssyncadd.s32 $0xFFFFE000  }
.LBB2_2:
0x1a: {  	v46 =	vld [tilespmem:$0x4000]  }
0x1b: {  	v0 =	vld [tilespmem:$0x6000]  }
0x1c: {  	v30 =	vld [tilespmem:$0x4080]  }
0x1d: {  	v31 =	vld [tilespmem:$0x6080]  }
0x1e: {  	v32 =	vld [tilespmem:$0x4100]  }
0x1f: {  	v33 =	vld [tilespmem:$0x6100]  }
0x20: {  	v34 =	vld [tilespmem:$0x4180]  }
0x21: {  	v35 =	vld [tilespmem:$0x6180]  }
0x22: {  	v36 =	vld [tilespmem:$0x4200]  }
0x23: {  	v37 =	vld [tilespmem:$0x6200]  }
0x24: {  	v38 =	vld [tilespmem:$0x4280]  }
0x25: {  	v39 =	vld [tilespmem:$0x6280]  }
0x26: {  	v40 =	vld [tilespmem:$0x4300]  }
0x27: {  	v41 =	vld [tilespmem:$0x6300]  }
0x28: {  	v47 =	vld [tilespmem:$0x4380]  }
0x29: {  	v48 =	vld [tilespmem:$0x6380]  }
0x2a: {  	v49 =	vld [tilespmem:$0x4400]  }
0x2b: {  	v50 =	vld [tilespmem:$0x6400]  }
0x2c: {  	v51 =	vld [tilespmem:$0x4480]  }
0x2d: {  	v52 =	vld [tilespmem:$0x6480]  }
0x2e: {  	v53 =	vld [tilespmem:$0x4500]  }
0x2f: {  	v54 =	vld [tilespmem:$0x6500]  }
0x30: {  	v1 =	vld [tilespmem:$0x4580]  }
0x31: {  	v55 =	vld [tilespmem:$0x6580]  }
0x32: {  	v2 =	vld [tilespmem:$0x4600]  }
0x33: {  	v56 =	vld [tilespmem:$0x6600]  }
0x34: {  	v6 =	vld [tilespmem:$0x4680]  }
0x35: {  	v57 =	vld [tilespmem:$0x6680]  }
0x36: {  	v58 =	vld [tilespmem:$0x4700]  }
0x37: {  	v59 =	vld [tilespmem:$0x6700]  }
0x38: {  	v60 =	vld [tilespmem:$0x4780]  }
0x39: {  	v61 =	vld [tilespmem:$0x6780]  }
0x3a: {  	v62 =	vld [tilespmem:$0x4800]  }
0x3b: {  	v63 =	vld [tilespmem:$0x6800]  }
0x3c: {  	v9 =	vld [tilespmem:$0x4880]  }
0x3d: {  	v10 =	vld [tilespmem:$0x6880]  }
0x3e: {  	v11 =	vld [tilespmem:$0x4900]  }
0x3f: {  	v12 =	vld [tilespmem:$0x6900]  }
0x40: {  	v13 =	vld [tilespmem:$0x4980]  }
0x41: {  	v14 =	vld [tilespmem:$0x6980]  }
0x42: {  	v15 =	vld [tilespmem:$0x4A00]  }
0x43: {  	v16 =	vld [tilespmem:$0x6A00]  }
0x44: {  	v17 =	vld [tilespmem:$0x4A80]  }
0x45: {  	v18 =	vld [tilespmem:$0x6A80]  }
0x46: {  	v19 =	vld [tilespmem:$0x4B00]  }
0x47: {  	v20 =	vld [tilespmem:$0x6B00]  }
0x48: {  	v21 =	vld [tilespmem:$0x4B80]  }
0x49: {  	v22 =	vld [tilespmem:$0x6B80]  }
0x4a: {  	v7 =	vld [tilespmem:$0x4C00]  }
0x4b: {  	v23 =	vld [tilespmem:$0x6C00]  }
0x4c: {  	v24 =	vld [tilespmem:$0x4C80]  }
0x4d: {  	v25 =	vld [tilespmem:$0x6C80]  }
0x4e: {  	v26 =	vld [tilespmem:$0x4D00]  }
0x4f: {  	s20 =	sshll.u32 s18, $0x7;
	v27 =	vld [tilespmem:$0x6D00]  }
0x50: {  	s19 =	sand.u32 $0x70, s17;
	v28 =	vld [tilespmem:$0x4D80];
	s20 =	sand.u32 $0x3FFFFC00, s20  }
0x51: {  	v29 =	vld [tilespmem:$0x6D80];
	s20 =	sor.u32 s19, s20  }
0x52: {  	v45 =	vld [tilespmem:s20+$0x0]  }
0x53: {  	v5 =	vld [tilespmem:s20+$0x80]  }
0x54: {  	v42 =	vld [tilespmem:s20+$0x100]  }
0x55: {  	v4 =	vld [tilespmem:s20+$0x180]  }
0x56: {  	v43 =	vld [tilespmem:s20+$0x200]  }
0x57: {  	v44 =	vld [tilespmem:s20+$0x280]  }
0x58: {  	v3 =	vld [tilespmem:s20+$0x800]  }
0x59: {  	v8 =	vld [tilespmem:s20+$0x3100]  }
0x5a: {  	[tilespmem:$0x1EFC0] =	vst v37;
	v37 =	vld [tilespmem:s20+$0x300]  }
0x5b: {  	[tilespmem:$0x1EFA0] =	vst v35;
	v35 =	vld [tilespmem:s20+$0x380]  }
0x5c: {  	[tilespmem:$0x1EFB0] =	vst v36;
	v36 =	vld [tilespmem:s20+$0x880]  }
0x5d: {  	[tilespmem:$0x1F000] =	vst v41;
	v41 =	vld [tilespmem:s20+$0x900]  }
0x5e: {  	[tilespmem:$0x1EF40] =	vst v0;
	v0 =	vld [tilespmem:s20+$0x980]  }
0x5f: {  	[tilespmem:$0x1F090] =	vst v1;
	v1 =	vld [tilespmem:s20+$0xA00]  }
0x60: {  	[tilespmem:$0x1F0B0] =	vst v2;
	v2 =	vld [tilespmem:s20+$0xA80]  }
0x61: {  	[tilespmem:$0x1EFD0] =	vst v38;
	v38 =	vld [tilespmem:s20+$0xB00]  }
0x62: {  	[tilespmem:$0x1EFE0] =	vst v39;
	v39 =	vld [tilespmem:s20+$0xB80]  }
0x63: {  	[tilespmem:$0x1EFF0] =	vst v40;
	v40 =	vld [tilespmem:s20+$0x1000]  }
0x64: {  	[tilespmem:$0x1F010] =	vst v47;
	v47 =	vld [tilespmem:s20+$0x1080]  }
0x65: {  	[tilespmem:$0x1F020] =	vst v48;
	v48 =	vld [tilespmem:s20+$0x1100]  }
0x66: {  	[tilespmem:$0x1F030] =	vst v49;
	v49 =	vld [tilespmem:s20+$0x1180]  }
0x67: {  	[tilespmem:$0x1F0C0] =	vst v56;
	v56 =	vld [tilespmem:s20+$0x1200]  }
0x68: {  	[tilespmem:$0x1F0E0] =	vst v57;
	v57 =	vld [tilespmem:s20+$0x1280]  }
0x69: {  	[tilespmem:$0x1F0F0] =	vst v58;
	v58 =	vld [tilespmem:s20+$0x1300]  }
0x6a: {  	[tilespmem:$0x1EF80] =	vst v33;
	v33 =	vld [tilespmem:s20+$0x1380]  }
0x6b: {  	[tilespmem:$0x1F0D0] =	vst v6;
	v6 =	vld [tilespmem:s20+$0x1800]  }
0x6c: {  	[tilespmem:$0x1EF90] =	vst v34;
	v34 =	vld [tilespmem:s20+$0x1880]  }
0x6d: {  	[tilespmem:$0x1EF70] =	vst v32;
	v32 =	vld [tilespmem:s20+$0x1900]  }
0x6e: {  	[tilespmem:$0x1EF60] =	vst v31;
	v31 =	vld [tilespmem:s20+$0x1980]  }
0x6f: {  	[tilespmem:$0x1F2A0] =	vst v29;
	v29 =	vld [tilespmem:s20+$0x1A00]  }
0x70: {  	[tilespmem:$0x1EF50] =	vst v30;
	v30 =	vld [tilespmem:$0x4E00]  }
0x71: {  	[tilespmem:$0x1F040] =	vst v50;
	v50 =	vld [tilespmem:$0x6E00]  }
0x72: {  	[tilespmem:$0x1F280] =	vst v27;
	v27 =	vld [tilespmem:s20+$0x1A80]  }
0x73: {  	[tilespmem:$0x1F050] =	vst v51;
	v51 =	vld [tilespmem:$0x4E80]  }
0x74: {  	[tilespmem:$0x1F060] =	vst v52;
	v52 =	vld [tilespmem:$0x6E80]  }
0x75: {  	[tilespmem:$0x1F290] =	vst v28;
	v28 =	vld [tilespmem:s20+$0x1B00]  }
0x76: {  	[tilespmem:$0x1F070] =	vst v53;
	v53 =	vld [tilespmem:$0x4F00]  }
0x77: {  	[tilespmem:$0x1F080] =	vst v54;
	v54 =	vld [tilespmem:$0x6F00]  }
0x78: {  	[tilespmem:$0x1F0A0] =	vst v55;
	v55 =	vld [tilespmem:$0x4F80]  }
0x79: {  	[tilespmem:$0x1F100] =	vst v59;
	v59 =	vld [tilespmem:$0x6F80]  }
0x7a: {  	[tilespmem:$0x1F250] =	vst v24;
	v24 =	vld [tilespmem:s20+$0x2000]  }
0x7b: {  	[tilespmem:$0x1F110] =	vst v60;
	v60 =	vld [tilespmem:$0x5000];
	v46 =	vadd.f32 v46, v45  }
0x7c: {  	[tilespmem:$0x1F120] =	vst v61;
	v61 =	vld [tilespmem:$0x7000]  }
0x7d: {  	[tilespmem:$0x1F930] =	vst v46;
	v46 =	vld [tilespmem:$0x1EF40]  }
0x7e: {  	[tilespmem:$0x1F260] =	vst v25;
	v25 =	vld [tilespmem:s20+$0x2080]  }
0x7f: {  	[tilespmem:$0x1F130] =	vst v62;
	v62 =	vld [tilespmem:$0x5080]  }
0x80: {  	[tilespmem:$0x1F140] =	vst v63;
	v63 =	vld [tilespmem:$0x7080]  }
0x81: {  	[tilespmem:$0x1F270] =	vst v26;
	v26 =	vld [tilespmem:s20+$0x2100]  }
0x82: {  	[tilespmem:$0x1F150] =	vst v9;
	v9 =	vld [tilespmem:$0x5100];
	v45 =	vmul.f32 v46, v45  }
0x83: {  	[tilespmem:$0x1F160] =	vst v10;
	v10 =	vld [tilespmem:$0x7100]  }
0x84: {  	[tilespmem:$0x1F4E0] =	vst v45;
	v45 =	vld [tilespmem:$0x1EF50]  }
0x85: {  	[tilespmem:$0x1F210] =	vst v21;
	v21 =	vld [tilespmem:s20+$0x2180]  }
0x86: {  	[tilespmem:$0x1F170] =	vst v11;
	v11 =	vld [tilespmem:$0x5180]  }
0x87: {  	[tilespmem:$0x1F180] =	vst v12;
	v12 =	vld [tilespmem:$0x7180]  }
0x88: {  	[tilespmem:$0x1F220] =	vst v22;
	v22 =	vld [tilespmem:s20+$0x2200]  }
0x89: {  	[tilespmem:$0x1F190] =	vst v13;
	v13 =	vld [tilespmem:$0x5200];
	v45 =	vadd.f32 v45, v5  }
0x8a: {  	[tilespmem:$0x1F1A0] =	vst v14;
	v14 =	vld [tilespmem:$0x7200]  }
0x8b: {  	[tilespmem:$0x1F940] =	vst v45;
	v45 =	vld [tilespmem:$0x1EF60]  }
0x8c: {  	[tilespmem:$0x1F240] =	vst v23;
	v23 =	vld [tilespmem:s20+$0x2280]  }
0x8d: {  	[tilespmem:$0x1F1B0] =	vst v15;
	v15 =	vld [tilespmem:$0x5280]  }
0x8e: {  	[tilespmem:$0x1F1C0] =	vst v16;
	v16 =	vld [tilespmem:$0x7280]  }
0x8f: {  	[tilespmem:$0x1F1E0] =	vst v18;
	v18 =	vld [tilespmem:s20+$0x2300]  }
0x90: {  	v5 =	vmul.f32 v45, v5;
	v45 =	vld [tilespmem:$0x1EF70]  }
0x91: {  	[tilespmem:$0x1F1D0] =	vst v17;
	v17 =	vld [tilespmem:$0x5300]  }
0x92: {  	[tilespmem:$0x1F1F0] =	vst v19;
	v19 =	vld [tilespmem:$0x7300]  }
0x93: {  	[tilespmem:$0x1F200] =	vst v20;
	v20 =	vld [tilespmem:$0x5380]  }
0x94: {  	[tilespmem:$0x1F230] =	vst v7;
	v7 =	vld [tilespmem:s20+$0x3180]  }
0x95: {  	[tilespmem:$0x1F4F0] =	vst v5;
	v5 =	vadd.f32 v45, v42;
	v45 =	vld [tilespmem:$0x1EF80]  }
0x96: {  	[tilespmem:$0x1F2B0] =	vst v30;
	v30 =	vld [tilespmem:s20+$0x1B80]  }
0x97: {  	[tilespmem:$0x1F400] =	vst v19;
	v19 =	vld [tilespmem:s20+$0x2380]  }
0x98: {  	[tilespmem:$0x1F2C0] =	vst v50;
	v50 =	vld [tilespmem:$0x7380]  }
0x99: {  	[tilespmem:$0x1F410] =	vst v20;
	v20 =	vld [tilespmem:s20+$0x2800]  }
0x9a: {  	[tilespmem:$0x1F950] =	vst v5;
	v5 =	vmul.f32 v45, v42;
	v42 =	vld [tilespmem:$0x1EF90]  }
0x9b: {  	[tilespmem:$0x1F2D0] =	vst v51;
	v51 =	vld [tilespmem:$0x5400]  }
0x9c: {  	[tilespmem:$0x1F2E0] =	vst v52;
	v52 =	vld [tilespmem:$0x7400]  }
0x9d: {  	[tilespmem:$0x1F3D0] =	vst v15;
	v15 =	vld [tilespmem:s20+$0x2880]  }
0x9e: {  	[tilespmem:$0x1F2F0] =	vst v53;
	v53 =	vld [tilespmem:$0x5480]  }
0x9f: {  	[tilespmem:$0x1F500] =	vst v5;
	v5 =	vadd.f32 v42, v4;
	v42 =	vld [tilespmem:$0x1EFA0]  }
0xa0: {  	[tilespmem:$0x1F300] =	vst v54;
	v54 =	vld [tilespmem:$0x7480]  }
0xa1: {  	[tilespmem:$0x1F3E0] =	vst v16;
	v16 =	vld [tilespmem:s20+$0x2900]  }
0xa2: {  	[tilespmem:$0x1F310] =	vst v55;
	v55 =	vld [tilespmem:$0x5500]  }
0xa3: {  	[tilespmem:$0x1F320] =	vst v59;
	v59 =	vld [tilespmem:$0x7500]  }
0xa4: {  	v4 =	vmul.f32 v42, v4;
	v42 =	vld [tilespmem:$0x1EFB0]  }
0xa5: {  	[tilespmem:$0x1F3F0] =	vst v17;
	v17 =	vld [tilespmem:s20+$0x2980]  }
0xa6: {  	[tilespmem:$0x1F350] =	vst v62;
	v62 =	vld [tilespmem:$0x5580]  }
0xa7: {  	[tilespmem:$0x1F330] =	vst v60;
	v60 =	vld [tilespmem:$0x7580]  }
0xa8: {  	[tilespmem:$0x1F3A0] =	vst v12;
	v12 =	vld [tilespmem:s20+$0x2A00]  }
0xa9: {  	[tilespmem:$0x1F510] =	vst v4;
	v4 =	vadd.f32 v42, v43;
	v42 =	vld [tilespmem:$0x1EFC0]  }
0xaa: {  	[tilespmem:$0x1F360] =	vst v63;
	v63 =	vld [tilespmem:$0x5600]  }
0xab: {  	[tilespmem:$0x1F340] =	vst v61;
	v61 =	vld [tilespmem:$0x7600]  }
0xac: {  	[tilespmem:$0x1F3B0] =	vst v13;
	v13 =	vld [tilespmem:s20+$0x2A80]  }
0xad: {  	[tilespmem:$0x1F370] =	vst v9;
	v9 =	vld [tilespmem:$0x5680]  }
0xae: {  	[tilespmem:$0x1F990] =	vst v4;
	v4 =	vmul.f32 v42, v43;
	v42 =	vld [tilespmem:$0x1EFD0]  }
0xaf: {  	[tilespmem:$0x1F380] =	vst v10;
	v10 =	vld [tilespmem:$0x7680]  }
0xb0: {  	[tilespmem:$0x1F390] =	vst v11;
	v43 =	vld [tilespmem:$0x1EFE0]  }
0xb1: {  	[tilespmem:$0x1F3C0] =	vst v14;
	v14 =	vld [tilespmem:s20+$0x2B00]  }
0xb2: {  	v11 =	vld [tilespmem:$0x7700];
	[tilespmem:$0x1F470] =	vst v55  }
0xb3: {  	[tilespmem:$0x1F520] =	vst v4;
	v4 =	vadd.f32 v42, v44;
	v42 =	vld [tilespmem:$0x1EFF0]  }
0xb4: {  	[tilespmem:$0x1F480] =	vst v59;
	v55 =	vld [tilespmem:$0x5700]  }
0xb5: {  	[tilespmem:$0x1F9A0] =	vst v4;
	v4 =	vmul.f32 v43, v44;
	v43 =	vld [tilespmem:$0x1F000]  }
0xb6: {  	[tilespmem:$0x1F4B0] =	vst v9;
	v9 =	vld [tilespmem:s20+$0x2B80]  }
0xb7: {  	[tilespmem:$0x1F490] =	vst v60;
	v59 =	vld [tilespmem:$0x5780]  }
0xb8: {  	v60 =	vld [tilespmem:$0x7780];
	[tilespmem:$0x1F530] =	vst v4;
	v4 =	vadd.f32 v42, v37  }
0xb9: {  	[tilespmem:$0x1F4C0] =	vst v10;
	v10 =	vld [tilespmem:s20+$0x3000]  }
0xba: {  	[tilespmem:$0x1F9B0] =	vst v4;
	v4 =	vmul.f32 v43, v37;
	v37 =	vld [tilespmem:$0x1F010]  }
0xbb: {  	[tilespmem:$0x1F4A0] =	vst v61;
	v61 =	vld [tilespmem:$0x5800]  }
0xbc: {  	[tilespmem:$0x1F440] =	vst v52;
	v42 =	vld [tilespmem:$0x1F020]  }
0xbd: {  	[tilespmem:$0x1F450] =	vst v53;
	v53 =	vld [tilespmem:$0x7800]  }
0xbe: {  	[tilespmem:$0x1F4D0] =	vst v11;
	v11 =	vld [tilespmem:s20+$0x3080]  }
0xbf: {  	v52 =	vld [tilespmem:$0x5880];
	[tilespmem:$0x1F540] =	vst v4;
	v4 =	vadd.f32 v37, v35  }
0xc0: {  	[tilespmem:$0x1F460] =	vst v54;
	v54 =	vld [tilespmem:$0x7880]  }
0xc1: {  	[tilespmem:$0x1F9C0] =	vst v4;
	v4 =	vmul.f32 v42, v35;
	v35 =	vld [tilespmem:$0x1F030]  }
0xc2: {  	v37 =	vld [tilespmem:$0x1F040]  }
0xc3: {  	[tilespmem:$0x1F420] =	vst v50;
	v50 =	vld [tilespmem:$0x5900]  }
0xc4: {  	[tilespmem:$0x1F430] =	vst v51;
	v51 =	vld [tilespmem:$0x7900]  }
0xc5: {  	v46 =	vld [tilespmem:$0x5980]  }
0xc6: {  	v45 =	vld [tilespmem:$0x7980];
	[tilespmem:$0x1F550] =	vst v4;
	v4 =	vadd.f32 v35, v3  }
0xc7: {  	[tilespmem:$0x1F960] =	vst v5;
	v5 =	vld [tilespmem:s20+$0x3200];
	v3 =	vmul.f32 v37, v3  }
0xc8: {  	v44 =	vld [tilespmem:$0x5A00];
	[tilespmem:$0x1FA20] =	vst v4  }
0xc9: {  	v43 =	vld [tilespmem:$0x7A00];
	[tilespmem:$0x1F560] =	vst v3  }
0xca: {  	v3 =	vld [tilespmem:$0x1F050];
	_ =	sdelay $0x1  }
0xcb: {  	v42 =	vld [tilespmem:$0x1F060];
	_ =	sdelay $0x2  }
0xcc: {  	v35 =	vld [tilespmem:$0x1F070];
	v3 =	vadd.f32 v3, v36;
	_ =	sdelay $0x1  }
0xcd: {  	[tilespmem:$0x1FA30] =	vst v3;
	v3 =	vmul.f32 v42, v36;
	v36 =	vld [tilespmem:$0x1F080];
	_ =	sdelay $0x2  }
0xce: {  	[tilespmem:$0x1F570] =	vst v3;
	v3 =	vadd.f32 v35, v41  }
0xcf: {  	v37 =	vld [tilespmem:$0x1F090]  }
0xd0: {  	[tilespmem:$0x1FA40] =	vst v3;
	v3 =	vmul.f32 v36, v41;
	v41 =	vld [tilespmem:$0x1F0A0];
	_ =	sdelay $0x1  }
0xd1: {  	v35 =	vld [tilespmem:$0x1F0B0];
	_ =	sdelay $0x1  }
0xd2: {  	v36 =	vld [tilespmem:$0x1F0C0]  }
0xd3: {  	[tilespmem:$0x1F580] =	vst v3;
	v3 =	vadd.f32 v37, v0;
	v0 =	vmul.f32 v41, v0  }
0xd4: {  	v37 =	vld [tilespmem:$0x1F0D0]  }
0xd5: {  	[tilespmem:$0x1F590] =	vst v0;
	v0 =	vadd.f32 v35, v1  }
0xd6: {  	v35 =	vld [tilespmem:$0x1F0E0]  }
0xd7: {  	[tilespmem:$0x1FAA0] =	vst v0;
	v0 =	vmul.f32 v36, v1  }
0xd8: {  	v36 =	vld [tilespmem:$0x1F0F0]  }
0xd9: {  	[tilespmem:$0x1F5A0] =	vst v0;
	v0 =	vadd.f32 v37, v2  }
0xda: {  	v37 =	vld [tilespmem:$0x1F100]  }
0xdb: {  	[tilespmem:$0x1FAB0] =	vst v0;
	v0 =	vmul.f32 v35, v2  }
0xdc: {  	v35 =	vld [tilespmem:$0x1F110]  }
0xdd: {  	[tilespmem:$0x1F5B0] =	vst v0;
	v0 =	vadd.f32 v36, v38  }
0xde: {  	v36 =	vld [tilespmem:$0x1F120]  }
0xdf: {  	[tilespmem:$0x1FAC0] =	vst v0;
	v0 =	vmul.f32 v37, v38;
	_ =	sdelay $0x1  }
0xe0: {  	v37 =	vld [tilespmem:$0x1F130];
	[tilespmem:$0x1F5C0] =	vst v0;
	v0 =	vadd.f32 v35, v39;
	_ =	sdelay $0x1  }
0xe1: {  	[tilespmem:$0x1FAD0] =	vst v0;
	v0 =	vmul.f32 v36, v39;
	v39 =	vld [tilespmem:$0x1F140];
	_ =	sdelay $0x2  }
0xe2: {  	v35 =	vld [tilespmem:$0x1F160];
	[tilespmem:$0x1F5D0] =	vst v0;
	v0 =	vadd.f32 v37, v40  }
0xe3: {  	v36 =	vld [tilespmem:$0x1F170]  }
0xe4: {  	[tilespmem:$0x1FAF0] =	vst v0;
	v0 =	vmul.f32 v39, v40;
	v40 =	vld [tilespmem:$0x1F150]  }
0xe5: {  	v39 =	vld [tilespmem:$0x1F180];
	_ =	sdelay $0x2  }
0xe6: {  	[tilespmem:$0x1F5E0] =	vst v0;
	v0 =	vmul.f32 v35, v47;
	_ =	sdelay $0x1  }
0xe7: {  	[tilespmem:$0x1F5F0] =	vst v0;
	v40 =	vadd.f32 v40, v47;
	v47 =	vadd.f32 v36, v48;
	v0 =	vmul.f32 v39, v48;
	v48 =	vld [tilespmem:$0x1F190];
	_ =	sdelay $0x1  }
0xe8: {  	v35 =	vld [tilespmem:$0x1F1A0];
	_ =	sdelay $0x2  }
0xe9: {  	v39 =	vadd.f32 v48, v49;
	v48 =	vld [tilespmem:$0x1F1B0];
	_ =	sdelay $0x1  }
0xea: {  	[tilespmem:$0x1F600] =	vst v0;
	v0 =	vmul.f32 v35, v49;
	v49 =	vld [tilespmem:$0x1F1C0];
	_ =	sdelay $0x2  }
0xeb: {  	[tilespmem:$0x1F610] =	vst v0;
	v0 =	vadd.f32 v48, v56;
	_ =	sdelay $0x1  }
0xec: {  	[tilespmem:$0x1FB50] =	vst v0;
	v0 =	vmul.f32 v49, v56;
	v56 =	vld [tilespmem:$0x1F1D0];
	_ =	sdelay $0x3  }
0xed: {  	v49 =	vld [tilespmem:$0x1F1F0]  }
0xee: {  	[tilespmem:$0x1F620] =	vst v0;
	v0 =	vadd.f32 v56, v57;
	v56 =	vld [tilespmem:$0x1F200];
	_ =	sdelay $0x4  }
0xef: {  	[tilespmem:$0x1FB60] =	vst v0;
	v0 =	vadd.f32 v49, v58;
	v56 =	vmul.f32 v56, v58;
	v58 =	vld [tilespmem:$0x1F230];
	_ =	sdelay $0x4  }
0xf0: {  	v2 =	vadd.f32 v58, v6;
	v58 =	vld [tilespmem:$0x1F240];
	_ =	sdelay $0x4  }
0xf1: {  	[tilespmem:$0x1FBB0] =	vst v2;
	v2 =	vmul.f32 v58, v6  }
0xf2: {  	v6 =	vld [tilespmem:$0x1F250]  }
0xf3: {  	[tilespmem:$0x1F630] =	vst v2;
	v2 =	vld [tilespmem:$0x1F260];
	_ =	sdelay $0x4  }
0xf4: {  	v58 =	vadd.f32 v6, v34;
	v2 =	vmul.f32 v2, v34;
	v34 =	vld [tilespmem:$0x1F270];
	_ =	sdelay $0x4  }
0xf5: {  	[tilespmem:$0x1F640] =	vst v2;
	v2 =	vadd.f32 v34, v32;
	v34 =	vld [tilespmem:$0x1F280];
	_ =	sdelay $0x4  }
0xf6: {  	[tilespmem:$0x1FBD0] =	vst v2;
	v2 =	vmul.f32 v34, v32  }
0xf7: {  	v32 =	vld [tilespmem:$0x1F290]  }
0xf8: {  	[tilespmem:$0x1F650] =	vst v2;
	v2 =	vld [tilespmem:$0x1F2A0];
	_ =	sdelay $0x4  }
0xf9: {  	v32 =	vadd.f32 v32, v31;
	v2 =	vmul.f32 v2, v31;
	v31 =	vld [tilespmem:$0x1F2B0];
	_ =	sdelay $0x4  }
0xfa: {  	[tilespmem:$0x1F660] =	vst v2;
	v2 =	vadd.f32 v31, v29;
	_ =	sdelay $0x1  }
0xfb: {  	[tilespmem:$0x1FC10] =	vst v2;
	v2 =	vld [tilespmem:$0x1F2C0];
	_ =	sdelay $0x4  }
0xfc: {  	v2 =	vmul.f32 v2, v29;
	v29 =	vld [tilespmem:$0x1F2D0];
	_ =	sdelay $0x4  }
0xfd: {  	[tilespmem:$0x1F670] =	vst v2;
	v2 =	vadd.f32 v29, v27;
	v29 =	vld [tilespmem:$0x1F2E0];
	_ =	sdelay $0x4  }
0xfe: {  	[tilespmem:$0x1FC20] =	vst v2;
	v2 =	vmul.f32 v29, v27;
	v27 =	vld [tilespmem:$0x1F2F0];
	_ =	sdelay $0x4  }
0xff: {  	[tilespmem:$0x1F680] =	vst v2;
	v2 =	vadd.f32 v27, v28;
	v27 =	vld [tilespmem:$0x1F300];
	_ =	sdelay $0x4  }
0x100: {  	[tilespmem:$0x1FC30] =	vst v2;
	v2 =	vmul.f32 v27, v28  }
0x101: {  	v28 =	vld [tilespmem:$0x1F310]  }
0x102: {  	[tilespmem:$0x1F690] =	vst v2;
	v2 =	vld [tilespmem:$0x1F320];
	_ =	sdelay $0x4  }
0x103: {  	v27 =	vadd.f32 v28, v30;
	v2 =	vmul.f32 v2, v30;
	v30 =	vld [tilespmem:$0x1F330];
	_ =	sdelay $0x4  }
0x104: {  	[tilespmem:$0x1F6A0] =	vst v2;
	v2 =	vadd.f32 v30, v24;
	v30 =	vld [tilespmem:$0x1F340];
	_ =	sdelay $0x4  }
0x105: {  	[tilespmem:$0x1FC50] =	vst v2;
	v2 =	vmul.f32 v30, v24;
	v30 =	vld [tilespmem:$0x1F350];
	_ =	sdelay $0x4  }
0x106: {  	[tilespmem:$0x1F6B0] =	vst v2;
	v2 =	vadd.f32 v30, v25;
	v30 =	vld [tilespmem:$0x1F360];
	_ =	sdelay $0x4  }
0x107: {  	[tilespmem:$0x1FC60] =	vst v2;
	v2 =	vmul.f32 v30, v25;
	v25 =	vld [tilespmem:$0x1F370]  }
0x108: {  	v30 =	vld [tilespmem:$0x1F380];
	_ =	sdelay $0x4  }
0x109: {  	[tilespmem:$0x1F6C0] =	vst v2;
	v2 =	vadd.f32 v25, v26;
	v25 =	vmul.f32 v30, v26;
	v30 =	vld [tilespmem:$0x1F390];
	_ =	sdelay $0x4  }
0x10a: {  	v26 =	vadd.f32 v30, v21;
	v30 =	vld [tilespmem:$0x1F3A0];
	_ =	sdelay $0x4  }
0x10b: {  	[tilespmem:$0x1F6D0] =	vst v25;
	v25 =	vmul.f32 v30, v21;
	v30 =	vld [tilespmem:$0x1F3B0];
	_ =	sdelay $0x4  }
0x10c: {  	v30 =	vadd.f32 v30, v22;
	_ =	sdelay $0x1  }
0x10d: {  	[tilespmem:$0x1FCC0] =	vst v30;
	v30 =	vld [tilespmem:$0x1F3C0];
	_ =	sdelay $0x4  }
0x10e: {  	v22 =	vmul.f32 v30, v22;
	v30 =	vld [tilespmem:$0x1F3D0];
	_ =	sdelay $0x4  }
0x10f: {  	[tilespmem:$0x1F6E0] =	vst v22;
	v22 =	vadd.f32 v30, v23;
	v30 =	vld [tilespmem:$0x1F3E0];
	_ =	sdelay $0x4  }
0x110: {  	v23 =	vmul.f32 v30, v23;
	v30 =	vld [tilespmem:$0x1F3F0];
	_ =	sdelay $0x4  }
0x111: {  	[tilespmem:$0x1F6F0] =	vst v23;
	v23 =	vadd.f32 v30, v18;
	v30 =	vld [tilespmem:$0x1F400];
	_ =	sdelay $0x4  }
0x112: {  	v18 =	vmul.f32 v30, v18;
	v30 =	vld [tilespmem:$0x1F410];
	_ =	sdelay $0x4  }
0x113: {  	v30 =	vadd.f32 v30, v19;
	_ =	sdelay $0x1  }
0x114: {  	[tilespmem:$0x1FCF0] =	vst v30;
	v30 =	vld [tilespmem:$0x1F420];
	_ =	sdelay $0x4  }
0x115: {  	v19 =	vmul.f32 v30, v19;
	v30 =	vld [tilespmem:$0x1F430]  }
0x116: {  	v50 =	vadd.f32 v50, v8;
	v4 =	vld [tilespmem:s20+$0x3280]  }
0x117: {  	v8 =	vmul.f32 v51, v8;
	v51 =	vld [tilespmem:$0x5F00]  }
0x118: {  	[tilespmem:$0x1FE10] =	vst v50;
	v50 =	vld [tilespmem:$0x1F4E0]  }
0x119: {  	v42 =	vld [tilespmem:$0x5A80]  }
0x11a: {  	[tilespmem:$0x1F710] =	vst v19;
	v19 =	vadd.f32 v30, v20;
	v30 =	vld [tilespmem:$0x1F440]  }
0x11b: {  	[tilespmem:$0x1FA50] =	vst v3;
	v3 =	vld [tilespmem:s20+$0x3300]  }
0x11c: {  	v41 =	vld [tilespmem:$0x7A80]  }
0x11d: {  	v48 =	vld [tilespmem:$0x1F1E0]  }
0x11e: {  	v1 =	vld [tilespmem:s20+$0x3380]  }
0x11f: {  	v20 =	vmul.f32 v30, v20;
	v30 =	vld [tilespmem:$0x1F450]  }
0x120: {  	v38 =	vld [tilespmem:$0x5B00]  }
0x121: {  	v37 =	vld [tilespmem:$0x7B00]  }
0x122: {  	v57 =	vmul.f32 v48, v57;
	v48 =	vld [tilespmem:$0x1F210]  }
0x123: {  	v49 =	vld [tilespmem:$0x1F220]  }
0x124: {  	[tilespmem:$0x1F720] =	vst v20;
	v20 =	vadd.f32 v30, v15;
	v30 =	vld [tilespmem:$0x1F460]  }
0x125: {  	v36 =	vld [tilespmem:$0x5B80]  }
0x126: {  	v35 =	vld [tilespmem:$0x7B80]  }
0x127: {  	[tilespmem:$0x1FB70] =	vst v0;
	v0 =	vld [tilespmem:s20+$0x3800]  }
0x128: {  	v48 =	vadd.f32 v48, v33;
	v49 =	vmul.f32 v49, v33;
	v33 =	vld [tilespmem:$0x5C00]  }
0x129: {  	v15 =	vmul.f32 v30, v15;
	v30 =	vld [tilespmem:$0x1F470]  }
0x12a: {  	v6 =	vld [tilespmem:$0x7C00]  }
0x12b: {  	v34 =	vld [tilespmem:s20+$0x3880]  }
0x12c: {  	v31 =	vld [tilespmem:$0x5C80]  }
0x12d: {  	v29 =	vld [tilespmem:$0x7C80]  }
0x12e: {  	[tilespmem:$0x1FD10] =	vst v20;
	v20 =	vadd.f32 v30, v16;
	v30 =	vld [tilespmem:$0x1F480]  }
0x12f: {  	v28 =	vld [tilespmem:s20+$0x3900]  }
0x130: {  	v24 =	vld [tilespmem:$0x5D00]  }
0x131: {  	[tilespmem:$0x1FC70] =	vst v2;
	v2 =	vld [tilespmem:$0x7D00]  }
0x132: {  	v21 =	vld [tilespmem:s20+$0x3980]  }
0x133: {  	[tilespmem:$0x1F7C0] =	vst v8;
	v16 =	vmul.f32 v30, v16;
	v30 =	vld [tilespmem:$0x1F490]  }
0x134: {  	[tilespmem:$0x1FCD0] =	vst v22;
	v22 =	vld [tilespmem:$0x5D80]  }
0x135: {  	[tilespmem:$0x1FD20] =	vst v20;
	v20 =	vadd.f32 v62, v17;
	v62 =	vld [tilespmem:$0x1F4A0]  }
0x136: {  	[tilespmem:$0x1F700] =	vst v18;
	v18 =	vld [tilespmem:$0x7D80]  }
0x137: {  	[tilespmem:$0x1FD00] =	vst v19;
	v19 =	vld [tilespmem:s20+$0x3A00]  }
0x138: {  	[tilespmem:$0x1F730] =	vst v15;
	v15 =	vld [tilespmem:$0x5E00];
	v17 =	vmul.f32 v30, v17  }
0x139: {  	[tilespmem:$0x1F740] =	vst v16;
	v16 =	vld [tilespmem:$0x7E00]  }
0x13a: {  	v30 =	vld [tilespmem:$0x1F4C0];
	[tilespmem:$0x1F750] =	vst v17;
	v17 =	vadd.f32 v63, v12;
	v12 =	vmul.f32 v62, v12  }
0x13b: {  	[tilespmem:$0x1FB20] =	vst v39;
	v63 =	vld [tilespmem:$0x1F4B0];
	v62 =	vadd.f32 v61, v10;
	v10 =	vmul.f32 v53, v10  }
0x13c: {  	v53 =	vadd.f32 v44, v5;
	v61 =	vld [tilespmem:$0x5F80];
	[tilespmem:$0x1F760] =	vst v12  }
0x13d: {  	v5 =	vmul.f32 v43, v5;
	v12 =	vld [tilespmem:s20+$0x3A80];
	[tilespmem:$0x1F7A0] =	vst v10  }
0x13e: {  	v10 =	vld [tilespmem:s20+$0x3B00];
	[tilespmem:$0x1FE90] =	vst v53  }
0x13f: {  	[tilespmem:$0x1F7E0] =	vst v5;
	v5 =	vadd.f32 v36, v1;
	v1 =	vmul.f32 v35, v1;
	v53 =	vld [tilespmem:$0x1F960]  }
0x140: {  	[tilespmem:$0x1FDF0] =	vst v62;
	v62 =	vadd.f32 v33, v0;
	v33 =	vmul.f32 v2, v28;
	v35 =	vmul.f32 v18, v21;
	v18 =	vld [tilespmem:$0x1F520]  }
0x141: {  	[tilespmem:$0x1FD30] =	vst v20;
	v36 =	vadd.f32 v15, v19;
	v15 =	vld [tilespmem:$0x1FAB0]  }
0x142: {  	[tilespmem:$0x1F840] =	vst v33;
	v33 =	vld [tilespmem:$0x1F570]  }
0x143: {  	v0 =	vmul.f32 v6, v0;
	[tilespmem:$0x1F810] =	vst v1;
	v20 =	vadd.f32 v63, v13;
	v63 =	vadd.f32 v55, v14;
	v55 =	vld [tilespmem:$0x1F4D0]  }
0x144: {  	[tilespmem:$0x1FED0] =	vst v62;
	v13 =	vmul.f32 v30, v13;
	v30 =	vadd.f32 v52, v11;
	v11 =	vmul.f32 v54, v11;
	v54 =	vld [tilespmem:$0x7F00]  }
0x145: {  	[tilespmem:$0x1F820] =	vst v0;
	v52 =	vadd.f32 v46, v7;
	v7 =	vmul.f32 v45, v7;
	v45 =	vld [tilespmem:$0x1F930]  }
0x146: {  	v46 =	vld [tilespmem:$0x1F940];
	[tilespmem:$0x1FDC0] =	vst v20  }
0x147: {  	[tilespmem:$0x1F770] =	vst v13;
	v13 =	vld [tilespmem:$0x5E80]  }
0x148: {  	[tilespmem:$0x1F7B0] =	vst v11;
	v11 =	vld [tilespmem:$0x7F80]  }
0x149: {  	[tilespmem:$0x1FE20] =	vst v52;
	v52 =	vld [tilespmem:$0x1F950]  }
0x14a: {  	[tilespmem:$0x1FE00] =	vst v30;
	v20 =	vadd.f32 v31, v34;
	v30 =	vmul.f32 v29, v34;
	v34 =	vadd.f32 v22, v21;
	v21 =	vld [tilespmem:$0x1F530]  }
0x14b: {  	[tilespmem:$0x1F850] =	vst v35;
	v31 =	vadd.f32 v24, v28;
	v24 =	vld [tilespmem:$0x1F540]  }
0x14c: {  	[tilespmem:$0x1FF70] =	vst v36;
	v28 =	vld [tilespmem:$0x1F550]  }
0x14d: {  	[tilespmem:$0x1F7D0] =	vst v7;
	v29 =	vld [tilespmem:$0x1F560]  }
0x14e: {  	[tilespmem:$0x1F830] =	vst v30;
	v14 =	vmul.f32 v55, v14;
	v43 =	vmul.f32 v54, v10;
	v54 =	vld [tilespmem:$0x1F4F0]  }
0x14f: {  	[tilespmem:$0x1FF60] =	vst v34;
	v55 =	vadd.f32 v42, v4;
	v42 =	vadd.f32 v51, v10;
	v10 =	vld [tilespmem:$0x1F9A0]  }
0x150: {  	v4 =	vmul.f32 v41, v4;
	v51 =	vadd.f32 $1.000000000e+00, v50;
	v50 =	vld [tilespmem:$0x1FA50];
	[tilespmem:$0x1F780] =	vst v14  }
0x151: {  	v14 =	vadd.f32 v59, v9;
	v9 =	vmul.f32 v60, v9;
	[tilespmem:$0x1FEA0] =	vst v55;
	v59 =	vld [tilespmem:s20+$0x3B80]  }
0x152: {  	[tilespmem:$0x1F7F0] =	vst v4;
	v60 =	vadd.f32 v38, v3;
	v3 =	vmul.f32 v37, v3;
	v37 =	vmul.f32 v16, v19;
	v16 =	vld [tilespmem:$0x1F9C0]  }
0x153: {  	vm12 =	vge.f32 v47, v39;
	v49 =	vadd.f32 $1.000000000e+00, v49;
	[tilespmem:$0x1FFB0] =	vst v42;
	v42 =	vld [tilespmem:$0x1F590]  }
0x154: {  	v62 =	vimm.s32 $0x3;
	vm0 =	vge.f32 v45, v46;
	v38 =	vadd.f32 v13, v12;
	[tilespmem:$0x1F880] =	vst v43;
	v13 =	vld [tilespmem:$0x1FAA0]  }
0x155: {  	v36 =	vimm.s32 $0x5;
	v34 =	vadd.f32 $1.000000000e+00, v33;
	vm0 =	vmneg vm0;
	[tilespmem:$0x1F790] =	vst v9;
	v9 =	vld [tilespmem:$0x7E80]  }
0x156: {  	vm1 =	vge.f32 v52, v53;
	v19 =	vadd.f32 $1.000000000e+00, v18;
	v22 =	vadd.f32 $1.000000000e+00, v21;
	[tilespmem:$0x1FEB0] =	vst v60;
	v60 =	vld [tilespmem:$0x1F510]  }
0x157: {  	v30 =	vadd.f32 $1.000000000e+00, v29;
	v55 =	vsel vm1, v52, v53;
	[tilespmem:$0x1FF80] =	vst v38;
	v38 =	vld [tilespmem:$0x1F580];
	v4 =	vadd.f32 $1.000000000e+00, v54  }
0x158: {  	v1 =	vsel vm1, $0x2, v62;
	[tilespmem:$0x1F860] =	vst v37;
	v44 =	vadd.f32 v61, v59;
	v0 =	vmul.f32 v11, v59;
	v59 =	vld [tilespmem:$0x1F500]  }
0x159: {  	v37 =	vimm.s32 $0x7;
	[tilespmem:$0x1F970] =	vst v4;
	v61 =	vimm.s32 $0x0;
	v7 =	vsel vm0, v4, v51;
	v11 =	vld [tilespmem:$0x1F9B0]  }
0x15a: {  	v43 =	vadd.f32 $1.000000000e+00, v42;
	v41 =	vmul.f32 v9, v12;
	[tilespmem:$0x1F890] =	vst v0;
	v0 =	vsel vm0, v46, v45;
	v9 =	vld [tilespmem:$0x1F990]  }
0x15b: {  	vm8 =	vge.f32 v13, v15;
	v4 =	vimm.s32 $0x15;
	[tilespmem:$0x1FFC0] =	vst v44;
	v44 =	vld [tilespmem:$0x1FA20];
	vm2 =	vge.f32 v0, v55  }
0x15c: {  	[tilespmem:$0x1F800] =	vst v3;
	v3 =	vadd.f32 $1.000000000e+00, v60;
	v45 =	vld [tilespmem:$0x1FA30];
	v60 =	vimm.s32 $0xB;
	v35 =	vsel vm2, v0, v55  }
0x15d: {  	v46 =	vld [tilespmem:$0x1FA40];
	[tilespmem:$0x1F870] =	vst v41;
	v0 =	vsel vm0, $0x1, v61;
	v61 =	vadd.f32 $1.000000000e+00, v28;
	v41 =	vadd.f32 $1.000000000e+00, v38  }
0x15e: {  	[tilespmem:$0x1FEE0] =	vst v20;
	v55 =	vimm.s32 $0x9;
	v2 =	vadd.f32 $1.000000000e+00, v59;
	vm14 =	vge.f32 v11, v16  }
0x15f: {  	[tilespmem:$0x1FA70] =	vst v34;
	v18 =	vld [tilespmem:$0x1FAD0];
	v28 =	vimm.s32 $0xF;
	v0 =	vsel vm2, v0, v1;
	v20 =	vsel vm14, v11, v16  }
0x160: {  	[tilespmem:$0x1F980] =	vst v51;
	v21 =	vld [tilespmem:$0x1F5C0];
	v1 =	vsel vm14, $0x6, v37;
	v37 =	vsel vm12, v47, v39;
	v8 =	vsel vm1, v2, v3  }
0x161: {  	v38 =	vld [tilespmem:$0x1F5F0];
	[tilespmem:$0x1F9E0] =	vst v2;
	vm13 =	vge.f32 v9, v10;
	v2 =	vadd.f32 $1.000000000e+00, v24;
	vm3 =	vge.f32 v44, v45  }
0x162: {  	[tilespmem:$0x1F8A0] =	vst v0;
	v11 =	vld [tilespmem:$0x1F5A0];
	vm4 =	vge.f32 v46, v50;
	v24 =	vimm.s32 $0xD;
	v0 =	vsel vm2, v7, v8  }
0x163: {  	[tilespmem:$0x1FA00] =	vst v19;
	v16 =	vld [tilespmem:$0x1FAC0];
	v51 =	vsel vm13, v19, v22;
	v53 =	vsel vm3, v44, v45;
	v54 =	vsel vm4, v46, v50  }
0x164: {  	[tilespmem:$0x1F9F0] =	vst v22;
	v39 =	vld [tilespmem:$0x1F600];
	v59 =	vsel vm3, v30, v34;
	v62 =	vsel vm4, $0xA, v60;
	v44 =	vimm.s32 $0x11  }
0x165: {  	v19 =	vld [tilespmem:$0x1F5B0];
	v45 =	vimm.s32 $0x13;
	v46 =	vadd.f32 $1.000000000e+00, v56;
	[tilespmem:$0x1F8C0] =	vst v0;
	v0 =	vsel vm13, v9, v10  }
0x166: {  	v22 =	vld [tilespmem:$0x1F5D0];
	[tilespmem:$0x1FA10] =	vst v2;
	v52 =	vsel vm14, v2, v61;
	vm7 =	vge.f32 v53, v54;
	v2 =	vadd.f32 $1.000000000e+00, v21  }
0x167: {  	[tilespmem:$0x1FA90] =	vst v43;
	v34 =	vld [tilespmem:$0x1FAF0];
	v9 =	vsel vm4, v41, v43;
	v50 =	vadd.f32 $1.000000000e+00, v38;
	v43 =	vadd.f32 $1.000000000e+00, v57  }
0x168: {  	[tilespmem:$0x1FA80] =	vst v41;
	v41 =	vld [tilespmem:$0x1F620];
	vm15 =	vge.f32 v0, v20;
	v29 =	vsel vm7, v53, v54;
	v10 =	vsel vm7, v59, v9  }
0x169: {  	[tilespmem:$0x1FF50] =	vst v31;
	v53 =	vld [tilespmem:$0x1FB70];
	v31 =	vsel vm15, v0, v20;
	v0 =	vsel vm13, $0x4, v36;
	v12 =	vadd.f32 $1.000000000e+00, v11  }
0x16a: {  	[tilespmem:$0x1F9D0] =	vst v3;
	vm9 =	vge.f32 v16, v18;
	v36 =	vld [tilespmem:$0x1F5E0];
	v11 =	vimm.s32 $0x17;
	v0 =	vsel vm15, v0, v1  }
0x16b: {  	v20 =	vsel vm9, v16, v18;
	v1 =	vsel vm9, $0xE, v28;
	v18 =	vld [tilespmem:$0x1FBB0];
	[tilespmem:$0x1F8B0] =	vst v0;
	v0 =	vsel vm15, v51, v52  }
0x16c: {  	v60 =	vadd.f32 $1.000000000e+00, v19;
	v3 =	vadd.f32 $1.000000000e+00, v22;
	v51 =	vld [tilespmem:$0x1FB50];
	[tilespmem:$0x1F8D0] =	vst v0;
	v0 =	vsel vm3, $0x8, v55  }
0x16d: {  	vm11 =	vge.f32 v34, v40;
	v52 =	vld [tilespmem:$0x1FB60];
	v42 =	vadd.f32 $1.000000000e+00, v41;
	v0 =	vsel vm7, v0, v62  }
0x16e: {  	[tilespmem:$0x1FA60] =	vst v30;
	v22 =	vld [tilespmem:$0x1FBD0];
	v30 =	vsel vm8, v12, v60;
	v33 =	vsel vm9, v2, v3;
	v62 =	vadd.f32 $1.000000000e+00, v39  }
0x16f: {  	v7 =	vld [tilespmem:$0x1F700];
	vm15 =	vge.f32 v53, v48;
	[tilespmem:$0x1F8E0] =	vst v0;
	v0 =	vsel vm8, v13, v15;
	v59 =	vadd.f32 $1.000000000e+00, v36  }
0x170: {  	[tilespmem:$0x1FB00] =	vst v40;
	v16 =	vld [tilespmem:$0x1F630];
	v57 =	vsel vm15, v53, v48;
	v13 =	vsel vm15, $0x16, v11;
	vm10 =	vge.f32 v0, v20  }
0x171: {  	[tilespmem:$0x1F900] =	vst v10;
	v10 =	vld [tilespmem:$0x1F690];
	v15 =	vsel vm15, v46, v49;
	v36 =	vimm.s32 $0x1B;
	v21 =	vsel vm10, v0, v20  }
0x172: {  	[tilespmem:$0x1FB80] =	vst v48;
	v48 =	vld [tilespmem:$0x1FC20];
	v0 =	vsel vm8, $0xC, v24;
	vm14 =	vge.f32 v51, v52;
	v54 =	vsel vm11, v59, v50  }
0x173: {  	[tilespmem:$0x1FBE0] =	vst v32;
	vm8 =	vge.f32 v18, v58;
	vm9 =	vge.f32 v22, v32;
	v24 =	vld [tilespmem:$0x1F640];
	v0 =	vsel vm10, v0, v1  }
0x174: {  	[tilespmem:$0x1FBA0] =	vst v43;
	v1 =	vsel vm12, $0x12, v45;
	v56 =	vsel vm14, v51, v52;
	v28 =	vsel vm9, v22, v32;
	v32 =	vld [tilespmem:$0x1F660]  }
0x175: {  	v9 =	vsel vm14, v42, v43;
	v51 =	vadd.f32 $1.000000000e+00, v16;
	v43 =	vld [tilespmem:$0x1FC10];
	[tilespmem:$0x1F8F0] =	vst v0;
	v0 =	vsel vm10, v30, v33  }
0x176: {  	vm7 =	vge.f32 v56, v57;
	v30 =	vld [tilespmem:$0x1F650];
	v33 =	vimm.s32 $0x19;
	[tilespmem:$0x1F910] =	vst v0;
	v0 =	vsel vm11, v34, v40  }
0x177: {  	[tilespmem:$0x1FBF0] =	vst v49;
	v40 =	vld [tilespmem:$0x1F610];
	v19 =	vsel vm7, v56, v57;
	v41 =	vsel vm7, v9, v15;
	vm13 =	vge.f32 v0, v37  }
0x178: {  	[tilespmem:$0x1FAE0] =	vst v12;
	v12 =	vld [tilespmem:$0x1F6B0];
	v34 =	vsel vm8, $0x18, v33;
	v20 =	vsel vm13, v0, v37;
	v0 =	vsel vm11, $0x10, v44  }
0x179: {  	[tilespmem:$0x1FC00] =	vst v46;
	v11 =	vld [tilespmem:$0x1F6A0];
	v46 =	vadd.f32 $1.000000000e+00, v24;
	v37 =	vsel vm9, $0x1A, v36;
	v0 =	vsel vm13, v0, v1  }
0x17a: {  	v49 =	vld [tilespmem:$0x1FC30];
	v44 =	vadd.f32 $1.000000000e+00, v32;
	vm11 =	vge.f32 v43, v48;
	[tilespmem:$0x1F920] =	vst v0;
	v0 =	vsel vm14, $0x14, v4  }
0x17b: {  	[tilespmem:$0x1FB10] =	vst v47;
	v56 =	vld [tilespmem:$0x1F670];
	v45 =	vadd.f32 $1.000000000e+00, v30;
	v38 =	vsel vm8, v51, v46;
	v57 =	vsel vm11, v43, v48  }
0x17c: {  	[tilespmem:$0x1FB90] =	vst v42;
	v9 =	vld [tilespmem:$0x1F680];
	v47 =	vadd.f32 $1.000000000e+00, v40;
	v42 =	vsel vm7, v0, v13;
	v0 =	vsel vm8, v18, v58  }
0x17d: {  	v36 =	vld [tilespmem:$0x1FC60];
	v18 =	vimm.s32 $0x1D;
	vm10 =	vge.f32 v0, v28;
	v39 =	vsel vm9, v45, v44  }
0x17e: {  	v48 =	vadd.f32 $1.000000000e+00, v11;
	v22 =	vsel vm11, $0x1C, v18;
	v39 =	vsel vm10, v38, v39;
	v38 =	vld [tilespmem:$0x1FC70]  }
0x17f: {  	v55 =	vsel vm12, v62, v47;
	v13 =	vsel vm10, v0, v28;
	v40 =	vsel vm10, v34, v37;
	v34 =	vld [tilespmem:$0x1FC50]  }
0x180: {  	[tilespmem:$0x1FBC0] =	vst v58;
	v16 =	vld [tilespmem:$0x1F6C0];
	vm12 =	vge.f32 v49, v27;
	v52 =	vsel vm13, v54, v55;
	v55 =	vadd.f32 $1.000000000e+00, v56  }
0x181: {  	[tilespmem:$0x1FC40] =	vst v27;
	v30 =	vld [tilespmem:$0x1F6D0];
	v58 =	vsel vm12, v49, v27;
	v49 =	vadd.f32 $1.000000000e+00, v9;
	v27 =	vimm.s32 $0x1F  }
0x182: {  	v18 =	vld [tilespmem:$0x1F6E0];
	v54 =	vadd.f32 $1.000000000e+00, v10;
	vm13 =	vge.f32 v57, v58;
	v28 =	vsel vm12, $0x1E, v27  }
0x183: {  	v27 =	vld [tilespmem:$0x1FD00];
	v24 =	vsel vm13, v57, v58;
	v43 =	vsel vm11, v55, v49;
	vm15 =	vge.f32 v38, v26  }
0x184: {  	v53 =	vsel vm12, v54, v48;
	vm14 =	vge.f32 v34, v36;
	v57 =	vsel vm15, v38, v26;
	v38 =	vld [tilespmem:$0x1FCD0]  }
0x185: {  	v56 =	vsel vm14, v34, v36;
	v36 =	vsel vm13, v43, v53;
	v43 =	vld [tilespmem:$0x1FCC0]  }
0x186: {  	v15 =	vadd.f32 $1.000000000e+00, v12;
	v33 =	vadd.f32 $1.000000000e+00, v25;
	v53 =	vld [tilespmem:$0x1FCF0]  }
0x187: {  	v12 =	vimm.s32 $0x23;
	v58 =	vadd.f32 $1.000000000e+00, v16;
	v37 =	vsel vm13, v22, v28;
	v28 =	vld [tilespmem:$0x1FD10]  }
0x188: {  	v9 =	vimm.s32 $0x21;
	v32 =	vadd.f32 $1.000000000e+00, v30;
	v22 =	vadd.f32 $1.000000000e+00, v18;
	v18 =	vld [tilespmem:$0x1F760]  }
0x189: {  	v10 =	vsel vm14, $0x20, v9;
	v11 =	vsel vm14, v15, v58;
	v9 =	vld [tilespmem:$0x1F710];
	vm5 =	vge.f32 v56, v57  }
0x18a: {  	[tilespmem:$0x1FCA0] =	vst v32;
	v16 =	vsel vm15, v32, v33;
	v32 =	vsel vm5, v56, v57;
	v56 =	vld [tilespmem:$0x1F6F0];
	vm6 =	vge.f32 v43, v38  }
0x18b: {  	[tilespmem:$0x1FC90] =	vst v15;
	v15 =	vsel vm15, $0x22, v12;
	vm7 =	vge.f32 v23, v53;
	v57 =	vsel vm6, v43, v38;
	v38 =	vld [tilespmem:$0x1FD30]  }
0x18c: {  	[tilespmem:$0x1FB40] =	vst v2;
	v8 =	vadd.f32 $1.000000000e+00, v7;
	v34 =	vsel vm5, v10, v15;
	v6 =	vsel vm7, v23, v53;
	v53 =	vld [tilespmem:$0x1FD20]  }
0x18d: {  	[tilespmem:$0x1FCB0] =	vst v33;
	v33 =	vsel vm5, v11, v16;
	v15 =	vimm.s32 $0x27;
	v2 =	vadd.f32 $1.000000000e+00, v18;
	v18 =	vld [tilespmem:$0x1F790]  }
0x18e: {  	v11 =	vimm.s32 $0x25;
	v10 =	vadd.f32 $1.000000000e+00, v9;
	v16 =	vsel vm7, $0x26, v15;
	v15 =	vld [tilespmem:$0x1F740]  }
0x18f: {  	[tilespmem:$0x1FC80] =	vst v26;
	v12 =	vsel vm6, $0x24, v11;
	v4 =	vadd.f32 $1.000000000e+00, v56;
	vm8 =	vge.f32 v57, v6;
	v56 =	vld [tilespmem:$0x1F720]  }
0x190: {  	[tilespmem:$0x1FCE0] =	vst v23;
	vm9 =	vge.f32 v27, v28;
	v23 =	vsel vm7, v8, v10;
	v30 =	vsel vm8, v12, v16;
	v12 =	vld [tilespmem:$0x1F730]  }
0x191: {  	[tilespmem:$0x1FD50] =	vst v22;
	v26 =	vsel vm8, v57, v6;
	v16 =	vld [tilespmem:$0x1F750];
	v22 =	vsel vm6, v22, v4;
	vm10 =	vge.f32 v53, v38  }
0x192: {  	v57 =	vsel vm9, v27, v28;
	[tilespmem:$0x1FD40] =	vst v4;
	v43 =	vsel vm8, v22, v23;
	v22 =	vld [tilespmem:$0x1F770];
	v4 =	vsel vm10, v53, v38  }
0x193: {  	v1 =	vadd.f32 $1.000000000e+00, v15;
	v15 =	vld [tilespmem:$0x1F780];
	vm11 =	vge.f32 v57, v4  }
0x194: {  	[tilespmem:$0x1FDD0] =	vst v63;
	vm13 =	vge.f32 v63, v14;
	v9 =	vimm.s32 $0x29;
	v27 =	vsel vm11, v57, v4;
	v57 =	vld [tilespmem:$0x1FDC0]  }
0x195: {  	v63 =	vsel vm13, v63, v14;
	v11 =	vimm.s32 $0x2B;
	[tilespmem:$0x1FD60] =	vst v10;
	v10 =	vsel vm9, $0x28, v9  }
0x196: {  	[tilespmem:$0x1FD70] =	vst v8;
	v7 =	vadd.f32 $1.000000000e+00, v56;
	v8 =	vadd.f32 $1.000000000e+00, v12;
	v12 =	vsel vm10, $0x2A, v11  }
0x197: {  	v56 =	vadd.f32 $1.000000000e+00, v16;
	v11 =	vimm.s32 $0x2D;
	v28 =	vsel vm11, v10, v12  }
0x198: {  	v53 =	vld [tilespmem:$0x1F7D0];
	[tilespmem:$0x1FD80] =	vst v8;
	v23 =	vadd.f32 $1.000000000e+00, v22;
	v22 =	vadd.f32 $1.000000000e+00, v18;
	v8 =	vsel vm9, v7, v8  }
0x199: {  	[tilespmem:$0x1FDE0] =	vst v14;
	v9 =	vsel vm10, v1, v56;
	v18 =	vld [tilespmem:$0x1F7C0];
	v16 =	vadd.f32 $1.000000000e+00, v15;
	vm12 =	vge.f32 v17, v57  }
0x19a: {  	[tilespmem:$0x1FD90] =	vst v7;
	v25 =	vsel vm11, v8, v9;
	v8 =	vld [tilespmem:$0x1F7A0];
	v10 =	vsel vm12, v17, v57;
	v12 =	vsel vm12, $0x2C, v11  }
0x19b: {  	[tilespmem:$0x1FE40] =	vst v23;
	v14 =	vsel vm12, v2, v23;
	v23 =	vimm.s32 $0x2F;
	v11 =	vld [tilespmem:$0x1FDF0];
	vm14 =	vge.f32 v10, v63  }
0x19c: {  	[tilespmem:$0x1FE50] =	vst v16;
	v7 =	vsel vm13, v16, v22;
	v0 =	vsel vm13, $0x2E, v23;
	v16 =	vsel vm14, v10, v63;
	v10 =	vld [tilespmem:$0x1FE00]  }
0x19d: {  	v23 =	vsel vm14, v12, v0;
	v12 =	vld [tilespmem:$0x1FE10]  }
0x19e: {  	[tilespmem:$0x1FE60] =	vst v22;
	v22 =	vsel vm14, v14, v7;
	v14 =	vld [tilespmem:$0x1FE20]  }
0x19f: {  	v15 =	vld [tilespmem:$0x1F7B0];
	_ =	sdelay $0x2  }
0x1a0: {  	[tilespmem:$0x1FE30] =	vst v2;
	v2 =	vadd.f32 $1.000000000e+00, v18;
	v57 =	vimm.s32 $0x31;
	vm15 =	vge.f32 v11, v10  }
0x1a1: {  	[tilespmem:$0x1FDA0] =	vst v1;
	v9 =	vadd.f32 $1.000000000e+00, v8;
	vm4 =	vge.f32 v12, v14;
	v1 =	vsel vm15, v11, v10;
	v11 =	vld [tilespmem:$0x1F7E0]  }
0x1a2: {  	[tilespmem:$0x1FDB0] =	vst v17;
	v38 =	vadd.f32 $1.000000000e+00, v15;
	v63 =	vadd.f32 $1.000000000e+00, v53;
	v17 =	vsel vm4, v12, v14;
	v12 =	vld [tilespmem:$0x1F7F0]  }
0x1a3: {  	v4 =	vsel vm15, $0x30, v57;
	v14 =	vld [tilespmem:$0x1F800]  }
0x1a4: {  	[tilespmem:$0x1FE70] =	vst v9;
	v9 =	vsel vm15, v9, v38;
	v10 =	vsel vm4, v2, v63;
	v57 =	vld [tilespmem:$0x1FEA0];
	vm5 =	vge.f32 v1, v17  }
0x1a5: {  	v53 =	vsel vm5, v9, v10;
	v9 =	vld [tilespmem:$0x1FEB0]  }
0x1a6: {  	v15 =	vsel vm5, v1, v17;
	v17 =	vld [tilespmem:$0x1FE90]  }
0x1a7: {  	v7 =	vimm.s32 $0x33;
	v10 =	vld [tilespmem:$0x1F810]  }
0x1a8: {  	v0 =	vld [tilespmem:$0x1FEE0];
	v8 =	vsel vm4, $0x32, v7  }
0x1a9: {  	[tilespmem:$0x1FE80] =	vst v2;
	v2 =	vld [tilespmem:$0x1FED0];
	v18 =	vsel vm5, v4, v8  }
0x1aa: {  	[tilespmem:$0x1FB30] =	vst v3;
	v8 =	vld [tilespmem:$0x1F820];
	v3 =	vadd.f32 $1.000000000e+00, v11;
	v6 =	vadd.f32 $1.000000000e+00, v12;
	vm7 =	vge.f32 v9, v5  }
0x1ab: {  	[tilespmem:$0x1FEC0] =	vst v5;
	vm6 =	vge.f32 v17, v57;
	v12 =	vsel vm7, v9, v5;
	v9 =	vld [tilespmem:$0x1F830]  }
0x1ac: {  	v4 =	vadd.f32 $1.000000000e+00, v14;
	[tilespmem:$0x1FEF0] =	vst v6;
	v7 =	vadd.f32 $1.000000000e+00, v10;
	v10 =	vsel vm6, v3, v6;
	v6 =	vld [tilespmem:$0x1F850]  }
0x1ad: {  	[tilespmem:$0x1FF00] =	vst v3;
	v5 =	vimm.s32 $0x37;
	v3 =	vld [tilespmem:$0x1FF60]  }
0x1ae: {  	v14 =	vimm.s32 $0x35;
	[tilespmem:$0x1FF20] =	vst v4;
	v11 =	vsel vm6, v17, v57;
	v1 =	vsel vm7, $0x36, v5;
	v5 =	vld [tilespmem:$0x1F840]  }
0x1af: {  	v17 =	vsel vm6, $0x34, v14;
	[tilespmem:$0x1FF10] =	vst v7;
	vm8 =	vge.f32 v11, v12;
	v4 =	vsel vm7, v4, v7;
	v7 =	vld [tilespmem:$0x1FFB0]  }
0x1b0: {  	v17 =	vsel vm8, v17, v1;
	v1 =	vld [tilespmem:$0x1FF50]  }
0x1b1: {  	v57 =	vsel vm8, v10, v4;
	v4 =	vld [tilespmem:$0x1FFC0]  }
0x1b2: {  	v14 =	vsel vm8, v11, v12;
	v11 =	vadd.f32 $1.000000000e+00, v9;
	v9 =	vadd.f32 $1.000000000e+00, v6;
	v6 =	vld [tilespmem:$0x1FF80]  }
0x1b3: {  	v10 =	vadd.f32 $1.000000000e+00, v5;
	v5 =	vld [tilespmem:$0x1FF70]  }
0x1b4: {  	vm13 =	vge.f32 v13, v24  }
0x1b5: {  	vm12 =	vge.f32 v35, v31;
	v24 =	vsel vm13, v13, v24;
	vm9 =	vge.f32 v2, v0  }
0x1b6: {  	vm6 =	vge.f32 v27, v16;
	v12 =	vadd.f32 $1.000000000e+00, v8;
	v8 =	vsel vm9, v2, v0  }
0x1b7: {  	v13 =	vld [tilespmem:$0x1F890];
	vm14 =	vge.f32 v15, v14;
	vm10 =	vge.f32 v1, v3;
	vm0 =	vge.f32 v7, v4  }
0x1b8: {  	v2 =	vsel vm10, v1, v3;
	v1 =	vsel vm0, v7, v4;
	vm1 =	vge.f32 v5, v6  }
0x1b9: {  	[tilespmem:$0x1FF30] =	vst v12;
	v7 =	vimm.s32 $0x39;
	vm5 =	vge.f32 v8, v2;
	v3 =	vsel vm1, v5, v6  }
0x1ba: {  	[tilespmem:$0x1FF40] =	vst v11;
	v6 =	vsel vm5, v8, v2;
	v5 =	vsel vm9, $0x38, v7;
	v8 =	vsel vm9, v12, v11  }
0x1bb: {  	[tilespmem:$0x1FFA0] =	vst v9;
	v11 =	vimm.s32 $0x3B;
	v12 =	vsel vm10, v10, v9;
	vm9 =	vge.f32 v29, v21;
	v9 =	vld [tilespmem:$0x1F860]  }
0x1bc: {  	[tilespmem:$0x1FF90] =	vst v10;
	v2 =	vsel vm12, v35, v31;
	v31 =	vsel vm14, v15, v14;
	v10 =	vld [tilespmem:$0x1F870];
	v14 =	vadd.f32 $1.000000000e+00, v13  }
0x1bd: {  	v13 =	vld [tilespmem:$0x1F990];
	vm2 =	vge.f32 v3, v1;
	v0 =	vsel vm10, $0x3A, v11;
	v4 =	vsel vm5, v8, v12  }
0x1be: {  	v35 =	vsel vm9, v29, v21;
	vm10 =	vge.f32 v32, v26;
	v29 =	vsel vm6, v27, v16;
	v11 =	vld [tilespmem:$0x1F880]  }
0x1bf: {  	v27 =	vld [tilespmem:$0x1F8E0];
	v0 =	vsel vm5, v5, v0;
	vm5 =	vge.f32 v20, v19;
	v26 =	vsel vm10, v32, v26  }
0x1c0: {  	vm7 =	vge.f32 v2, v35;
	v21 =	vsel vm5, v20, v19;
	vm3 =	vge.f32 v26, v29;
	v20 =	vld [tilespmem:$0x1F8A0]  }
0x1c1: {  	v1 =	vsel vm2, v3, v1;
	v32 =	vsel vm7, v2, v35;
	v35 =	vsel vm3, v26, v29;
	v26 =	vld [tilespmem:$0x1F8D0]  }
0x1c2: {  	v15 =	vimm.s32 $0x3D;
	vm11 =	vge.f32 v6, v1;
	v29 =	vld [tilespmem:$0x1F8F0]  }
0x1c3: {  	v19 =	vimm.s32 $0x3F;
	v1 =	vsel vm11, v6, v1;
	v6 =	vsel vm1, $0x3C, v15;
	v15 =	vld [tilespmem:$0x1F9B0]  }
0x1c4: {  	vm8 =	vge.f32 v21, v24;
	v8 =	vsel vm0, $0x3E, v19;
	v19 =	vld [tilespmem:$0x1F9F0]  }
0x1c5: {  	v5 =	vsel vm8, v21, v24;
	v21 =	vld [tilespmem:$0x1F8B0]  }
0x1c6: {  	v24 =	vld [tilespmem:$0x1F8C0]  }
0x1c7: {  	vm4 =	vge.f32 v31, v1;
	v2 =	vadd.f32 $1.000000000e+00, v9;
	v3 =	vadd.f32 $1.000000000e+00, v10;
	v10 =	vld [tilespmem:$0x1F960]  }
0x1c8: {  	v1 =	vsel vm4, v31, v1;
	vm15 =	vge.f32 v32, v5;
	v12 =	vadd.f32 $1.000000000e+00, v11;
	v31 =	vld [tilespmem:$0x1F900]  }
0x1c9: {  	v5 =	vsel vm15, v32, v5;
	v16 =	vsel vm1, v2, v3;
	vm1 =	vge.f32 v35, v1;
	v32 =	vld [tilespmem:$0x1F910]  }
0x1ca: {  	v1 =	vsel vm1, v35, v1;
	v35 =	vld [tilespmem:$0x1F920]  }
0x1cb: {  	[tilespmem:$0x1FFE0] =	vst v12;
	v9 =	vsel vm0, v12, v14;
	v12 =	vld [tilespmem:$0x1F980]  }
0x1cc: {  	[tilespmem:$0x1FFD0] =	vst v14;
	v14 =	vld [tilespmem:$0x1F9A0];
	vm0 =	vge.f32 v5, v1  }
0x1cd: {  	v1 =	vsel vm2, v6, v8;
	v8 =	vsel vm9, v27, v29;
	v27 =	vsel vm10, v33, v43;
	v43 =	vld [tilespmem:$0x1F940]  }
0x1ce: {  	v5 =	vsel vm2, v16, v9;
	v16 =	vld [tilespmem:$0x1F9C0]  }
0x1cf: {  	v41 =	vsel vm5, v52, v41;
	v29 =	vsel vm6, v28, v23;
	v23 =	vld [tilespmem:$0x1FA30]  }
0x1d0: {  	v52 =	vimm.s32 $0x0;
	v28 =	vld [tilespmem:$0x1FA60];
	v6 =	vsel vm12, v20, v21;
	v7 =	vsel vm12, v24, v26  }
0x1d1: {  	v24 =	vsel vm13, v39, v36;
	v26 =	vsel vm10, v34, v30;
	v30 =	vsel vm6, v25, v22;
	v20 =	vld [tilespmem:$0x1FA00]  }
0x1d2: {  	v0 =	vsel vm11, v0, v1;
	v33 =	vsel vm11, v4, v5;
	v21 =	vld [tilespmem:$0x1FA10];
	v34 =	vsel vm7, v6, v8  }
0x1d3: {  	v22 =	vld [tilespmem:$0x1FA20];
	v39 =	vsel vm8, v41, v24;
	v9 =	vsel vm9, v31, v32;
	v31 =	vsel vm14, v18, v17  }
0x1d4: {  	v24 =	vld [tilespmem:$0x1FA40];
	v32 =	vsel vm14, v53, v57;
	v57 =	vimm.s32 $0x5;
	v11 =	vsel vm5, v35, v42  }
0x1d5: {  	v17 =	vld [tilespmem:$0x1F9D0];
	v42 =	vsel vm13, v40, v37;
	v35 =	vsel vm7, v7, v9;
	v37 =	vsel vm3, v26, v29  }
0x1d6: {  	v18 =	vld [tilespmem:$0x1F9E0];
	v0 =	vsel vm4, v31, v0;
	v40 =	vsel vm3, v27, v30;
	v36 =	vsel vm8, v11, v42  }
0x1d7: {  	v1 =	vsel vm4, v32, v33;
	v9 =	vld [tilespmem:$0x1F950];
	v0 =	vsel vm1, v37, v0;
	v4 =	vsel vm15, v34, v36  }
0x1d8: {  	v26 =	vld [tilespmem:$0x1FA50];
	v41 =	vsel vm15, v35, v39;
	v1 =	vsel vm1, v40, v1;
	v0 =	vsel vm0, v4, v0  }
0x1d9: {  	v29 =	vld [tilespmem:$0x1FA70];
	v1 =	vsel vm0, v41, v1;
	vm11 =	veq.s32 v0, $0x0;
	vm12 =	veq.s32 v0, $0x1  }
0x1da: {  	v42 =	vld [tilespmem:$0x1F930];
	vm14 =	veq.s32 v0, $0x2;
	vm15 =	veq.s32 v0, $0x3;
	vm4 =	veq.s32 v0, $0x4  }
0x1db: {  	v30 =	vld [tilespmem:$0x1FA80];
	vm5 =	veq.s32 v0, $0x5;
	vm7 =	veq.s32 v0, $0x6;
	vm8 =	veq.s32 v0, $0x7  }
0x1dc: {  	v41 =	vld [tilespmem:$0x1FB20];
	vm9 =	veq.s32 v0, $0x8;
	vm10 =	veq.s32 v0, $0x9;
	v6 =	vsel vm12, $0xFF800000, v43  }
0x1dd: {  	v11 =	vld [tilespmem:$0x1F970];
	v4 =	vsel vm14, $0xFF800000, v9;
	v7 =	vsel vm7, $0xFF800000, v15;
	v9 =	vsel vm8, $0xFF800000, v16  }
0x1de: {  	v31 =	vld [tilespmem:$0x1FA90];
	vm12 =	veq.s32 v0, $0xA;
	vm7 =	veq.s32 v0, $0xE;
	vm8 =	veq.s32 v0, $0x13  }
0x1df: {  	v32 =	vld [tilespmem:$0x1FAA0];
	v5 =	vsel vm11, $0xFF800000, v42;
	vm14 =	vge.f32 v7, v9;
	v25 =	vsel vm12, $0xFF800000, v24  }
0x1e0: {  	v33 =	vld [tilespmem:$0x1FAB0];
	vm13 =	vge.f32 v5, v6;
	v9 =	vsel vm14, v7, v9;
	v7 =	vsel vm10, $0xFF800000, v23  }
0x1e1: {  	v35 =	vld [tilespmem:$0x1FAD0];
	v15 =	vsel vm8, $0xFF800000, v41;
	vm6 =	vmneg vm13;
	vm13 =	veq.s32 v0, $0xB  }
0x1e2: {  	v37 =	vld [tilespmem:$0x1FAF0];
	[tilespmem:$0x1FFF0] =	vst v1;
	v1 =	vsel vm6, v6, v5;
	v5 =	vsel vm15, $0xFF800000, v10;
	v8 =	vsel vm6, v11, v12  }
0x1e3: {  	v39 =	vld [tilespmem:$0x1FB00];
	v6 =	vsel vm5, $0xFF800000, v14;
	v27 =	vsel vm13, $0xFF800000, v26;
	vm5 =	veq.s32 v0, $0xD  }
0x1e4: {  	v40 =	vld [tilespmem:$0x1FB10];
	vm13 =	veq.s32 v0, $0xF;
	vm11 =	vge.f32 v4, v5;
	vm12 =	vge.f32 v25, v27  }
0x1e5: {  	v34 =	vld [tilespmem:$0x1FAC0];
	v4 =	vsel vm11, v4, v5;
	v5 =	vsel vm4, $0xFF800000, v13;
	v11 =	vsel vm11, v18, v17  }
0x1e6: {  	v36 =	vld [tilespmem:$0x1FAE0];
	v13 =	vsel vm14, v21, v61;
	vm4 =	veq.s32 v0, $0xC;
	vm15 =	vge.f32 v5, v6  }
0x1e7: {  	v43 =	vld [tilespmem:$0x1FB40];
	v5 =	vsel vm15, v5, v6;
	v12 =	vsel vm15, v20, v19;
	v6 =	vsel vm9, $0xFF800000, v22  }
0x1e8: {  	v42 =	vld [tilespmem:$0x1FB30];
	v19 =	vsel vm12, v25, v27;
	v20 =	vsel vm12, v30, v31;
	vm10 =	vge.f32 v6, v7  }
0x1e9: {  	v26 =	vld [tilespmem:$0x1FBC0];
	v16 =	vsel vm10, v6, v7;
	v6 =	vsel vm4, $0xFF800000, v32;
	v7 =	vsel vm5, $0xFF800000, v33  }
0x1ea: {  	v61 =	vld [tilespmem:$0x1FB70];
	v10 =	vsel vm10, v28, v29;
	vm4 =	veq.s32 v0, $0x10;
	vm9 =	vge.f32 v6, v7  }
0x1eb: {  	v17 =	vld [tilespmem:$0x1FB90];
	v22 =	vsel vm9, v6, v7;
	v6 =	vsel vm7, $0xFF800000, v34;
	v7 =	vsel vm13, $0xFF800000, v35  }
0x1ec: {  	v25 =	vld [tilespmem:$0x1FBB0];
	vm5 =	veq.s32 v0, $0x11;
	vm7 =	veq.s32 v0, $0x12;
	vm13 =	vge.f32 v6, v7  }
0x1ed: {  	v29 =	vld [tilespmem:$0x1FBD0];
	v28 =	vsel vm9, v36, v60;
	v14 =	vsel vm7, $0xFF800000, v40;
	v30 =	vsel vm13, v6, v7  }
0x1ee: {  	v60 =	vld [tilespmem:$0x1FB60];
	v6 =	vsel vm4, $0xFF800000, v37;
	v7 =	vsel vm5, $0xFF800000, v39;
	vm2 =	vge.f32 v14, v15  }
0x1ef: {  	v53 =	vimm.s32 $0x3;
	vm3 =	vge.f32 v6, v7;
	v23 =	vsel vm2, v62, v47;
	v62 =	vld [tilespmem:$0x1FB80]  }
0x1f0: {  	vm0 =	veq.s32 v0, $0x18;
	vm1 =	veq.s32 v0, $0x1A;
	v21 =	vsel vm3, v59, v50;
	v59 =	vld [tilespmem:$0x1FB50]  }
0x1f1: {  	vm8 =	veq.s32 v0, $0x17;
	v35 =	vld [tilespmem:$0x1FBE0];
	vm7 =	veq.s32 v0, $0x16;
	v34 =	vsel vm13, v43, v42  }
0x1f2: {  	vm4 =	veq.s32 v0, $0x14;
	vm5 =	veq.s32 v0, $0x15;
	v37 =	vld [tilespmem:$0x1FBF0];
	v27 =	vsel vm2, v14, v15  }
0x1f3: {  	v39 =	vld [tilespmem:$0x1FC00];
	v14 =	vsel vm7, $0xFF800000, v61;
	v31 =	vsel vm1, $0xFF800000, v29;
	vm7 =	veq.s32 v0, $0x1D  }
0x1f4: {  	v18 =	vld [tilespmem:$0x1FBA0];
	v24 =	vsel vm3, v6, v7;
	v7 =	vsel vm5, $0xFF800000, v60;
	v15 =	vsel vm8, $0xFF800000, v62  }
0x1f5: {  	v40 =	vld [tilespmem:$0x1FC10];
	v6 =	vsel vm4, $0xFF800000, v59;
	vm5 =	vge.f32 v14, v15;
	vm4 =	veq.s32 v0, $0x1B  }
0x1f6: {  	v43 =	vld [tilespmem:$0x1FC20];
	vm8 =	vge.f32 v6, v7;
	v42 =	vsel vm5, v14, v15;
	v36 =	vsel vm4, $0xFF800000, v35  }
0x1f7: {  	v61 =	vld [tilespmem:$0x1FC50];
	v33 =	vsel vm8, v6, v7;
	v6 =	vsel vm0, $0xFF800000, v25;
	vm0 =	veq.s32 v0, $0x19  }
0x1f8: {  	v50 =	vld [tilespmem:$0x1FC70];
	v35 =	vsel vm5, v39, v37;
	vm4 =	veq.s32 v0, $0x1C;
	v7 =	vsel vm0, $0xFF800000, v26  }
0x1f9: {  	v59 =	vld [tilespmem:$0x1FC80];
	v41 =	vsel vm8, v17, v18;
	vm0 =	vge.f32 v31, v36;
	vm1 =	vge.f32 v6, v7  }
0x1fa: {  	v17 =	vsel vm0, v31, v36;
	v15 =	vsel vm0, v45, v44;
	v44 =	vld [tilespmem:$0x1FC30];
	v18 =	vsel vm1, v6, v7  }
0x1fb: {  	v14 =	vsel vm1, v51, v46;
	v7 =	vsel vm7, $0xFF800000, v43;
	vm7 =	veq.s32 v0, $0x20;
	v46 =	vld [tilespmem:$0x1FC40]  }
0x1fc: {  	v62 =	vld [tilespmem:$0x1FC60];
	v6 =	vsel vm4, $0xFF800000, v40;
	v36 =	vsel vm7, $0xFF800000, v61;
	vm7 =	veq.s32 v0, $0x22  }
0x1fd: {  	vm4 =	veq.s32 v0, $0x1E;
	v51 =	vsel vm7, $0xFF800000, v50;
	vm7 =	veq.s32 v0, $0x23  }
0x1fe: {  	v61 =	vsel vm6, $0x1, v52;
	v50 =	vimm.s32 $0xB;
	v60 =	vsel vm7, $0xFF800000, v59  }
0x1ff: {  	v59 =	vimm.s32 $0x9;
	v45 =	vsel vm4, $0xFF800000, v44;
	vm4 =	veq.s32 v0, $0x1F  }
0x200: {  	v39 =	vld [tilespmem:$0x1FCE0];
	v59 =	vsel vm10, $0x8, v59;
	v47 =	vsel vm4, $0xFF800000, v46;
	vm4 =	veq.s32 v0, $0x21  }
0x201: {  	v40 =	vld [tilespmem:$0x1FCF0];
	v25 =	vsel vm4, $0xFF800000, v62;
	vm4 =	vge.f32 v6, v7;
	vm7 =	vge.f32 v45, v47  }
0x202: {  	v46 =	vld [tilespmem:$0x1FC90];
	v62 =	vsel vm11, $0x2, v53;
	vm11 =	vge.f32 v1, v4;
	v32 =	vsel vm4, v6, v7  }
0x203: {  	v31 =	vsel vm4, v55, v49;
	v43 =	vsel vm7, v45, v47;
	v6 =	vsel vm11, v61, v62;
	v61 =	vld [tilespmem:$0x1FCA0]  }
0x204: {  	v29 =	vsel vm7, v54, v48;
	vm6 =	vge.f32 v36, v25;
	v7 =	vsel vm11, v1, v4;
	v62 =	vld [tilespmem:$0x1FCB0]  }
0x205: {  	v1 =	vsel vm11, v8, v11;
	v47 =	vsel vm15, $0x4, v57;
	vm15 =	vge.f32 v5, v9;
	v45 =	vld [tilespmem:$0x1FD00]  }
0x206: {  	vm11 =	vge.f32 v51, v60;
	v8 =	vsel vm15, v5, v9;
	v5 =	vsel vm15, v12, v13;
	v13 =	vld [tilespmem:$0x1FCC0]  }
0x207: {  	v44 =	vsel vm6, v36, v25;
	v36 =	vsel vm11, v51, v60;
	v60 =	vimm.s32 $0x7;
	v25 =	vld [tilespmem:$0x1FCD0]  }
0x208: {  	v11 =	vsel vm14, $0x6, v60;
	v60 =	vsel vm12, $0xA, v50;
	v26 =	vsel vm6, v46, v58;
	v46 =	vld [tilespmem:$0x1FD10]  }
0x209: {  	v48 =	vld [tilespmem:$0x1FD30];
	vm12 =	vge.f32 v16, v19;
	v4 =	vsel vm15, v47, v11;
	vm15 =	veq.s32 v0, $0x26  }
0x20a: {  	vm14 =	veq.s32 v0, $0x24;
	v47 =	vld [tilespmem:$0x1FD20];
	v10 =	vsel vm12, v10, v20;
	v12 =	vsel vm15, $0xFF800000, v39  }
0x20b: {  	v37 =	vsel vm11, v61, v62;
	v61 =	vld [tilespmem:$0x1FD60];
	v9 =	vsel vm14, $0xFF800000, v13;
	vm14 =	veq.s32 v0, $0x25  }
0x20c: {  	vm15 =	veq.s32 v0, $0x29;
	v62 =	vld [tilespmem:$0x1FD70];
	v11 =	vsel vm14, $0xFF800000, v25;
	vm14 =	veq.s32 v0, $0x27  }
0x20d: {  	v54 =	vld [tilespmem:$0x1FD40];
	v13 =	vsel vm14, $0xFF800000, v40;
	vm14 =	veq.s32 v0, $0x28;
	v40 =	vsel vm15, $0xFF800000, v46  }
0x20e: {  	v50 =	vld [tilespmem:$0x1FDA0];
	vm15 =	veq.s32 v0, $0x2B;
	v39 =	vsel vm14, $0xFF800000, v45;
	vm14 =	veq.s32 v0, $0x2A  }
0x20f: {  	v58 =	vld [tilespmem:$0x1FD50];
	v53 =	vsel vm15, $0xFF800000, v48;
	vm15 =	vge.f32 v12, v13;
	v45 =	vsel vm14, $0xFF800000, v47  }
0x210: {  	v25 =	vld [tilespmem:$0x1FD80];
	vm14 =	vge.f32 v9, v11;
	v48 =	vsel vm15, v12, v13;
	vm10 =	vge.f32 v39, v40  }
0x211: {  	v49 =	vsel vm15, v62, v61;
	v13 =	vsel vm12, v16, v19;
	v61 =	vld [tilespmem:$0x1FE10];
	v46 =	vsel vm14, v9, v11  }
0x212: {  	v39 =	vsel vm10, v39, v40;
	v9 =	vsel vm12, v59, v60;
	vm12 =	vge.f32 v45, v53;
	v40 =	vld [tilespmem:$0x1FD90]  }
0x213: {  	v45 =	vsel vm12, v45, v53;
	v53 =	vld [tilespmem:$0x1FDB0]  }
0x214: {  	v52 =	vimm.s32 $0xF;
	v47 =	vsel vm14, v58, v54;
	v54 =	vld [tilespmem:$0x1FDC0]  }
0x215: {  	v52 =	vsel vm13, $0xE, v52;
	vm13 =	veq.s32 v0, $0x2C;
	v51 =	vimm.s32 $0xD;
	v58 =	vld [tilespmem:$0x1FDE0]  }
0x216: {  	v57 =	vimm.s32 $0x13;
	v55 =	vimm.s32 $0x11;
	v51 =	vsel vm9, $0xC, v51;
	v59 =	vld [tilespmem:$0x1FDF0]  }
0x217: {  	vm9 =	vge.f32 v22, v30;
	v40 =	vsel vm10, v40, v25;
	v25 =	vsel vm12, v50, v56;
	v56 =	vld [tilespmem:$0x1FDD0]  }
0x218: {  	v16 =	vsel vm9, v22, v30;
	v60 =	vld [tilespmem:$0x1FE00];
	v19 =	vsel vm13, $0xFF800000, v53;
	vm13 =	veq.s32 v0, $0x2D  }
0x219: {  	v12 =	vsel vm9, v28, v34;
	v62 =	vld [tilespmem:$0x1FE20];
	v20 =	vsel vm13, $0xFF800000, v54;
	vm13 =	veq.s32 v0, $0x2F  }
0x21a: {  	v11 =	vsel vm9, v51, v52;
	v28 =	vsel vm13, $0xFF800000, v58;
	vm13 =	veq.s32 v0, $0x30  }
0x21b: {  	vm9 =	veq.s32 v0, $0x2E;
	v53 =	vld [tilespmem:$0x1FE30];
	v30 =	vsel vm13, $0xFF800000, v59;
	vm13 =	veq.s32 v0, $0x32  }
0x21c: {  	v54 =	vld [tilespmem:$0x1FE40];
	v22 =	vsel vm9, $0xFF800000, v56;
	vm9 =	veq.s32 v0, $0x31;
	v50 =	vsel vm13, $0xFF800000, v61  }
0x21d: {  	v59 =	vld [tilespmem:$0x1FE70];
	vm13 =	veq.s32 v0, $0x33;
	v61 =	vimm.s32 $0x15;
	v34 =	vsel vm9, $0xFF800000, v60  }
0x21e: {  	v58 =	vld [tilespmem:$0x1FE60];
	v51 =	vsel vm13, $0xFF800000, v62;
	vm13 =	vge.f32 v19, v20;
	vm9 =	vge.f32 v22, v28  }
0x21f: {  	v56 =	vld [tilespmem:$0x1FE50];
	v60 =	vimm.s32 $0x17;
	v52 =	vsel vm13, v19, v20;
	v28 =	vsel vm9, v22, v28  }
0x220: {  	v62 =	vld [tilespmem:$0x1FE80];
	v19 =	vsel vm3, $0x10, v55;
	vm3 =	vge.f32 v30, v34;
	v20 =	vsel vm2, $0x12, v57  }
0x221: {  	vm2 =	vge.f32 v50, v51;
	v22 =	vsel vm8, $0x14, v61;
	vm8 =	vge.f32 v24, v27;
	v55 =	vld [tilespmem:$0x1FEA0]  }
0x222: {  	v30 =	vsel vm3, v30, v34;
	v34 =	vsel vm3, v59, v38;
	v38 =	vsel vm2, v50, v51;
	v51 =	vld [tilespmem:$0x1FE90]  }
0x223: {  	v53 =	vsel vm13, v53, v54;
	v57 =	vimm.s32 $0x1B;
	v24 =	vsel vm8, v24, v27;
	v59 =	vld [tilespmem:$0x1FEC0]  }
0x224: {  	v19 =	vsel vm8, v19, v20;
	v20 =	vsel vm8, v21, v23;
	v54 =	vsel vm9, v56, v58;
	v58 =	vld [tilespmem:$0x1FEB0]  }
0x225: {  	v50 =	vsel vm2, v62, v63;
	v63 =	vsel vm5, $0x16, v60;
	vm5 =	vge.f32 v33, v42;
	v60 =	vld [tilespmem:$0x1FED0]  }
0x226: {  	vm8 =	veq.s32 v0, $0x35;
	v56 =	vimm.s32 $0x19;
	v23 =	vsel vm5, v33, v42  }
0x227: {  	v61 =	vld [tilespmem:$0x1FEE0];
	v21 =	vsel vm5, v22, v63;
	v22 =	vsel vm5, v41, v35;
	vm5 =	veq.s32 v0, $0x34  }
0x228: {  	v33 =	vsel vm8, $0xFF800000, v55;
	vm8 =	veq.s32 v0, $0x36;
	v27 =	vsel vm5, $0xFF800000, v51  }
0x229: {  	v62 =	vld [tilespmem:$0x1FEF0];
	vm5 =	veq.s32 v0, $0x37;
	v35 =	vsel vm8, $0xFF800000, v58;
	vm8 =	veq.s32 v0, $0x38  }
0x22a: {  	v63 =	vld [tilespmem:$0x1FF00];
	v55 =	vsel vm1, $0x18, v56;
	v41 =	vsel vm5, $0xFF800000, v59;
	v42 =	vsel vm8, $0xFF800000, v60  }
0x22b: {  	vm8 =	veq.s32 v0, $0x39;
	vm5 =	vge.f32 v35, v41;
	v60 =	vsel vm0, $0x1A, v57  }
0x22c: {  	vm0 =	vge.f32 v18, v17;
	v57 =	vimm.s32 $0x21;
	v51 =	vsel vm8, $0xFF800000, v61  }
0x22d: {  	vm8 =	vge.f32 v27, v33;
	v35 =	vsel vm5, v35, v41;
	v61 =	vimm.s32 $0x1D  }
0x22e: {  	v58 =	vld [tilespmem:$0x1FF10];
	v17 =	vsel vm0, v18, v17;
	v18 =	vsel vm0, v55, v60;
	v14 =	vsel vm0, v14, v15  }
0x22f: {  	v59 =	vld [tilespmem:$0x1FF20];
	vm0 =	vge.f32 v44, v36;
	v27 =	vsel vm8, v27, v33;
	v33 =	vsel vm8, v63, v62  }
0x230: {  	vm1 =	vge.f32 v42, v51;
	v60 =	vsel vm4, $0x1C, v61;
	v61 =	vimm.s32 $0x1F  }
0x231: {  	v62 =	vld [tilespmem:$0x1FF30];
	vm4 =	vge.f32 v32, v43;
	v26 =	vsel vm0, v26, v37;
	v42 =	vsel vm1, v42, v51  }
0x232: {  	v63 =	vld [tilespmem:$0x1FF40];
	v55 =	vsel vm7, $0x1E, v61;
	v15 =	vsel vm4, v32, v43;
	v43 =	vsel vm6, $0x20, v57  }
0x233: {  	v29 =	vsel vm4, v31, v29;
	v31 =	vsel vm0, v44, v36;
	v61 =	vimm.s32 $0x27  }
0x234: {  	v57 =	vimm.s32 $0x2D;
	vm7 =	vge.f32 v24, v23;
	v41 =	vsel vm5, v59, v58  }
0x235: {  	v32 =	vsel vm4, v60, v55;
	v59 =	vimm.s32 $0x2B;
	v60 =	vimm.s32 $0x29  }
0x236: {  	v44 =	vsel vm15, $0x26, v61;
	v55 =	vimm.s32 $0x2F;
	vm15 =	veq.s32 v0, $0x3D  }
0x237: {  	v56 =	vsel vm1, v62, v63;
	v62 =	vimm.s32 $0x25;
	v63 =	vimm.s32 $0x23  }
0x238: {  	v61 =	vld [tilespmem:$0x1FF80];
	v51 =	vsel vm11, $0x22, v63;
	vm11 =	vge.f32 v46, v48;
	v58 =	vsel vm14, $0x24, v62  }
0x239: {  	v62 =	vsel vm10, $0x28, v60;
	vm10 =	vge.f32 v39, v45;
	v63 =	vsel vm12, $0x2A, v59  }
0x23a: {  	vm12 =	veq.s32 v0, $0x3B;
	v59 =	vld [tilespmem:$0x1FF60];
	vm14 =	veq.s32 v0, $0x3C;
	v36 =	vsel vm0, v43, v51  }
0x23b: {  	v60 =	vld [tilespmem:$0x1FF70];
	v37 =	vsel vm11, v46, v48;
	v43 =	vsel vm11, v58, v44;
	v47 =	vsel vm11, v47, v49  }
0x23c: {  	v39 =	vsel vm10, v39, v45;
	v44 =	vsel vm10, v62, v63;
	v25 =	vsel vm10, v40, v25;
	v58 =	vld [tilespmem:$0x1FF50]  }
0x23d: {  	vm11 =	veq.s32 v0, $0x3A;
	v48 =	vsel vm15, $0xFF800000, v61;
	v62 =	vsel vm13, $0x2C, v57  }
0x23e: {  	vm10 =	vge.f32 v52, v28;
	v61 =	vimm.s32 $0x33;
	vm13 =	veq.s32 v0, $0x3F  }
0x23f: {  	v28 =	vsel vm10, v52, v28;
	v51 =	vsel vm10, v53, v54;
	v54 =	vimm.s32 $0x3B  }
0x240: {  	v63 =	vld [tilespmem:$0x1FF90];
	v45 =	vsel vm12, $0xFF800000, v59;
	v46 =	vsel vm14, $0xFF800000, v60;
	v59 =	vimm.s32 $0x31  }
0x241: {  	v57 =	vld [tilespmem:$0x1FFA0];
	vm12 =	veq.s32 v0, $0x3E;
	vm14 =	vge.f32 v27, v35;
	v40 =	vsel vm11, $0xFF800000, v58  }
0x242: {  	v58 =	vsel vm9, $0x2E, v55;
	vm0 =	vge.f32 v46, v48;
	vm11 =	vge.f32 v30, v38  }
0x243: {  	v60 =	vsel vm3, $0x30, v59;
	v27 =	vsel vm14, v27, v35;
	v33 =	vsel vm14, v33, v41  }
0x244: {  	vm4 =	vge.f32 v40, v45;
	v46 =	vsel vm0, v46, v48;
	v30 =	vsel vm11, v30, v38  }
0x245: {  	v34 =	vsel vm11, v34, v50;
	v2 =	vsel vm0, v2, v3;
	v40 =	vsel vm4, v40, v45  }
0x246: {  	v49 =	vsel vm4, v63, v57;
	v45 =	vsel vm10, v62, v58;
	v62 =	vsel vm2, $0x32, v61  }
0x247: {  	v63 =	vimm.s32 $0x35;
	v55 =	vsel vm4, $0x3A, v54;
	vm10 =	vge.f32 v13, v16  }
0x248: {  	v38 =	vsel vm11, v60, v62;
	v59 =	vsel vm8, $0x34, v63;
	v60 =	vimm.s32 $0x37  }
0x249: {  	v62 =	vimm.s32 $0x39;
	vm15 =	vge.f32 v42, v40;
	vm11 =	vge.f32 v31, v37  }
0x24a: {  	vm8 =	vge.f32 v39, v28;
	v61 =	vsel vm5, $0x36, v60;
	v53 =	vsel vm1, $0x38, v62  }
0x24b: {  	v57 =	vld [tilespmem:$0x1FFB0];
	v40 =	vsel vm15, v42, v40;
	v42 =	vsel vm15, v56, v49;
	v56 =	vsel vm10, v13, v16  }
0x24c: {  	v58 =	vld [tilespmem:$0x1FFC0];
	v49 =	vsel vm7, v20, v22;
	v54 =	vsel vm11, v26, v47;
	v3 =	vsel vm14, v59, v61  }
0x24d: {  	v41 =	vsel vm15, v53, v55;
	vm14 =	vge.f32 v17, v15;
	v59 =	vsel vm8, v39, v28  }
0x24e: {  	vm15 =	vge.f32 v30, v27;
	v28 =	vimm.s32 $0x3D;
	v53 =	vsel vm11, v36, v43  }
0x24f: {  	v52 =	vld [tilespmem:$0x1FFE0];
	v55 =	vsel vm8, v44, v45;
	v15 =	vsel vm14, v17, v15;
	v60 =	vsel vm15, v30, v27  }
0x250: {  	v63 =	vld [tilespmem:$0x1FFD0];
	v27 =	vimm.s32 $0x3F;
	v16 =	vsel vm0, $0x3C, v28;
	v3 =	vsel vm15, v38, v3  }
0x251: {  	v48 =	vsel vm12, $0xFF800000, v57;
	v50 =	vsel vm13, $0xFF800000, v58;
	vm13 =	vge.f32 v7, v8  }
0x252: {  	v57 =	vsel vm7, v24, v23;
	v58 =	vsel vm11, v31, v37;
	vm2 =	vge.f32 v48, v50  }
0x253: {  	v7 =	vsel vm13, v7, v8;
	vm5 =	vge.f32 v57, v15;
	vm1 =	vge.f32 v58, v59  }
0x254: {  	v4 =	vsel vm13, v6, v4;
	v1 =	vsel vm13, v1, v5;
	v48 =	vsel vm2, v48, v50  }
0x255: {  	v35 =	vsel vm2, v52, v63;
	vm9 =	vge.f32 v7, v56;
	v62 =	vsel vm5, v57, v15  }
0x256: {  	v63 =	vsel vm1, v58, v59;
	v37 =	vsel vm2, $0x3E, v27;
	v50 =	vsel vm14, v18, v32  }
0x257: {  	v52 =	vsel vm14, v14, v29;
	v57 =	vsel vm15, v34, v33;
	vm6 =	vge.f32 v46, v48  }
0x258: {  	v7 =	vsel vm9, v7, v56;
	v56 =	vsel vm8, v25, v51;
	v46 =	vsel vm6, v46, v48  }
0x259: {  	v58 =	vsel vm5, v49, v52;
	vm0 =	vge.f32 v7, v62;
	vm12 =	vge.f32 v40, v46  }
0x25a: {  	v39 =	vsel vm6, v16, v37;
	v2 =	vsel vm6, v2, v35;
	v61 =	vsel vm12, v40, v46  }
0x25b: {  	v48 =	vsel vm7, v19, v21;
	v59 =	vsel vm1, v54, v56;
	vm3 =	vge.f32 v60, v61  }
0x25c: {  	v7 =	vsel vm0, v7, v62;
	v8 =	vsel vm5, v48, v50;
	v30 =	vsel vm3, v60, v61;
	v61 =	vld [tilespmem:$0x1FFF0]  }
0x25d: {  	v40 =	vsel vm10, v9, v11;
	v46 =	vsel vm10, v10, v12;
	v2 =	vsel vm12, v42, v2  }
0x25e: {  	s31 =	sshll.u32 s18, $0x5;
	v4 =	vsel vm9, v4, v40;
	v1 =	vsel vm9, v1, v46;
	vm4 =	vge.f32 v63, v30  }
0x25f: {  	p0 =	sne.s32 s18, $0xF;
	s20 =	sand.u32 $0xFFFFFF00, s31;
	v2 =	vsel vm3, v57, v2;
	v1 =	vsel vm0, v1, v58;
	v31 =	vsel vm4, v63, v30  }
.Ltmp0:
0x260: {  	s19 =	sor.u32 s19, s20;
	s20 =	sor.u32 s20, s17;
	v2 =	vsel vm4, v59, v2;
	vm2 =	vge.f32 v7, v31;
	v7 =	vsel vm12, v41, v39;
	(pc) =	sbr.rel @p0 .LBB2_2-.Ltmp0, $4  }
0x261: {  	s20 =	sor.u32 $0x80, s20;
	v60 =	vsel vm1, v53, v55;
	v3 =	vsel vm3, v3, v7;
	v1 =	vsel vm2, v1, v2;
	[tilespmem:s19+$0x8000] =	vst v61  }
0x262: {  	v62 =	vsel vm0, v4, v8;
	v3 =	vsel vm4, v60, v3;
	[tilespmem:s20+$0x8000] =	vst v1  }
0x263: {  	v63 =	vsel vm2, v62, v3;
	[tilespmem:s19+$0x8200] =	vst v0  }
0x264: {  	s18 =	sadd.s32 $0x1, s18;
	s17 =	sadd.s32 $0x10, s17;
	[tilespmem:s20+$0x8200] =	vst v63  }
0x265: {  	[hbm4b:s6+s2] =	stream.linear.scatter [tilespmem:s14], [sflag:$0x1], $0x200, $0x38;
	[tilespmem:$0x8400] =	vst v63  }
0x266: {  	s16 =	sadd.s32 $0x1, s16;
	_ =	swait.ge [sflag:s11], $0x200  }
0x267: {  	p0 =	sne.s32 s16, s8;
	[sflag:s11] =	ssyncset.done $0x0  }
.Ltmp1:
0x268: {  	[sflag:s11] =	ssyncadd.s32 $0xFFFFFE00;
	(pc) =	sbr.rel @p0 .LBB2_1-.Ltmp1, $4  }
0x269: {  	[hbm4b:s7+s2] =	stream.linear.scatter [tilespmem:s15], [sflag:$0x1], $0x200, $0x38;
	[tilespmem:$0x8400] =	vst v63  }
0x26a: {  	_ =	swait.ge [sflag:s11], $0x200  }
0x26b: {  	[sflag:s11] =	ssyncset.done $0x0  }
0x26c: {  	[sflag:s11] =	ssyncadd.s32 $0xFFFFFE00  }
0x26d: {  	_ =	sfence.sel $0x180000  }
0x26e: {  	[bflag:$0x0] =	sbarrier.arrive $0xFFFF  }
0x26f: {  	p0 =	sne.s32 s1, $0x0;
	_ =	strace $0x90000047  }
0x270: {  	s0 =	sadd.s32 @!p0 $0x100000, s0;
	[bflag:$0x2] =	sbarrier.arrive $0xFFFF  }
0x271: {  	[sflag:s0] =	ssyncadd.tile.s32 @!p0 $0x1;
	_ =	shalt  }
.Lfunc_end2:
_tile_overlayer_lowered:
.L_overlay_start_2:
0x272: {  	(tag) =	ssettag $0x2  }
0x273: {  	s0 =	rddreg [dreg:$0x0];
	s2 =	stileid.u32  }
0x274: {  	s1 =	rddreg [dreg:$0x1];
	p0 =	sne.s32 s2, $0x0  }
0x275: {  	s3 =	rddreg [dreg:$0x2];
	[bflag:$0x3] =	sbarrier.arrive $0xFFFF;
	s2 =	simm.s32 @!p0 $0x1C01  }
0x276: {  	[timem:s3], [sflag:s2] =	dma.local @!p0 [hbm:s0], s1  }
0x277: {  	s0 =	simm.s32 @!p0 $0x1  }
0x278: {  	_ =	swait.ge @!p0 [sflag:s0], s1  }
0x279: {  	s1 =	ssub.s32 @!p0 $0x0, s1;
	[sflag:s0] =	ssyncset.done @!p0 $0x0  }
0x27a: {  	[sflag:s0] =	ssyncadd.s32 @!p0 s1  }
0x27b: {  	[bflag:$0x3] =	sbarrier.arrive $0xFFFF  }
0x27c: {  	_ =	shalt  }

</sc_bundles>
